<compile_context>
chip_gen: v7x
topology: tpu7x:2x2x1
jax: 0.10.2.dev20260603
libtpu: 0.0.44.dev20260713+nightly
codegen_flags: <defaults>
</compile_context>

<pallas_src>
import functools

import jax
import jax.numpy as jnp
from jax import lax
from jax.experimental import pallas as pl
from jax.experimental.pallas import tpu as pltpu
from jax.experimental.pallas import tpu_sc as plsc

NC = 2
NS = 16
LANES = 16
CHUNK = 128


def _sc_aggregate(x2, gidx2, dstp, zeros, ones, n_rows, h):
    ep = dstp.shape[0]
    epw = ep // NS
    nchunks = epw // CHUNK
    half = nchunks // 2
    nstg = 2
    sch = nchunks // nstg
    rpt = n_rows // NS

    mesh = plsc.VectorSubcoreMesh(core_axis_name="c", subcore_axis_name="s")

    @functools.partial(
        pl.kernel,
        out_type=[
            jax.ShapeDtypeStruct((NC * n_rows, h), jnp.float32),
            jax.ShapeDtypeStruct((NC * n_rows, h), jnp.float32),
        ],
        mesh=mesh,
    scratch_types=[
            pltpu.VMEM_SHARED((n_rows, h), jnp.float32),
            pltpu.VMEM((sch, 1, CHUNK), jnp.int32),
            pltpu.VMEM((CHUNK,), jnp.int32),
            pltpu.VMEM((CHUNK,), jnp.int32),
            pltpu.VMEM((CHUNK // LANES, LANES), jnp.int32),
            pltpu.VMEM((CHUNK, h), jnp.float32),
            pltpu.VMEM((CHUNK, h), jnp.float32),
            pltpu.SemaphoreType.DMA,
            pltpu.SemaphoreType.DMA,
        ],
    )
    def agg(x2_h, gidx2_h, dst_h, zeros_h, ones_h,
            sum_out, cnt_out,
            acc, gidx_all, dva, dvb, dst2_v, rows_a, rows_b, sem_a, sem_b):
        c = lax.axis_index("c")
        s = lax.axis_index("s")

        gtile = (c * ep + s * epw) // CHUNK
        ebase = s * epw
        obase = c * n_rows + s * rpt

        def scat(rows_v, dv):
            for j in range(CHUNK // LANES):
                dst2_v[j, :] = dv[pl.ds(j * LANES, LANES)]
            for j in range(CHUNK // LANES):
                pltpu.sync_copy(rows_v.at[pl.ds(j * LANES, LANES)],
                                acc.at[dst2_v.at[j]], add=True)

        pltpu.sync_copy(zeros_h, rows_a)

        def zbody(k, carry):
            pltpu.sync_copy(rows_a, acc.at[pl.ds(s * rpt + k * CHUNK, CHUNK)])
            return carry

        lax.fori_loop(0, rpt // CHUNK, zbody, 0)
        plsc.subcore_barrier()

        for st in range(nstg):
            pltpu.sync_copy(gidx2_h.at[pl.ds(gtile + st * sch, sch)], gidx_all)
            base_e = ebase + st * sch * CHUNK
            pltpu.sync_copy(dst_h.at[pl.ds(base_e, CHUNK)], dva)
            pltpu.async_copy(x2_h.at[gidx_all.at[0, 0]], rows_a, sem_a)

            def pair(i, carry):
                k0 = 2 * i
                pltpu.sync_copy(
                    dst_h.at[pl.ds(base_e + (k0 + 1) * CHUNK, CHUNK)], dvb)
                pltpu.async_copy(x2_h.at[gidx_all.at[k0 + 1, 0]], rows_b, sem_b)
                pltpu.make_async_copy(
                    x2_h.at[gidx_all.at[k0, 0]], rows_a, sem_a).wait()
                scat(rows_a, dva)

                @pl.when(k0 + 2 < sch)
                def _():
                    pltpu.sync_copy(
                        dst_h.at[pl.ds(base_e + (k0 + 2) * CHUNK, CHUNK)], dva)
                    pltpu.async_copy(
                        x2_h.at[gidx_all.at[k0 + 2, 0]], rows_a, sem_a)

                pltpu.make_async_copy(
                    x2_h.at[gidx_all.at[k0 + 1, 0]], rows_b, sem_b).wait()
                scat(rows_b, dvb)
                return carry

            lax.fori_loop(0, sch // 2, pair, 0)
        plsc.subcore_barrier()

        pltpu.sync_copy(zeros_h, rows_a)

        def wbody(k, carry):
            row = s * rpt + k * CHUNK
            pltpu.sync_copy(acc.at[pl.ds(row, CHUNK)], rows_b)
            pltpu.sync_copy(rows_b, sum_out.at[pl.ds(obase + k * CHUNK, CHUNK)])
            pltpu.sync_copy(rows_a, acc.at[pl.ds(row, CHUNK)])
            return carry

        lax.fori_loop(0, rpt // CHUNK, wbody, 0)
        pltpu.sync_copy(ones_h, rows_a)
        plsc.subcore_barrier()

        cbase = ebase + c * half * CHUNK
        pltpu.sync_copy(dst_h.at[pl.ds(cbase, CHUNK)], dva)

        def cpair(i, carry):
            k0 = 2 * i
            pltpu.async_copy(
                dst_h.at[pl.ds(cbase + (k0 + 1) * CHUNK, CHUNK)], dvb, sem_a)
            scat(rows_a, dva)
            pltpu.make_async_copy(
                dst_h.at[pl.ds(cbase + (k0 + 1) * CHUNK, CHUNK)], dvb,
                sem_a).wait()

            @pl.when(k0 + 2 < half)
            def _():
                pltpu.async_copy(
                    dst_h.at[pl.ds(cbase + (k0 + 2) * CHUNK, CHUNK)], dva,
                    sem_b)

            scat(rows_a, dvb)

            @pl.when(k0 + 2 < half)
            def _():
                pltpu.make_async_copy(
                    dst_h.at[pl.ds(cbase + (k0 + 2) * CHUNK, CHUNK)], dva,
                    sem_b).wait()

            return carry

        lax.fori_loop(0, half // 2, cpair, 0)
        plsc.subcore_barrier()

        def cwbody(k, carry):
            row = s * rpt + k * CHUNK
            pltpu.sync_copy(acc.at[pl.ds(row, CHUNK)], rows_b)
            pltpu.sync_copy(rows_b, cnt_out.at[pl.ds(obase + k * CHUNK, CHUNK)])
            return carry

        lax.fori_loop(0, rpt // CHUNK, cwbody, 0)

    return agg(x2, gidx2, dstp, zeros, ones)


def _dense_body(s0_ref, s1_ref, c0_ref, c1_ref, x_ref, wl_ref, wr_ref,
                b_ref, o_ref):
    cnt = jnp.maximum(c0_ref[:, 0:1] + c1_ref[:, 0:1], 1.0)
    mean = jnp.concatenate([s0_ref[...], s1_ref[...]], axis=1) / cnt
    acc = jnp.dot(mean, wl_ref[...], preferred_element_type=jnp.float32)
    acc = acc + jnp.dot(x_ref[...], wr_ref[...],
                        preferred_element_type=jnp.float32)
    acc = acc + b_ref[0:1, :]
    o_ref[...] = jnp.maximum(acc, 0.0)


def _tc_dense(sum0, sum1, cnt0, cnt1, x, wl_t, wr_t, b8):
    n, d = x.shape
    h = sum0.shape[1]
    blk = 1000
    grid = n // blk
    return pl.pallas_call(
        _dense_body,
        grid=(grid,),
        in_specs=[
            pl.BlockSpec((blk, h), lambda i: (i, 0)),
            pl.BlockSpec((blk, h), lambda i: (i, 0)),
            pl.BlockSpec((blk, h), lambda i: (i, 0)),
            pl.BlockSpec((blk, h), lambda i: (i, 0)),
            pl.BlockSpec((blk, d), lambda i: (i, 0)),
            pl.BlockSpec((d, d), lambda i: (0, 0)),
            pl.BlockSpec((d, d), lambda i: (0, 0)),
            pl.BlockSpec((8, d), lambda i: (0, 0)),
        ],
        out_specs=pl.BlockSpec((blk, d), lambda i: (i, 0)),
        out_shape=jax.ShapeDtypeStruct((n, d), jnp.float32),
    )(sum0, sum1, cnt0, cnt1, x, wl_t, wr_t, b8)


def kernel(x, edge_index, W_l, b_l, W_r):
    n_nodes, d = x.shape
    h = d // 2
    e = edge_index.shape[1]
    src = edge_index[0].astype(jnp.int32)
    dst = edge_index[1].astype(jnp.int32)

    step = NS * CHUNK
    ep = ((e + 2 * step - 1) // (2 * step)) * (2 * step)
    n_rows = ((n_nodes + 16 + step - 1) // step) * step
    pad = ep - e
    if pad:
        ar = jnp.arange(pad, dtype=jnp.int32)
        src = jnp.concatenate([src, (ar * 7919) % n_nodes])
        dst = jnp.concatenate([dst, n_nodes + ar % (n_rows - n_nodes)])

    x2 = x.reshape(2 * n_nodes, h)
    gidx2 = jnp.concatenate([src * 2, src * 2 + 1]).reshape(-1, 1, CHUNK)
    zeros = jnp.zeros((CHUNK, h), jnp.float32)
    ones = jnp.ones((CHUNK, h), jnp.float32)

    sum_cat, cnt_cat = _sc_aggregate(x2, gidx2, dst, zeros, ones, n_rows, h)
    sum0 = sum_cat[:n_nodes]
    sum1 = sum_cat[n_rows:n_rows + n_nodes]
    cnt0 = cnt_cat[:n_nodes]
    cnt1 = cnt_cat[n_rows:n_rows + n_nodes]
    return _tc_dense(sum0, sum1, cnt0, cnt1, x, W_l.T, W_r.T,
                     jnp.broadcast_to(b_l, (8, d)))

# --- scband reference (transcript-rebuilt; emitter-appended) ---
"""Pipeline reference for scband-graph-sagefull-model-47596827574318 (READ-ONLY COPY).

The authoritative reference and input builder live on the scoring server;
editing this copy changes nothing except your own understanding.
"""

import jax, jax.numpy as jnp
import numpy as np

N_NODES = 10000
N_EDGES = 160000
D_IN = 256
D_OUT = 256


def setup_inputs(seed: int = 0) -> dict:
    key = jax.random.key(seed)
    k1, k2, k3, k4 = jax.random.split(key, 4)
    x = jax.random.normal(k1, (N_NODES, D_IN), dtype=jnp.float32)
    edge_index = jax.random.randint(k2, (2, N_EDGES), 0, N_NODES, dtype=jnp.int64)
    # Xavier-uniform init for linear weights (shape [out, in], torch convention)
    limit = float(np.sqrt(6.0 / (D_IN + D_OUT)))
    W_l = jax.random.uniform(k3, (D_OUT, D_IN), minval=-limit, maxval=limit, dtype=jnp.float32)
    b_l = jnp.zeros((D_OUT,), dtype=jnp.float32)
    W_r = jax.random.uniform(k4, (D_OUT, D_IN), minval=-limit, maxval=limit, dtype=jnp.float32)
    return {"x": x, "edge_index": edge_index, "W_l": W_l, "b_l": b_l, "W_r": W_r}


def reference(x, edge_index, W_l, b_l, W_r):
    num_nodes = x.shape[0]
    num_edges = edge_index.shape[1]
    src = edge_index[0]
    dst = edge_index[1]
    # Stage 1-2: gather neighbor features (message = identity)
    messages = x[src]
    # Stage 3: scatter-add sum aggregation
    sum_agg = jax.ops.segment_sum(messages, dst, num_segments=num_nodes)
    # Stage 4: neighbor count via scatter-add of ones
    count = jax.ops.segment_sum(jnp.ones((num_edges,), dtype=x.dtype), dst, num_segments=num_nodes)
    # Stage 5: normalize to mean
    count = jnp.clip(count, 1.0)
    mean_agg = sum_agg / count[:, None]
    # Stage 6: linear transforms (lin_l has bias, lin_r has none)
    transformed = mean_agg @ W_l.T + b_l + x @ W_r.T
    # Stage 7: ReLU
    return jax.nn.relu(transformed)

if __name__ == "__main__":
    import jax
    _d = setup_inputs()
    print(jax.jit(kernel)(*tuple(_d.values())))

</pallas_src>

<mosaic_0001>
#map = affine_map<(d0, d1) -> (0, 0)>
#map1 = affine_map<(d0, d1) -> (0, 0, 0)>
#map2 = affine_map<(d0, d1) -> (0)>
module attributes {stable_mosaic.version = 14 : i64} {
  func.func @agg(%arg0: i32, %arg1: i32, %arg2: memref<20000x128xf32, #tpu.memory_space<hbm>>, %arg3: memref<2560x1x128xi32, #tpu.memory_space<hbm>>, %arg4: memref<163840xi32, #tpu.memory_space<hbm>>, %arg5: memref<128x128xf32, #tpu.memory_space<hbm>>, %arg6: memref<128x128xf32, #tpu.memory_space<hbm>>, %arg7: memref<20480x128xf32, #tpu.memory_space<hbm>>, %arg8: memref<20480x128xf32, #tpu.memory_space<hbm>>, %arg9: memref<10240x128xf32, #tpu.memory_space<vmem_shared>>, %arg10: memref<40x1x128xi32, #tpu.memory_space<vmem>>, %arg11: memref<128xi32, #tpu.memory_space<vmem>>, %arg12: memref<128xi32, #tpu.memory_space<vmem>>, %arg13: memref<8x16xi32, #tpu.memory_space<vmem>>, %arg14: memref<128x128xf32, #tpu.memory_space<vmem>>, %arg15: memref<128x128xf32, #tpu.memory_space<vmem>>, %arg16: memref<!tpu.dma_semaphore, #tpu.memory_space<semaphore_mem>>, %arg17: memref<!tpu.dma_semaphore, #tpu.memory_space<semaphore_mem>>) attributes {dimension_semantics = [#tpu.dimension_semantics<core_parallel>, #tpu.dimension_semantics<subcore_parallel>], iteration_bounds = array<i64: 2, 16>, scalar_prefetch = 0 : i64, scratch_operands = 9 : i64, tpu.core_type = #tpu.core_type<sc_vector_subcore>, window_params = [{transform_indices = #map}, {transform_indices = #map1}, {transform_indices = #map2}, {transform_indices = #map}, {transform_indices = #map}, {transform_indices = #map}, {transform_indices = #map}]} {
    %mul3A = arith.constant 163840 : i32
    %mul3A_0 = arith.muli %arg0, %mul3A : i32
    %mul3A_1 = arith.constant 10240 : i32
    %mul3A_2 = arith.muli %arg1, %mul3A_1 : i32
    %add3A = arith.addi %mul3A_0, %mul3A_2 : i32
    %jit3A = arith.constant 128 : i32
    %div3A = arith.divsi %add3A, %jit3A : i32
    %sign3A = arith.constant 0 : i32
    %sign3A_3 = arith.cmpi sgt, %add3A, %sign3A : i32
    %sign3A_4 = arith.extui %sign3A_3 : i1 to i32
    %sign3A_5 = arith.constant 0 : i32
    %sign3A_6 = arith.cmpi slt, %add3A, %sign3A_5 : i32
    %sign3A_7 = arith.extui %sign3A_6 : i1 to i32
    %sign3A_8 = arith.subi %sign3A_4, %sign3A_7 : i32
    %sign3A_9 = arith.constant 0 : i32
    %sign3A_10 = arith.cmpi sgt, %jit3A, %sign3A_9 : i32
    %sign3A_11 = arith.extui %sign3A_10 : i1 to i32
    %sign3A_12 = arith.constant 0 : i32
    %sign3A_13 = arith.cmpi slt, %jit3A, %sign3A_12 : i32
    %sign3A_14 = arith.extui %sign3A_13 : i1 to i32
    %sign3A_15 = arith.subi %sign3A_11, %sign3A_14 : i32
    %ne3A = arith.cmpi ne, %sign3A_8, %sign3A_15 : i32
    %rem3A = arith.remsi %add3A, %jit3A : i32
    %ne3A_16 = arith.constant 0 : i32
    %ne3A_17 = arith.cmpi ne, %rem3A, %ne3A_16 : i32
    %and3A = arith.andi %ne3A, %ne3A_17 : i1
    %sub3A = arith.constant 1 : i32
    %sub3A_18 = arith.subi %div3A, %sub3A : i32
    %select_n3A = arith.select %and3A, %sub3A_18, %div3A : i32
    %mul3A_19 = arith.constant 10240 : i32
    %mul3A_20 = arith.muli %arg1, %mul3A_19 : i32
    %mul3A_21 = arith.constant 10240 : i32
    %mul3A_22 = arith.muli %arg0, %mul3A_21 : i32
    %mul3A_23 = arith.constant 640 : i32
    %mul3A_24 = arith.muli %arg1, %mul3A_23 : i32
    %add3A_25 = arith.addi %mul3A_22, %mul3A_24 : i32
    "tpu.region"() ({
      %run_scoped3A = tpu.sem_alloc : memref<!tpu.dma_semaphore, #tpu.memory_space<semaphore_mem>>
      tpu.enqueue_dma source(%arg5 : memref<128x128xf32, #tpu.memory_space<hbm>>) target(%arg14 : memref<128x128xf32, #tpu.memory_space<vmem>>) target_semaphore(%run_scoped3A : memref<!tpu.dma_semaphore, #tpu.memory_space<semaphore_mem>>)
      tpu.wait_dma2 semaphore(%run_scoped3A : memref<!tpu.dma_semaphore, #tpu.memory_space<semaphore_mem>>) src(%arg5 : memref<128x128xf32, #tpu.memory_space<hbm>>) dst(%arg14 : memref<128x128xf32, #tpu.memory_space<vmem>>)
      tpu.yield
    }) : () -> ()
    %scan3A = arith.constant 0 : i32
    %scan3A_26 = arith.constant 0 : i32
    %scan3A_27 = arith.constant 5 : i32
    %scan3A_28 = arith.addi %scan3A_26, %scan3A_27 : i32
    %scan3A_29 = arith.constant 1 : i32
    scf.for %scan3A_92 = %scan3A_26 to %scan3A_28 step %scan3A_29  : i32 {
      %mul3A_93 = arith.constant 640 : i32
      %mul3A_94 = arith.muli %arg1, %mul3A_93 : i32
      %mul3A_95 = arith.constant 128 : i32
      %mul3A_96 = arith.muli %scan3A_92, %mul3A_95 : i32
      %add3A_97 = arith.addi %mul3A_94, %mul3A_96 : i32
      "tpu.region"() ({
        %run_scoped3A = tpu.sem_alloc : memref<!tpu.dma_semaphore, #tpu.memory_space<semaphore_mem>>
        %dma_start3A_98 = arith.constant 0 : i32
        %dma_start3A_99 = tpu.memref_slice %arg9[%add3A_97, %dma_start3A_98] : memref<10240x128xf32, #tpu.memory_space<vmem_shared>> -> memref<128x128xf32, #tpu.memory_space<vmem_shared>>
        %dma_start3A_100 = arith.constant 0 : i32
        %dma_start3A_101 = tpu.memref_slice %arg9[%add3A_97, %dma_start3A_100] : memref<10240x128xf32, #tpu.memory_space<vmem_shared>> -> memref<128x128xf32, #tpu.memory_space<vmem_shared>>
        tpu.enqueue_dma source(%arg14 : memref<128x128xf32, #tpu.memory_space<vmem>>) target(%dma_start3A_101 : memref<128x128xf32, #tpu.memory_space<vmem_shared>>) target_semaphore(%run_scoped3A : memref<!tpu.dma_semaphore, #tpu.memory_space<semaphore_mem>>)
        %dma_wait3A = arith.constant 0 : i32
        %dma_wait3A_102 = tpu.memref_slice %arg9[%add3A_97, %dma_wait3A] : memref<10240x128xf32, #tpu.memory_space<vmem_shared>> -> memref<128x128xf32, #tpu.memory_space<vmem_shared>>
        %dma_wait3A_103 = arith.constant 0 : i32
        %dma_wait3A_104 = tpu.memref_slice %arg9[%add3A_97, %dma_wait3A_103] : memref<10240x128xf32, #tpu.memory_space<vmem_shared>> -> memref<128x128xf32, #tpu.memory_space<vmem_shared>>
        tpu.wait_dma2 semaphore(%run_scoped3A : memref<!tpu.dma_semaphore, #tpu.memory_space<semaphore_mem>>) src(%arg14 : memref<128x128xf32, #tpu.memory_space<vmem>>) dst(%dma_wait3A_104 : memref<128x128xf32, #tpu.memory_space<vmem_shared>>)
        tpu.yield
      }) : () -> ()
    }
    %scan3A_30 = arith.constant 5 : i32
    %barrier3A = arith.constant 0 : index
    tpu.barrier barrier_id(%barrier3A)
    %add3A_31 = arith.constant 0 : i32
    %add3A_32 = arith.addi %select_n3A, %add3A_31 : i32
    "tpu.region"() ({
      %run_scoped3A = tpu.sem_alloc : memref<!tpu.dma_semaphore, #tpu.memory_space<semaphore_mem>>
      %dma_start3A_92 = arith.constant 0 : i32
      %dma_start3A_93 = arith.constant 0 : i32
      %dma_start3A_94 = tpu.memref_slice %arg3[%add3A_32, %dma_start3A_92, %dma_start3A_93] : memref<2560x1x128xi32, #tpu.memory_space<hbm>> -> memref<40x1x128xi32, #tpu.memory_space<hbm>>
      %dma_start3A_95 = arith.constant 0 : i32
      %dma_start3A_96 = arith.constant 0 : i32
      %dma_start3A_97 = tpu.memref_slice %arg3[%add3A_32, %dma_start3A_95, %dma_start3A_96] : memref<2560x1x128xi32, #tpu.memory_space<hbm>> -> memref<40x1x128xi32, #tpu.memory_space<hbm>>
      tpu.enqueue_dma source(%dma_start3A_97 : memref<40x1x128xi32, #tpu.memory_space<hbm>>) target(%arg10 : memref<40x1x128xi32, #tpu.memory_space<vmem>>) target_semaphore(%run_scoped3A : memref<!tpu.dma_semaphore, #tpu.memory_space<semaphore_mem>>)
      %dma_wait3A = arith.constant 0 : i32
      %dma_wait3A_98 = arith.constant 0 : i32
      %dma_wait3A_99 = tpu.memref_slice %arg3[%add3A_32, %dma_wait3A, %dma_wait3A_98] : memref<2560x1x128xi32, #tpu.memory_space<hbm>> -> memref<40x1x128xi32, #tpu.memory_space<hbm>>
      %dma_wait3A_100 = arith.constant 0 : i32
      %dma_wait3A_101 = arith.constant 0 : i32
      %dma_wait3A_102 = tpu.memref_slice %arg3[%add3A_32, %dma_wait3A_100, %dma_wait3A_101] : memref<2560x1x128xi32, #tpu.memory_space<hbm>> -> memref<40x1x128xi32, #tpu.memory_space<hbm>>
      tpu.wait_dma2 semaphore(%run_scoped3A : memref<!tpu.dma_semaphore, #tpu.memory_space<semaphore_mem>>) src(%dma_wait3A_102 : memref<40x1x128xi32, #tpu.memory_space<hbm>>) dst(%arg10 : memref<40x1x128xi32, #tpu.memory_space<vmem>>)
      tpu.yield
    }) : () -> ()
    %add3A_33 = arith.constant 0 : i32
    %add3A_34 = arith.addi %mul3A_20, %add3A_33 : i32
    "tpu.region"() ({
      %run_scoped3A = tpu.sem_alloc : memref<!tpu.dma_semaphore, #tpu.memory_space<semaphore_mem>>
      %dma_start3A_92 = tpu.memref_slice %arg4[%add3A_34] : memref<163840xi32, #tpu.memory_space<hbm>> -> memref<128xi32, #tpu.memory_space<hbm>>
      %dma_start3A_93 = tpu.memref_slice %arg4[%add3A_34] : memref<163840xi32, #tpu.memory_space<hbm>> -> memref<128xi32, #tpu.memory_space<hbm>>
      tpu.enqueue_dma source(%dma_start3A_93 : memref<128xi32, #tpu.memory_space<hbm>>) target(%arg11 : memref<128xi32, #tpu.memory_space<vmem>>) target_semaphore(%run_scoped3A : memref<!tpu.dma_semaphore, #tpu.memory_space<semaphore_mem>>)
      %dma_wait3A = tpu.memref_slice %arg4[%add3A_34] : memref<163840xi32, #tpu.memory_space<hbm>> -> memref<128xi32, #tpu.memory_space<hbm>>
      %dma_wait3A_94 = tpu.memref_slice %arg4[%add3A_34] : memref<163840xi32, #tpu.memory_space<hbm>> -> memref<128xi32, #tpu.memory_space<hbm>>
      tpu.wait_dma2 semaphore(%run_scoped3A : memref<!tpu.dma_semaphore, #tpu.memory_space<semaphore_mem>>) src(%dma_wait3A_94 : memref<128xi32, #tpu.memory_space<hbm>>) dst(%arg11 : memref<128xi32, #tpu.memory_space<vmem>>)
      tpu.yield
    }) : () -> ()
    %dma_start3A = arith.constant 0 : i32
    %dma_start3A_35 = arith.constant 0 : i32
    %dma_start3A_36 = arith.constant 0 : i32
    %dma_start3A_37 = tpu.memref_slice %arg10[%dma_start3A, %dma_start3A_35, %dma_start3A_36] : memref<40x1x128xi32, #tpu.memory_space<vmem>> -> memref<1x1x128xi32, #tpu.memory_space<vmem>>
    %dma_start3A_38 = tpu.memref_squeeze %dma_start3A_37 : memref<1x1x128xi32, #tpu.memory_space<vmem>> -> memref<128xi32, #tpu.memory_space<vmem>>
    %dma_start3A_39 = arith.constant 0 : i32
    %dma_start3A_40 = arith.constant 0 : i32
    %dma_start3A_41 = tpu.memref_slice %arg2[%dma_start3A_39, %dma_start3A_40] : memref<20000x128xf32, #tpu.memory_space<hbm>> -> memref<20000x128xf32, #tpu.memory_space<hbm>>
    tpu.enqueue_indirect_dma source(%dma_start3A_41 : memref<20000x128xf32, #tpu.memory_space<hbm>>) target(%arg14 : memref<128x128xf32, #tpu.memory_space<vmem>>) offsets(%dma_start3A_38 : memref<128xi32, #tpu.memory_space<vmem>>) semaphore(%arg16 : memref<!tpu.dma_semaphore, #tpu.memory_space<semaphore_mem>>)
    %scan3A_42 = arith.constant 0 : i32
    %scan3A_43 = arith.constant 0 : i32
    %scan3A_44 = arith.constant 20 : i32
    %scan3A_45 = arith.addi %scan3A_43, %scan3A_44 : i32
    %scan3A_46 = arith.constant 1 : i32
    scf.for %scan3A_92 = %scan3A_43 to %scan3A_45 step %scan3A_46  : i32 {
      %mul3A_93 = arith.constant 2 : i32
      %mul3A_94 = arith.muli %mul3A_93, %scan3A_92 : i32
      %add3A_95 = arith.constant 1 : i32
      %add3A_96 = arith.addi %mul3A_94, %add3A_95 : i32
      %mul3A_97 = arith.constant 128 : i32
      %mul3A_98 = arith.muli %add3A_96, %mul3A_97 : i32
      %add3A_99 = arith.addi %add3A_34, %mul3A_98 : i32
      "tpu.region"() ({
        %run_scoped3A_285 = tpu.sem_alloc : memref<!tpu.dma_semaphore, #tpu.memory_space<semaphore_mem>>
        %dma_start3A_286 = tpu.memref_slice %arg4[%add3A_99] : memref<163840xi32, #tpu.memory_space<hbm>> -> memref<128xi32, #tpu.memory_space<hbm>>
        %dma_start3A_287 = tpu.memref_slice %arg4[%add3A_99] : memref<163840xi32, #tpu.memory_space<hbm>> -> memref<128xi32, #tpu.memory_space<hbm>>
        tpu.enqueue_dma source(%dma_start3A_287 : memref<128xi32, #tpu.memory_space<hbm>>) target(%arg12 : memref<128xi32, #tpu.memory_space<vmem>>) target_semaphore(%run_scoped3A_285 : memref<!tpu.dma_semaphore, #tpu.memory_space<semaphore_mem>>)
        %dma_wait3A_288 = tpu.memref_slice %arg4[%add3A_99] : memref<163840xi32, #tpu.memory_space<hbm>> -> memref<128xi32, #tpu.memory_space<hbm>>
        %dma_wait3A_289 = tpu.memref_slice %arg4[%add3A_99] : memref<163840xi32, #tpu.memory_space<hbm>> -> memref<128xi32, #tpu.memory_space<hbm>>
        tpu.wait_dma2 semaphore(%run_scoped3A_285 : memref<!tpu.dma_semaphore, #tpu.memory_space<semaphore_mem>>) src(%dma_wait3A_289 : memref<128xi32, #tpu.memory_space<hbm>>) dst(%arg12 : memref<128xi32, #tpu.memory_space<vmem>>)
        tpu.yield
      }) : () -> ()
      %add3A_100 = arith.constant 1 : i32
      %add3A_101 = arith.addi %mul3A_94, %add3A_100 : i32
      %dma_start3A_102 = arith.constant 0 : i32
      %dma_start3A_103 = arith.constant 0 : i32
      %dma_start3A_104 = tpu.memref_slice %arg10[%add3A_101, %dma_start3A_102, %dma_start3A_103] : memref<40x1x128xi32, #tpu.memory_space<vmem>> -> memref<1x1x128xi32, #tpu.memory_space<vmem>>
      %dma_start3A_105 = tpu.memref_squeeze %dma_start3A_104 : memref<1x1x128xi32, #tpu.memory_space<vmem>> -> memref<128xi32, #tpu.memory_space<vmem>>
      %dma_start3A_106 = arith.constant 0 : i32
      %dma_start3A_107 = arith.constant 0 : i32
      %dma_start3A_108 = tpu.memref_slice %arg2[%dma_start3A_106, %dma_start3A_107] : memref<20000x128xf32, #tpu.memory_space<hbm>> -> memref<20000x128xf32, #tpu.memory_space<hbm>>
      tpu.enqueue_indirect_dma source(%dma_start3A_108 : memref<20000x128xf32, #tpu.memory_space<hbm>>) target(%arg15 : memref<128x128xf32, #tpu.memory_space<vmem>>) offsets(%dma_start3A_105 : memref<128xi32, #tpu.memory_space<vmem>>) semaphore(%arg17 : memref<!tpu.dma_semaphore, #tpu.memory_space<semaphore_mem>>)
      %dma_wait3A = arith.constant 0 : i32
      %dma_wait3A_109 = arith.constant 0 : i32
      %dma_wait3A_110 = tpu.memref_slice %arg10[%mul3A_94, %dma_wait3A, %dma_wait3A_109] : memref<40x1x128xi32, #tpu.memory_space<vmem>> -> memref<1x1x128xi32, #tpu.memory_space<vmem>>
      %dma_wait3A_111 = tpu.memref_squeeze %dma_wait3A_110 : memref<1x1x128xi32, #tpu.memory_space<vmem>> -> memref<128xi32, #tpu.memory_space<vmem>>
      %dma_wait3A_112 = arith.constant 0 : i32
      %dma_wait3A_113 = arith.constant 0 : i32
      %dma_wait3A_114 = tpu.memref_slice %arg2[%dma_wait3A_112, %dma_wait3A_113] : memref<20000x128xf32, #tpu.memory_space<hbm>> -> memref<20000x128xf32, #tpu.memory_space<hbm>>
      tpu.wait_indirect_dma semaphore(%arg16 : memref<!tpu.dma_semaphore, #tpu.memory_space<semaphore_mem>>) src(%dma_wait3A_114 : memref<20000x128xf32, #tpu.memory_space<hbm>>) dst(%arg14 : memref<128x128xf32, #tpu.memory_space<vmem>>)
      %get3A = arith.constant 0 : index
      %get3A_115 = tpu.vector_load %arg11[%get3A] {strides = array<i32>} : memref<128xi32, #tpu.memory_space<vmem>>, vector<16xi32>,
      %get3A_116 = vector.shape_cast %get3A_115 : vector<16xi32> to vector<16xi32>
      %swap3A = arith.constant 0 : i32
      %swap3A_117 = arith.index_cast %swap3A : i32 to index
      %swap3A_118 = arith.constant 0 : index
      %swap3A_119 = tpu.vector_load %arg13[%swap3A_117, %swap3A_118] {strides = array<i32>} : memref<8x16xi32, #tpu.memory_space<vmem>>, vector<1x16xi32>,
      %swap3A_120 = vector.shape_cast %swap3A_119 : vector<1x16xi32> to vector<16xi32>
      %swap3A_121 = vector.shape_cast %get3A_116 : vector<16xi32> to vector<1x16xi32>
      tpu.vector_store %arg13[%swap3A_117, %swap3A_118], %swap3A_121 {strides = array<i32>} : memref<8x16xi32, #tpu.memory_space<vmem>>, vector<1x16xi32>,
      %get3A_122 = arith.constant 16 : index
      %get3A_123 = tpu.vector_load %arg11[%get3A_122] {strides = array<i32>} : memref<128xi32, #tpu.memory_space<vmem>>, vector<16xi32>,
      %get3A_124 = vector.shape_cast %get3A_123 : vector<16xi32> to vector<16xi32>
      %swap3A_125 = arith.constant 1 : i32
      %swap3A_126 = arith.index_cast %swap3A_125 : i32 to index
      %swap3A_127 = arith.constant 0 : index
      %swap3A_128 = tpu.vector_load %arg13[%swap3A_126, %swap3A_127] {strides = array<i32>} : memref<8x16xi32, #tpu.memory_space<vmem>>, vector<1x16xi32>,
      %swap3A_129 = vector.shape_cast %swap3A_128 : vector<1x16xi32> to vector<16xi32>
      %swap3A_130 = vector.shape_cast %get3A_124 : vector<16xi32> to vector<1x16xi32>
      tpu.vector_store %arg13[%swap3A_126, %swap3A_127], %swap3A_130 {strides = array<i32>} : memref<8x16xi32, #tpu.memory_space<vmem>>, vector<1x16xi32>,
      %get3A_131 = arith.constant 32 : index
      %get3A_132 = tpu.vector_load %arg11[%get3A_131] {strides = array<i32>} : memref<128xi32, #tpu.memory_space<vmem>>, vector<16xi32>,
      %get3A_133 = vector.shape_cast %get3A_132 : vector<16xi32> to vector<16xi32>
      %swap3A_134 = arith.constant 2 : i32
      %swap3A_135 = arith.index_cast %swap3A_134 : i32 to index
      %swap3A_136 = arith.constant 0 : index
      %swap3A_137 = tpu.vector_load %arg13[%swap3A_135, %swap3A_136] {strides = array<i32>} : memref<8x16xi32, #tpu.memory_space<vmem>>, vector<1x16xi32>,
      %swap3A_138 = vector.shape_cast %swap3A_137 : vector<1x16xi32> to vector<16xi32>
      %swap3A_139 = vector.shape_cast %get3A_133 : vector<16xi32> to vector<1x16xi32>
      tpu.vector_store %arg13[%swap3A_135, %swap3A_136], %swap3A_139 {strides = array<i32>} : memref<8x16xi32, #tpu.memory_space<vmem>>, vector<1x16xi32>,
      %get3A_140 = arith.constant 48 : index
      %get3A_141 = tpu.vector_load %arg11[%get3A_140] {strides = array<i32>} : memref<128xi32, #tpu.memory_space<vmem>>, vector<16xi32>,
      %get3A_142 = vector.shape_cast %get3A_141 : vector<16xi32> to vector<16xi32>
      %swap3A_143 = arith.constant 3 : i32
      %swap3A_144 = arith.index_cast %swap3A_143 : i32 to index
      %swap3A_145 = arith.constant 0 : index
      %swap3A_146 = tpu.vector_load %arg13[%swap3A_144, %swap3A_145] {strides = array<i32>} : memref<8x16xi32, #tpu.memory_space<vmem>>, vector<1x16xi32>,
      %swap3A_147 = vector.shape_cast %swap3A_146 : vector<1x16xi32> to vector<16xi32>
      %swap3A_148 = vector.shape_cast %get3A_142 : vector<16xi32> to vector<1x16xi32>
      tpu.vector_store %arg13[%swap3A_144, %swap3A_145], %swap3A_148 {strides = array<i32>} : memref<8x16xi32, #tpu.memory_space<vmem>>, vector<1x16xi32>,
      %get3A_149 = arith.constant 64 : index
      %get3A_150 = tpu.vector_load %arg11[%get3A_149] {strides = array<i32>} : memref<128xi32, #tpu.memory_space<vmem>>, vector<16xi32>,
      %get3A_151 = vector.shape_cast %get3A_150 : vector<16xi32> to vector<16xi32>
      %swap3A_152 = arith.constant 4 : i32
      %swap3A_153 = arith.index_cast %swap3A_152 : i32 to index
      %swap3A_154 = arith.constant 0 : index
      %swap3A_155 = tpu.vector_load %arg13[%swap3A_153, %swap3A_154] {strides = array<i32>} : memref<8x16xi32, #tpu.memory_space<vmem>>, vector<1x16xi32>,
      %swap3A_156 = vector.shape_cast %swap3A_155 : vector<1x16xi32> to vector<16xi32>
      %swap3A_157 = vector.shape_cast %get3A_151 : vector<16xi32> to vector<1x16xi32>
      tpu.vector_store %arg13[%swap3A_153, %swap3A_154], %swap3A_157 {strides = array<i32>} : memref<8x16xi32, #tpu.memory_space<vmem>>, vector<1x16xi32>,
      %get3A_158 = arith.constant 80 : index
      %get3A_159 = tpu.vector_load %arg11[%get3A_158] {strides = array<i32>} : memref<128xi32, #tpu.memory_space<vmem>>, vector<16xi32>,
      %get3A_160 = vector.shape_cast %get3A_159 : vector<16xi32> to vector<16xi32>
      %swap3A_161 = arith.constant 5 : i32
      %swap3A_162 = arith.index_cast %swap3A_161 : i32 to index
      %swap3A_163 = arith.constant 0 : index
      %swap3A_164 = tpu.vector_load %arg13[%swap3A_162, %swap3A_163] {strides = array<i32>} : memref<8x16xi32, #tpu.memory_space<vmem>>, vector<1x16xi32>,
      %swap3A_165 = vector.shape_cast %swap3A_164 : vector<1x16xi32> to vector<16xi32>
      %swap3A_166 = vector.shape_cast %get3A_160 : vector<16xi32> to vector<1x16xi32>
      tpu.vector_store %arg13[%swap3A_162, %swap3A_163], %swap3A_166 {strides = array<i32>} : memref<8x16xi32, #tpu.memory_space<vmem>>, vector<1x16xi32>,
      %get3A_167 = arith.constant 96 : index
      %get3A_168 = tpu.vector_load %arg11[%get3A_167] {strides = array<i32>} : memref<128xi32, #tpu.memory_space<vmem>>, vector<16xi32>,
      %get3A_169 = vector.shape_cast %get3A_168 : vector<16xi32> to vector<16xi32>
      %swap3A_170 = arith.constant 6 : i32
      %swap3A_171 = arith.index_cast %swap3A_170 : i32 to index
      %swap3A_172 = arith.constant 0 : index
      %swap3A_173 = tpu.vector_load %arg13[%swap3A_171, %swap3A_172] {strides = array<i32>} : memref<8x16xi32, #tpu.memory_space<vmem>>, vector<1x16xi32>,
      %swap3A_174 = vector.shape_cast %swap3A_173 : vector<1x16xi32> to vector<16xi32>
      %swap3A_175 = vector.shape_cast %get3A_169 : vector<16xi32> to vector<1x16xi32>
      tpu.vector_store %arg13[%swap3A_171, %swap3A_172], %swap3A_175 {strides = array<i32>} : memref<8x16xi32, #tpu.memory_space<vmem>>, vector<1x16xi32>,
      %get3A_176 = arith.constant 112 : index
      %get3A_177 = tpu.vector_load %arg11[%get3A_176] {strides = array<i32>} : memref<128xi32, #tpu.memory_space<vmem>>, vector<16xi32>,
      %get3A_178 = vector.shape_cast %get3A_177 : vector<16xi32> to vector<16xi32>
      %swap3A_179 = arith.constant 7 : i32
      %swap3A_180 = arith.index_cast %swap3A_179 : i32 to index
      %swap3A_181 = arith.constant 0 : index
      %swap3A_182 = tpu.vector_load %arg13[%swap3A_180, %swap3A_181] {strides = array<i32>} : memref<8x16xi32, #tpu.memory_space<vmem>>, vector<1x16xi32>,
      %swap3A_183 = vector.shape_cast %swap3A_182 : vector<1x16xi32> to vector<16xi32>
      %swap3A_184 = vector.shape_cast %get3A_178 : vector<16xi32> to vector<1x16xi32>
      tpu.vector_store %arg13[%swap3A_180, %swap3A_181], %swap3A_184 {strides = array<i32>} : memref<8x16xi32, #tpu.memory_space<vmem>>, vector<1x16xi32>,
      %run_scoped3A = arith.constant 0 : i32
      "tpu.region"() ({
        %run_scoped3A_285 = tpu.sem_alloc : memref<!tpu.dma_semaphore, #tpu.memory_space<semaphore_mem>>
        %dma_start3A_286 = arith.constant 0 : i32
        %dma_start3A_287 = arith.constant 0 : i32
        %dma_start3A_288 = tpu.memref_slice %arg14[%dma_start3A_286, %dma_start3A_287] : memref<128x128xf32, #tpu.memory_space<vmem>> -> memref<16x128xf32, #tpu.memory_space<vmem>>
        %dma_start3A_289 = arith.constant 0 : i32
        %dma_start3A_290 = tpu.memref_slice %arg13[%run_scoped3A, %dma_start3A_289] : memref<8x16xi32, #tpu.memory_space<vmem>> -> memref<1x16xi32, #tpu.memory_space<vmem>>
        %dma_start3A_291 = tpu.memref_squeeze %dma_start3A_290 : memref<1x16xi32, #tpu.memory_space<vmem>> -> memref<16xi32, #tpu.memory_space<vmem>>
        %dma_start3A_292 = arith.constant 0 : i32
        %dma_start3A_293 = arith.constant 0 : i32
        %dma_start3A_294 = tpu.memref_slice %arg9[%dma_start3A_292, %dma_start3A_293] : memref<10240x128xf32, #tpu.memory_space<vmem_shared>> -> memref<10240x128xf32, #tpu.memory_space<vmem_shared>>
        tpu.enqueue_indirect_dma source(%dma_start3A_288 : memref<16x128xf32, #tpu.memory_space<vmem>>) target(%dma_start3A_294 : memref<10240x128xf32, #tpu.memory_space<vmem_shared>>) offsets(%dma_start3A_291 : memref<16xi32, #tpu.memory_space<vmem>>) semaphore(%run_scoped3A_285 : memref<!tpu.dma_semaphore, #tpu.memory_space<semaphore_mem>>) {add = true}
        %dma_wait3A_295 = arith.constant 0 : i32
        %dma_wait3A_296 = arith.constant 0 : i32
        %dma_wait3A_297 = tpu.memref_slice %arg14[%dma_wait3A_295, %dma_wait3A_296] : memref<128x128xf32, #tpu.memory_space<vmem>> -> memref<16x128xf32, #tpu.memory_space<vmem>>
        %dma_wait3A_298 = arith.constant 0 : i32
        %dma_wait3A_299 = tpu.memref_slice %arg13[%run_scoped3A, %dma_wait3A_298] : memref<8x16xi32, #tpu.memory_space<vmem>> -> memref<1x16xi32, #tpu.memory_space<vmem>>
        %dma_wait3A_300 = tpu.memref_squeeze %dma_wait3A_299 : memref<1x16xi32, #tpu.memory_space<vmem>> -> memref<16xi32, #tpu.memory_space<vmem>>
        %dma_wait3A_301 = arith.constant 0 : i32
        %dma_wait3A_302 = arith.constant 0 : i32
        %dma_wait3A_303 = tpu.memref_slice %arg9[%dma_wait3A_301, %dma_wait3A_302] : memref<10240x128xf32, #tpu.memory_space<vmem_shared>> -> memref<10240x128xf32, #tpu.memory_space<vmem_shared>>
        tpu.wait_indirect_dma semaphore(%run_scoped3A_285 : memref<!tpu.dma_semaphore, #tpu.memory_space<semaphore_mem>>) src(%dma_wait3A_297 : memref<16x128xf32, #tpu.memory_space<vmem>>) dst(%dma_wait3A_303 : memref<10240x128xf32, #tpu.memory_space<vmem_shared>>)
        tpu.yield
      }) : () -> ()
      %run_scoped3A_185 = arith.constant 1 : i32
      "tpu.region"() ({
        %run_scoped3A_285 = tpu.sem_alloc : memref<!tpu.dma_semaphore, #tpu.memory_space<semaphore_mem>>
        %dma_start3A_286 = arith.constant 16 : i32
        %dma_start3A_287 = arith.constant 0 : i32
        %dma_start3A_288 = tpu.memref_slice %arg14[%dma_start3A_286, %dma_start3A_287] : memref<128x128xf32, #tpu.memory_space<vmem>> -> memref<16x128xf32, #tpu.memory_space<vmem>>
        %dma_start3A_289 = arith.constant 0 : i32
        %dma_start3A_290 = tpu.memref_slice %arg13[%run_scoped3A_185, %dma_start3A_289] : memref<8x16xi32, #tpu.memory_space<vmem>> -> memref<1x16xi32, #tpu.memory_space<vmem>>
        %dma_start3A_291 = tpu.memref_squeeze %dma_start3A_290 : memref<1x16xi32, #tpu.memory_space<vmem>> -> memref<16xi32, #tpu.memory_space<vmem>>
        %dma_start3A_292 = arith.constant 0 : i32
        %dma_start3A_293 = arith.constant 0 : i32
        %dma_start3A_294 = tpu.memref_slice %arg9[%dma_start3A_292, %dma_start3A_293] : memref<10240x128xf32, #tpu.memory_space<vmem_shared>> -> memref<10240x128xf32, #tpu.memory_space<vmem_shared>>
        tpu.enqueue_indirect_dma source(%dma_start3A_288 : memref<16x128xf32, #tpu.memory_space<vmem>>) target(%dma_start3A_294 : memref<10240x128xf32, #tpu.memory_space<vmem_shared>>) offsets(%dma_start3A_291 : memref<16xi32, #tpu.memory_space<vmem>>) semaphore(%run_scoped3A_285 : memref<!tpu.dma_semaphore, #tpu.memory_space<semaphore_mem>>) {add = true}
        %dma_wait3A_295 = arith.constant 16 : i32
        %dma_wait3A_296 = arith.constant 0 : i32
        %dma_wait3A_297 = tpu.memref_slice %arg14[%dma_wait3A_295, %dma_wait3A_296] : memref<128x128xf32, #tpu.memory_space<vmem>> -> memref<16x128xf32, #tpu.memory_space<vmem>>
        %dma_wait3A_298 = arith.constant 0 : i32
        %dma_wait3A_299 = tpu.memref_slice %arg13[%run_scoped3A_185, %dma_wait3A_298] : memref<8x16xi32, #tpu.memory_space<vmem>> -> memref<1x16xi32, #tpu.memory_space<vmem>>
        %dma_wait3A_300 = tpu.memref_squeeze %dma_wait3A_299 : memref<1x16xi32, #tpu.memory_space<vmem>> -> memref<16xi32, #tpu.memory_space<vmem>>
        %dma_wait3A_301 = arith.constant 0 : i32
        %dma_wait3A_302 = arith.constant 0 : i32
        %dma_wait3A_303 = tpu.memref_slice %arg9[%dma_wait3A_301, %dma_wait3A_302] : memref<10240x128xf32, #tpu.memory_space<vmem_shared>> -> memref<10240x128xf32, #tpu.memory_space<vmem_shared>>
        tpu.wait_indirect_dma semaphore(%run_scoped3A_285 : memref<!tpu.dma_semaphore, #tpu.memory_space<semaphore_mem>>) src(%dma_wait3A_297 : memref<16x128xf32, #tpu.memory_space<vmem>>) dst(%dma_wait3A_303 : memref<10240x128xf32, #tpu.memory_space<vmem_shared>>)
        tpu.yield
      }) : () -> ()
      %run_scoped3A_186 = arith.constant 2 : i32
      "tpu.region"() ({
        %run_scoped3A_285 = tpu.sem_alloc : memref<!tpu.dma_semaphore, #tpu.memory_space<semaphore_mem>>
        %dma_start3A_286 = arith.constant 32 : i32
        %dma_start3A_287 = arith.constant 0 : i32
        %dma_start3A_288 = tpu.memref_slice %arg14[%dma_start3A_286, %dma_start3A_287] : memref<128x128xf32, #tpu.memory_space<vmem>> -> memref<16x128xf32, #tpu.memory_space<vmem>>
        %dma_start3A_289 = arith.constant 0 : i32
        %dma_start3A_290 = tpu.memref_slice %arg13[%run_scoped3A_186, %dma_start3A_289] : memref<8x16xi32, #tpu.memory_space<vmem>> -> memref<1x16xi32, #tpu.memory_space<vmem>>
        %dma_start3A_291 = tpu.memref_squeeze %dma_start3A_290 : memref<1x16xi32, #tpu.memory_space<vmem>> -> memref<16xi32, #tpu.memory_space<vmem>>
        %dma_start3A_292 = arith.constant 0 : i32
        %dma_start3A_293 = arith.constant 0 : i32
        %dma_start3A_294 = tpu.memref_slice %arg9[%dma_start3A_292, %dma_start3A_293] : memref<10240x128xf32, #tpu.memory_space<vmem_shared>> -> memref<10240x128xf32, #tpu.memory_space<vmem_shared>>
        tpu.enqueue_indirect_dma source(%dma_start3A_288 : memref<16x128xf32, #tpu.memory_space<vmem>>) target(%dma_start3A_294 : memref<10240x128xf32, #tpu.memory_space<vmem_shared>>) offsets(%dma_start3A_291 : memref<16xi32, #tpu.memory_space<vmem>>) semaphore(%run_scoped3A_285 : memref<!tpu.dma_semaphore, #tpu.memory_space<semaphore_mem>>) {add = true}
        %dma_wait3A_295 = arith.constant 32 : i32
        %dma_wait3A_296 = arith.constant 0 : i32
        %dma_wait3A_297 = tpu.memref_slice %arg14[%dma_wait3A_295, %dma_wait3A_296] : memref<128x128xf32, #tpu.memory_space<vmem>> -> memref<16x128xf32, #tpu.memory_space<vmem>>
        %dma_wait3A_298 = arith.constant 0 : i32
        %dma_wait3A_299 = tpu.memref_slice %arg13[%run_scoped3A_186, %dma_wait3A_298] : memref<8x16xi32, #tpu.memory_space<vmem>> -> memref<1x16xi32, #tpu.memory_space<vmem>>
        %dma_wait3A_300 = tpu.memref_squeeze %dma_wait3A_299 : memref<1x16xi32, #tpu.memory_space<vmem>> -> memref<16xi32, #tpu.memory_space<vmem>>
        %dma_wait3A_301 = arith.constant 0 : i32
        %dma_wait3A_302 = arith.constant 0 : i32
        %dma_wait3A_303 = tpu.memref_slice %arg9[%dma_wait3A_301, %dma_wait3A_302] : memref<10240x128xf32, #tpu.memory_space<vmem_shared>> -> memref<10240x128xf32, #tpu.memory_space<vmem_shared>>
        tpu.wait_indirect_dma semaphore(%run_scoped3A_285 : memref<!tpu.dma_semaphore, #tpu.memory_space<semaphore_mem>>) src(%dma_wait3A_297 : memref<16x128xf32, #tpu.memory_space<vmem>>) dst(%dma_wait3A_303 : memref<10240x128xf32, #tpu.memory_space<vmem_shared>>)
        tpu.yield
      }) : () -> ()
      %run_scoped3A_187 = arith.constant 3 : i32
      "tpu.region"() ({
        %run_scoped3A_285 = tpu.sem_alloc : memref<!tpu.dma_semaphore, #tpu.memory_space<semaphore_mem>>
        %dma_start3A_286 = arith.constant 48 : i32
        %dma_start3A_287 = arith.constant 0 : i32
        %dma_start3A_288 = tpu.memref_slice %arg14[%dma_start3A_286, %dma_start3A_287] : memref<128x128xf32, #tpu.memory_space<vmem>> -> memref<16x128xf32, #tpu.memory_space<vmem>>
        %dma_start3A_289 = arith.constant 0 : i32
        %dma_start3A_290 = tpu.memref_slice %arg13[%run_scoped3A_187, %dma_start3A_289] : memref<8x16xi32, #tpu.memory_space<vmem>> -> memref<1x16xi32, #tpu.memory_space<vmem>>
        %dma_start3A_291 = tpu.memref_squeeze %dma_start3A_290 : memref<1x16xi32, #tpu.memory_space<vmem>> -> memref<16xi32, #tpu.memory_space<vmem>>
        %dma_start3A_292 = arith.constant 0 : i32
        %dma_start3A_293 = arith.constant 0 : i32
        %dma_start3A_294 = tpu.memref_slice %arg9[%dma_start3A_292, %dma_start3A_293] : memref<10240x128xf32, #tpu.memory_space<vmem_shared>> -> memref<10240x128xf32, #tpu.memory_space<vmem_shared>>
        tpu.enqueue_indirect_dma source(%dma_start3A_288 : memref<16x128xf32, #tpu.memory_space<vmem>>) target(%dma_start3A_294 : memref<10240x128xf32, #tpu.memory_space<vmem_shared>>) offsets(%dma_start3A_291 : memref<16xi32, #tpu.memory_space<vmem>>) semaphore(%run_scoped3A_285 : memref<!tpu.dma_semaphore, #tpu.memory_space<semaphore_mem>>) {add = true}
        %dma_wait3A_295 = arith.constant 48 : i32
        %dma_wait3A_296 = arith.constant 0 : i32
        %dma_wait3A_297 = tpu.memref_slice %arg14[%dma_wait3A_295, %dma_wait3A_296] : memref<128x128xf32, #tpu.memory_space<vmem>> -> memref<16x128xf32, #tpu.memory_space<vmem>>
        %dma_wait3A_298 = arith.constant 0 : i32
        %dma_wait3A_299 = tpu.memref_slice %arg13[%run_scoped3A_187, %dma_wait3A_298] : memref<8x16xi32, #tpu.memory_space<vmem>> -> memref<1x16xi32, #tpu.memory_space<vmem>>
        %dma_wait3A_300 = tpu.memref_squeeze %dma_wait3A_299 : memref<1x16xi32, #tpu.memory_space<vmem>> -> memref<16xi32, #tpu.memory_space<vmem>>
        %dma_wait3A_301 = arith.constant 0 : i32
        %dma_wait3A_302 = arith.constant 0 : i32
        %dma_wait3A_303 = tpu.memref_slice %arg9[%dma_wait3A_301, %dma_wait3A_302] : memref<10240x128xf32, #tpu.memory_space<vmem_shared>> -> memref<10240x128xf32, #tpu.memory_space<vmem_shared>>
        tpu.wait_indirect_dma semaphore(%run_scoped3A_285 : memref<!tpu.dma_semaphore, #tpu.memory_space<semaphore_mem>>) src(%dma_wait3A_297 : memref<16x128xf32, #tpu.memory_space<vmem>>) dst(%dma_wait3A_303 : memref<10240x128xf32, #tpu.memory_space<vmem_shared>>)
        tpu.yield
      }) : () -> ()
      %run_scoped3A_188 = arith.constant 4 : i32
      "tpu.region"() ({
        %run_scoped3A_285 = tpu.sem_alloc : memref<!tpu.dma_semaphore, #tpu.memory_space<semaphore_mem>>
        %dma_start3A_286 = arith.constant 64 : i32
        %dma_start3A_287 = arith.constant 0 : i32
        %dma_start3A_288 = tpu.memref_slice %arg14[%dma_start3A_286, %dma_start3A_287] : memref<128x128xf32, #tpu.memory_space<vmem>> -> memref<16x128xf32, #tpu.memory_space<vmem>>
        %dma_start3A_289 = arith.constant 0 : i32
        %dma_start3A_290 = tpu.memref_slice %arg13[%run_scoped3A_188, %dma_start3A_289] : memref<8x16xi32, #tpu.memory_space<vmem>> -> memref<1x16xi32, #tpu.memory_space<vmem>>
        %dma_start3A_291 = tpu.memref_squeeze %dma_start3A_290 : memref<1x16xi32, #tpu.memory_space<vmem>> -> memref<16xi32, #tpu.memory_space<vmem>>
        %dma_start3A_292 = arith.constant 0 : i32
        %dma_start3A_293 = arith.constant 0 : i32
        %dma_start3A_294 = tpu.memref_slice %arg9[%dma_start3A_292, %dma_start3A_293] : memref<10240x128xf32, #tpu.memory_space<vmem_shared>> -> memref<10240x128xf32, #tpu.memory_space<vmem_shared>>
        tpu.enqueue_indirect_dma source(%dma_start3A_288 : memref<16x128xf32, #tpu.memory_space<vmem>>) target(%dma_start3A_294 : memref<10240x128xf32, #tpu.memory_space<vmem_shared>>) offsets(%dma_start3A_291 : memref<16xi32, #tpu.memory_space<vmem>>) semaphore(%run_scoped3A_285 : memref<!tpu.dma_semaphore, #tpu.memory_space<semaphore_mem>>) {add = true}
        %dma_wait3A_295 = arith.constant 64 : i32
        %dma_wait3A_296 = arith.constant 0 : i32
        %dma_wait3A_297 = tpu.memref_slice %arg14[%dma_wait3A_295, %dma_wait3A_296] : memref<128x128xf32, #tpu.memory_space<vmem>> -> memref<16x128xf32, #tpu.memory_space<vmem>>
        %dma_wait3A_298 = arith.constant 0 : i32
        %dma_wait3A_299 = tpu.memref_slice %arg13[%run_scoped3A_188, %dma_wait3A_298] : memref<8x16xi32, #tpu.memory_space<vmem>> -> memref<1x16xi32, #tpu.memory_space<vmem>>
        %dma_wait3A_300 = tpu.memref_squeeze %dma_wait3A_299 : memref<1x16xi32, #tpu.memory_space<vmem>> -> memref<16xi32, #tpu.memory_space<vmem>>
        %dma_wait3A_301 = arith.constant 0 : i32
        %dma_wait3A_302 = arith.constant 0 : i32
        %dma_wait3A_303 = tpu.memref_slice %arg9[%dma_wait3A_301, %dma_wait3A_302] : memref<10240x128xf32, #tpu.memory_space<vmem_shared>> -> memref<10240x128xf32, #tpu.memory_space<vmem_shared>>
        tpu.wait_indirect_dma semaphore(%run_scoped3A_285 : memref<!tpu.dma_semaphore, #tpu.memory_space<semaphore_mem>>) src(%dma_wait3A_297 : memref<16x128xf32, #tpu.memory_space<vmem>>) dst(%dma_wait3A_303 : memref<10240x128xf32, #tpu.memory_space<vmem_shared>>)
        tpu.yield
      }) : () -> ()
      %run_scoped3A_189 = arith.constant 5 : i32
      "tpu.region"() ({
        %run_scoped3A_285 = tpu.sem_alloc : memref<!tpu.dma_semaphore, #tpu.memory_space<semaphore_mem>>
        %dma_start3A_286 = arith.constant 80 : i32
        %dma_start3A_287 = arith.constant 0 : i32
        %dma_start3A_288 = tpu.memref_slice %arg14[%dma_start3A_286, %dma_start3A_287] : memref<128x128xf32, #tpu.memory_space<vmem>> -> memref<16x128xf32, #tpu.memory_space<vmem>>
        %dma_start3A_289 = arith.constant 0 : i32
        %dma_start3A_290 = tpu.memref_slice %arg13[%run_scoped3A_189, %dma_start3A_289] : memref<8x16xi32, #tpu.memory_space<vmem>> -> memref<1x16xi32, #tpu.memory_space<vmem>>
        %dma_start3A_291 = tpu.memref_squeeze %dma_start3A_290 : memref<1x16xi32, #tpu.memory_space<vmem>> -> memref<16xi32, #tpu.memory_space<vmem>>
        %dma_start3A_292 = arith.constant 0 : i32
        %dma_start3A_293 = arith.constant 0 : i32
        %dma_start3A_294 = tpu.memref_slice %arg9[%dma_start3A_292, %dma_start3A_293] : memref<10240x128xf32, #tpu.memory_space<vmem_shared>> -> memref<10240x128xf32, #tpu.memory_space<vmem_shared>>
        tpu.enqueue_indirect_dma source(%dma_start3A_288 : memref<16x128xf32, #tpu.memory_space<vmem>>) target(%dma_start3A_294 : memref<10240x128xf32, #tpu.memory_space<vmem_shared>>) offsets(%dma_start3A_291 : memref<16xi32, #tpu.memory_space<vmem>>) semaphore(%run_scoped3A_285 : memref<!tpu.dma_semaphore, #tpu.memory_space<semaphore_mem>>) {add = true}
        %dma_wait3A_295 = arith.constant 80 : i32
        %dma_wait3A_296 = arith.constant 0 : i32
        %dma_wait3A_297 = tpu.memref_slice %arg14[%dma_wait3A_295, %dma_wait3A_296] : memref<128x128xf32, #tpu.memory_space<vmem>> -> memref<16x128xf32, #tpu.memory_space<vmem>>
        %dma_wait3A_298 = arith.constant 0 : i32
        %dma_wait3A_299 = tpu.memref_slice %arg13[%run_scoped3A_189, %dma_wait3A_298] : memref<8x16xi32, #tpu.memory_space<vmem>> -> memref<1x16xi32, #tpu.memory_space<vmem>>
        %dma_wait3A_300 = tpu.memref_squeeze %dma_wait3A_299 : memref<1x16xi32, #tpu.memory_space<vmem>> -> memref<16xi32, #tpu.memory_space<vmem>>
        %dma_wait3A_301 = arith.constant 0 : i32
        %dma_wait3A_302 = arith.constant 0 : i32
        %dma_wait3A_303 = tpu.memref_slice %arg9[%dma_wait3A_301, %dma_wait3A_302] : memref<10240x128xf32, #tpu.memory_space<vmem_shared>> -> memref<10240x128xf32, #tpu.memory_space<vmem_shared>>
        tpu.wait_indirect_dma semaphore(%run_scoped3A_285 : memref<!tpu.dma_semaphore, #tpu.memory_space<semaphore_mem>>) src(%dma_wait3A_297 : memref<16x128xf32, #tpu.memory_space<vmem>>) dst(%dma_wait3A_303 : memref<10240x128xf32, #tpu.memory_space<vmem_shared>>)
        tpu.yield
      }) : () -> ()
      %run_scoped3A_190 = arith.constant 6 : i32
      "tpu.region"() ({
        %run_scoped3A_285 = tpu.sem_alloc : memref<!tpu.dma_semaphore, #tpu.memory_space<semaphore_mem>>
        %dma_start3A_286 = arith.constant 96 : i32
        %dma_start3A_287 = arith.constant 0 : i32
        %dma_start3A_288 = tpu.memref_slice %arg14[%dma_start3A_286, %dma_start3A_287] : memref<128x128xf32, #tpu.memory_space<vmem>> -> memref<16x128xf32, #tpu.memory_space<vmem>>
        %dma_start3A_289 = arith.constant 0 : i32
        %dma_start3A_290 = tpu.memref_slice %arg13[%run_scoped3A_190, %dma_start3A_289] : memref<8x16xi32, #tpu.memory_space<vmem>> -> memref<1x16xi32, #tpu.memory_space<vmem>>
        %dma_start3A_291 = tpu.memref_squeeze %dma_start3A_290 : memref<1x16xi32, #tpu.memory_space<vmem>> -> memref<16xi32, #tpu.memory_space<vmem>>
        %dma_start3A_292 = arith.constant 0 : i32
        %dma_start3A_293 = arith.constant 0 : i32
        %dma_start3A_294 = tpu.memref_slice %arg9[%dma_start3A_292, %dma_start3A_293] : memref<10240x128xf32, #tpu.memory_space<vmem_shared>> -> memref<10240x128xf32, #tpu.memory_space<vmem_shared>>
        tpu.enqueue_indirect_dma source(%dma_start3A_288 : memref<16x128xf32, #tpu.memory_space<vmem>>) target(%dma_start3A_294 : memref<10240x128xf32, #tpu.memory_space<vmem_shared>>) offsets(%dma_start3A_291 : memref<16xi32, #tpu.memory_space<vmem>>) semaphore(%run_scoped3A_285 : memref<!tpu.dma_semaphore, #tpu.memory_space<semaphore_mem>>) {add = true}
        %dma_wait3A_295 = arith.constant 96 : i32
        %dma_wait3A_296 = arith.constant 0 : i32
        %dma_wait3A_297 = tpu.memref_slice %arg14[%dma_wait3A_295, %dma_wait3A_296] : memref<128x128xf32, #tpu.memory_space<vmem>> -> memref<16x128xf32, #tpu.memory_space<vmem>>
        %dma_wait3A_298 = arith.constant 0 : i32
        %dma_wait3A_299 = tpu.memref_slice %arg13[%run_scoped3A_190, %dma_wait3A_298] : memref<8x16xi32, #tpu.memory_space<vmem>> -> memref<1x16xi32, #tpu.memory_space<vmem>>
        %dma_wait3A_300 = tpu.memref_squeeze %dma_wait3A_299 : memref<1x16xi32, #tpu.memory_space<vmem>> -> memref<16xi32, #tpu.memory_space<vmem>>
        %dma_wait3A_301 = arith.constant 0 : i32
        %dma_wait3A_302 = arith.constant 0 : i32
        %dma_wait3A_303 = tpu.memref_slice %arg9[%dma_wait3A_301, %dma_wait3A_302] : memref<10240x128xf32, #tpu.memory_space<vmem_shared>> -> memref<10240x128xf32, #tpu.memory_space<vmem_shared>>
        tpu.wait_indirect_dma semaphore(%run_scoped3A_285 : memref<!tpu.dma_semaphore, #tpu.memory_space<semaphore_mem>>) src(%dma_wait3A_297 : memref<16x128xf32, #tpu.memory_space<vmem>>) dst(%dma_wait3A_303 : memref<10240x128xf32, #tpu.memory_space<vmem_shared>>)
        tpu.yield
      }) : () -> ()
      %run_scoped3A_191 = arith.constant 7 : i32
      "tpu.region"() ({
        %run_scoped3A_285 = tpu.sem_alloc : memref<!tpu.dma_semaphore, #tpu.memory_space<semaphore_mem>>
        %dma_start3A_286 = arith.constant 112 : i32
        %dma_start3A_287 = arith.constant 0 : i32
        %dma_start3A_288 = tpu.memref_slice %arg14[%dma_start3A_286, %dma_start3A_287] : memref<128x128xf32, #tpu.memory_space<vmem>> -> memref<16x128xf32, #tpu.memory_space<vmem>>
        %dma_start3A_289 = arith.constant 0 : i32
        %dma_start3A_290 = tpu.memref_slice %arg13[%run_scoped3A_191, %dma_start3A_289] : memref<8x16xi32, #tpu.memory_space<vmem>> -> memref<1x16xi32, #tpu.memory_space<vmem>>
        %dma_start3A_291 = tpu.memref_squeeze %dma_start3A_290 : memref<1x16xi32, #tpu.memory_space<vmem>> -> memref<16xi32, #tpu.memory_space<vmem>>
        %dma_start3A_292 = arith.constant 0 : i32
        %dma_start3A_293 = arith.constant 0 : i32
        %dma_start3A_294 = tpu.memref_slice %arg9[%dma_start3A_292, %dma_start3A_293] : memref<10240x128xf32, #tpu.memory_space<vmem_shared>> -> memref<10240x128xf32, #tpu.memory_space<vmem_shared>>
        tpu.enqueue_indirect_dma source(%dma_start3A_288 : memref<16x128xf32, #tpu.memory_space<vmem>>) target(%dma_start3A_294 : memref<10240x128xf32, #tpu.memory_space<vmem_shared>>) offsets(%dma_start3A_291 : memref<16xi32, #tpu.memory_space<vmem>>) semaphore(%run_scoped3A_285 : memref<!tpu.dma_semaphore, #tpu.memory_space<semaphore_mem>>) {add = true}
        %dma_wait3A_295 = arith.constant 112 : i32
        %dma_wait3A_296 = arith.constant 0 : i32
        %dma_wait3A_297 = tpu.memref_slice %arg14[%dma_wait3A_295, %dma_wait3A_296] : memref<128x128xf32, #tpu.memory_space<vmem>> -> memref<16x128xf32, #tpu.memory_space<vmem>>
        %dma_wait3A_298 = arith.constant 0 : i32
        %dma_wait3A_299 = tpu.memref_slice %arg13[%run_scoped3A_191, %dma_wait3A_298] : memref<8x16xi32, #tpu.memory_space<vmem>> -> memref<1x16xi32, #tpu.memory_space<vmem>>
        %dma_wait3A_300 = tpu.memref_squeeze %dma_wait3A_299 : memref<1x16xi32, #tpu.memory_space<vmem>> -> memref<16xi32, #tpu.memory_space<vmem>>
        %dma_wait3A_301 = arith.constant 0 : i32
        %dma_wait3A_302 = arith.constant 0 : i32
        %dma_wait3A_303 = tpu.memref_slice %arg9[%dma_wait3A_301, %dma_wait3A_302] : memref<10240x128xf32, #tpu.memory_space<vmem_shared>> -> memref<10240x128xf32, #tpu.memory_space<vmem_shared>>
        tpu.wait_indirect_dma semaphore(%run_scoped3A_285 : memref<!tpu.dma_semaphore, #tpu.memory_space<semaphore_mem>>) src(%dma_wait3A_297 : memref<16x128xf32, #tpu.memory_space<vmem>>) dst(%dma_wait3A_303 : memref<10240x128xf32, #tpu.memory_space<vmem_shared>>)
        tpu.yield
      }) : () -> ()
      %add3A_192 = arith.constant 2 : i32
      %add3A_193 = arith.addi %mul3A_94, %add3A_192 : i32
      %lt3A = arith.constant 40 : i32
      %lt3A_194 = arith.cmpi slt, %add3A_193, %lt3A : i32
      %convert_element_type3A = arith.extui %lt3A_194 : i1 to i32
      %cond3A = arith.constant 0 : i32
      %cond3A_195 = arith.cmpi ne, %convert_element_type3A, %cond3A : i32
      scf.if %cond3A_195 {
        %add3A_285 = arith.constant 2 : i32
        %add3A_286 = arith.addi %mul3A_94, %add3A_285 : i32
        %mul3A_287 = arith.constant 128 : i32
        %mul3A_288 = arith.muli %add3A_286, %mul3A_287 : i32
        %add3A_289 = arith.addi %add3A_34, %mul3A_288 : i32
        "tpu.region"() ({
          %run_scoped3A_299 = tpu.sem_alloc : memref<!tpu.dma_semaphore, #tpu.memory_space<semaphore_mem>>
          %dma_start3A_300 = tpu.memref_slice %arg4[%add3A_289] : memref<163840xi32, #tpu.memory_space<hbm>> -> memref<128xi32, #tpu.memory_space<hbm>>
          %dma_start3A_301 = tpu.memref_slice %arg4[%add3A_289] : memref<163840xi32, #tpu.memory_space<hbm>> -> memref<128xi32, #tpu.memory_space<hbm>>
          tpu.enqueue_dma source(%dma_start3A_301 : memref<128xi32, #tpu.memory_space<hbm>>) target(%arg11 : memref<128xi32, #tpu.memory_space<vmem>>) target_semaphore(%run_scoped3A_299 : memref<!tpu.dma_semaphore, #tpu.memory_space<semaphore_mem>>)
          %dma_wait3A_302 = tpu.memref_slice %arg4[%add3A_289] : memref<163840xi32, #tpu.memory_space<hbm>> -> memref<128xi32, #tpu.memory_space<hbm>>
          %dma_wait3A_303 = tpu.memref_slice %arg4[%add3A_289] : memref<163840xi32, #tpu.memory_space<hbm>> -> memref<128xi32, #tpu.memory_space<hbm>>
          tpu.wait_dma2 semaphore(%run_scoped3A_299 : memref<!tpu.dma_semaphore, #tpu.memory_space<semaphore_mem>>) src(%dma_wait3A_303 : memref<128xi32, #tpu.memory_space<hbm>>) dst(%arg11 : memref<128xi32, #tpu.memory_space<vmem>>)
          tpu.yield
        }) : () -> ()
        %add3A_290 = arith.constant 2 : i32
        %add3A_291 = arith.addi %mul3A_94, %add3A_290 : i32
        %dma_start3A_292 = arith.constant 0 : i32
        %dma_start3A_293 = arith.constant 0 : i32
        %dma_start3A_294 = tpu.memref_slice %arg10[%add3A_291, %dma_start3A_292, %dma_start3A_293] : memref<40x1x128xi32, #tpu.memory_space<vmem>> -> memref<1x1x128xi32, #tpu.memory_space<vmem>>
        %dma_start3A_295 = tpu.memref_squeeze %dma_start3A_294 : memref<1x1x128xi32, #tpu.memory_space<vmem>> -> memref<128xi32, #tpu.memory_space<vmem>>
        %dma_start3A_296 = arith.constant 0 : i32
        %dma_start3A_297 = arith.constant 0 : i32
        %dma_start3A_298 = tpu.memref_slice %arg2[%dma_start3A_296, %dma_start3A_297] : memref<20000x128xf32, #tpu.memory_space<hbm>> -> memref<20000x128xf32, #tpu.memory_space<hbm>>
        tpu.enqueue_indirect_dma source(%dma_start3A_298 : memref<20000x128xf32, #tpu.memory_space<hbm>>) target(%arg14 : memref<128x128xf32, #tpu.memory_space<vmem>>) offsets(%dma_start3A_295 : memref<128xi32, #tpu.memory_space<vmem>>) semaphore(%arg16 : memref<!tpu.dma_semaphore, #tpu.memory_space<semaphore_mem>>)
      } else {
      }
      %add3A_196 = arith.constant 1 : i32
      %add3A_197 = arith.addi %mul3A_94, %add3A_196 : i32
      %dma_wait3A_198 = arith.constant 0 : i32
      %dma_wait3A_199 = arith.constant 0 : i32
      %dma_wait3A_200 = tpu.memref_slice %arg10[%add3A_197, %dma_wait3A_198, %dma_wait3A_199] : memref<40x1x128xi32, #tpu.memory_space<vmem>> -> memref<1x1x128xi32, #tpu.memory_space<vmem>>
      %dma_wait3A_201 = tpu.memref_squeeze %dma_wait3A_200 : memref<1x1x128xi32, #tpu.memory_space<vmem>> -> memref<128xi32, #tpu.memory_space<vmem>>
      %dma_wait3A_202 = arith.constant 0 : i32
      %dma_wait3A_203 = arith.constant 0 : i32
      %dma_wait3A_204 = tpu.memref_slice %arg2[%dma_wait3A_202, %dma_wait3A_203] : memref<20000x128xf32, #tpu.memory_space<hbm>> -> memref<20000x128xf32, #tpu.memory_space<hbm>>
      tpu.wait_indirect_dma semaphore(%arg17 : memref<!tpu.dma_semaphore, #tpu.memory_space<semaphore_mem>>) src(%dma_wait3A_204 : memref<20000x128xf32, #tpu.memory_space<hbm>>) dst(%arg15 : memref<128x128xf32, #tpu.memory_space<vmem>>)
      %get3A_205 = arith.constant 0 : index
      %get3A_206 = tpu.vector_load %arg12[%get3A_205] {strides = array<i32>} : memref<128xi32, #tpu.memory_space<vmem>>, vector<16xi32>,
      %get3A_207 = vector.shape_cast %get3A_206 : vector<16xi32> to vector<16xi32>
      %swap3A_208 = arith.constant 0 : i32
      %swap3A_209 = arith.index_cast %swap3A_208 : i32 to index
      %swap3A_210 = arith.constant 0 : index
      %swap3A_211 = tpu.vector_load %arg13[%swap3A_209, %swap3A_210] {strides = array<i32>} : memref<8x16xi32, #tpu.memory_space<vmem>>, vector<1x16xi32>,
      %swap3A_212 = vector.shape_cast %swap3A_211 : vector<1x16xi32> to vector<16xi32>
      %swap3A_213 = vector.shape_cast %get3A_207 : vector<16xi32> to vector<1x16xi32>
      tpu.vector_store %arg13[%swap3A_209, %swap3A_210], %swap3A_213 {strides = array<i32>} : memref<8x16xi32, #tpu.memory_space<vmem>>, vector<1x16xi32>,
      %get3A_214 = arith.constant 16 : index
      %get3A_215 = tpu.vector_load %arg12[%get3A_214] {strides = array<i32>} : memref<128xi32, #tpu.memory_space<vmem>>, vector<16xi32>,
      %get3A_216 = vector.shape_cast %get3A_215 : vector<16xi32> to vector<16xi32>
      %swap3A_217 = arith.constant 1 : i32
      %swap3A_218 = arith.index_cast %swap3A_217 : i32 to index
      %swap3A_219 = arith.constant 0 : index
      %swap3A_220 = tpu.vector_load %arg13[%swap3A_218, %swap3A_219] {strides = array<i32>} : memref<8x16xi32, #tpu.memory_space<vmem>>, vector<1x16xi32>,
      %swap3A_221 = vector.shape_cast %swap3A_220 : vector<1x16xi32> to vector<16xi32>
      %swap3A_222 = vector.shape_cast %get3A_216 : vector<16xi32> to vector<1x16xi32>
      tpu.vector_store %arg13[%swap3A_218, %swap3A_219], %swap3A_222 {strides = array<i32>} : memref<8x16xi32, #tpu.memory_space<vmem>>, vector<1x16xi32>,
      %get3A_223 = arith.constant 32 : index
      %get3A_224 = tpu.vector_load %arg12[%get3A_223] {strides = array<i32>} : memref<128xi32, #tpu.memory_space<vmem>>, vector<16xi32>,
      %get3A_225 = vector.shape_cast %get3A_224 : vector<16xi32> to vector<16xi32>
      %swap3A_226 = arith.constant 2 : i32
      %swap3A_227 = arith.index_cast %swap3A_226 : i32 to index
      %swap3A_228 = arith.constant 0 : index
      %swap3A_229 = tpu.vector_load %arg13[%swap3A_227, %swap3A_228] {strides = array<i32>} : memref<8x16xi32, #tpu.memory_space<vmem>>, vector<1x16xi32>,
      %swap3A_230 = vector.shape_cast %swap3A_229 : vector<1x16xi32> to vector<16xi32>
      %swap3A_231 = vector.shape_cast %get3A_225 : vector<16xi32> to vector<1x16xi32>
      tpu.vector_store %arg13[%swap3A_227, %swap3A_228], %swap3A_231 {strides = array<i32>} : memref<8x16xi32, #tpu.memory_space<vmem>>, vector<1x16xi32>,
      %get3A_232 = arith.constant 48 : index
      %get3A_233 = tpu.vector_load %arg12[%get3A_232] {strides = array<i32>} : memref<128xi32, #tpu.memory_space<vmem>>, vector<16xi32>,
      %get3A_234 = vector.shape_cast %get3A_233 : vector<16xi32> to vector<16xi32>
      %swap3A_235 = arith.constant 3 : i32
      %swap3A_236 = arith.index_cast %swap3A_235 : i32 to index
      %swap3A_237 = arith.constant 0 : index
      %swap3A_238 = tpu.vector_load %arg13[%swap3A_236, %swap3A_237] {strides = array<i32>} : memref<8x16xi32, #tpu.memory_space<vmem>>, vector<1x16xi32>,
      %swap3A_239 = vector.shape_cast %swap3A_238 : vector<1x16xi32> to vector<16xi32>
      %swap3A_240 = vector.shape_cast %get3A_234 : vector<16xi32> to vector<1x16xi32>
      tpu.vector_store %arg13[%swap3A_236, %swap3A_237], %swap3A_240 {strides = array<i32>} : memref<8x16xi32, #tpu.memory_space<vmem>>, vector<1x16xi32>,
      %get3A_241 = arith.constant 64 : index
      %get3A_242 = tpu.vector_load %arg12[%get3A_241] {strides = array<i32>} : memref<128xi32, #tpu.memory_space<vmem>>, vector<16xi32>,
      %get3A_243 = vector.shape_cast %get3A_242 : vector<16xi32> to vector<16xi32>
      %swap3A_244 = arith.constant 4 : i32
      %swap3A_245 = arith.index_cast %swap3A_244 : i32 to index
      %swap3A_246 = arith.constant 0 : index
      %swap3A_247 = tpu.vector_load %arg13[%swap3A_245, %swap3A_246] {strides = array<i32>} : memref<8x16xi32, #tpu.memory_space<vmem>>, vector<1x16xi32>,
      %swap3A_248 = vector.shape_cast %swap3A_247 : vector<1x16xi32> to vector<16xi32>
      %swap3A_249 = vector.shape_cast %get3A_243 : vector<16xi32> to vector<1x16xi32>
      tpu.vector_store %arg13[%swap3A_245, %swap3A_246], %swap3A_249 {strides = array<i32>} : memref<8x16xi32, #tpu.memory_space<vmem>>, vector<1x16xi32>,
      %get3A_250 = arith.constant 80 : index
      %get3A_251 = tpu.vector_load %arg12[%get3A_250] {strides = array<i32>} : memref<128xi32, #tpu.memory_space<vmem>>, vector<16xi32>,
      %get3A_252 = vector.shape_cast %get3A_251 : vector<16xi32> to vector<16xi32>
      %swap3A_253 = arith.constant 5 : i32
      %swap3A_254 = arith.index_cast %swap3A_253 : i32 to index
      %swap3A_255 = arith.constant 0 : index
      %swap3A_256 = tpu.vector_load %arg13[%swap3A_254, %swap3A_255] {strides = array<i32>} : memref<8x16xi32, #tpu.memory_space<vmem>>, vector<1x16xi32>,
      %swap3A_257 = vector.shape_cast %swap3A_256 : vector<1x16xi32> to vector<16xi32>
      %swap3A_258 = vector.shape_cast %get3A_252 : vector<16xi32> to vector<1x16xi32>
      tpu.vector_store %arg13[%swap3A_254, %swap3A_255], %swap3A_258 {strides = array<i32>} : memref<8x16xi32, #tpu.memory_space<vmem>>, vector<1x16xi32>,
      %get3A_259 = arith.constant 96 : index
      %get3A_260 = tpu.vector_load %arg12[%get3A_259] {strides = array<i32>} : memref<128xi32, #tpu.memory_space<vmem>>, vector<16xi32>,
      %get3A_261 = vector.shape_cast %get3A_260 : vector<16xi32> to vector<16xi32>
      %swap3A_262 = arith.constant 6 : i32
      %swap3A_263 = arith.index_cast %swap3A_262 : i32 to index
      %swap3A_264 = arith.constant 0 : index
      %swap3A_265 = tpu.vector_load %arg13[%swap3A_263, %swap3A_264] {strides = array<i32>} : memref<8x16xi32, #tpu.memory_space<vmem>>, vector<1x16xi32>,
      %swap3A_266 = vector.shape_cast %swap3A_265 : vector<1x16xi32> to vector<16xi32>
      %swap3A_267 = vector.shape_cast %get3A_261 : vector<16xi32> to vector<1x16xi32>
      tpu.vector_store %arg13[%swap3A_263, %swap3A_264], %swap3A_267 {strides = array<i32>} : memref<8x16xi32, #tpu.memory_space<vmem>>, vector<1x16xi32>,
      %get3A_268 = arith.constant 112 : index
      %get3A_269 = tpu.vector_load %arg12[%get3A_268] {strides = array<i32>} : memref<128xi32, #tpu.memory_space<vmem>>, vector<16xi32>,
      %get3A_270 = vector.shape_cast %get3A_269 : vector<16xi32> to vector<16xi32>
      %swap3A_271 = arith.constant 7 : i32
      %swap3A_272 = arith.index_cast %swap3A_271 : i32 to index
      %swap3A_273 = arith.constant 0 : index
      %swap3A_274 = tpu.vector_load %arg13[%swap3A_272, %swap3A_273] {strides = array<i32>} : memref<8x16xi32, #tpu.memory_space<vmem>>, vector<1x16xi32>,
      %swap3A_275 = vector.shape_cast %swap3A_274 : vector<1x16xi32> to vector<16xi32>
      %swap3A_276 = vector.shape_cast %get3A_270 : vector<16xi32> to vector<1x16xi32>
      tpu.vector_store %arg13[%swap3A_272, %swap3A_273], %swap3A_276 {strides = array<i32>} : memref<8x16xi32, #tpu.memory_space<vmem>>, vector<1x16xi32>,
      %run_scoped3A_277 = arith.constant 0 : i32
      "tpu.region"() ({
        %run_scoped3A_285 = tpu.sem_alloc : memref<!tpu.dma_semaphore, #tpu.memory_space<semaphore_mem>>
        %dma_start3A_286 = arith.constant 0 : i32
        %dma_start3A_287 = arith.constant 0 : i32
        %dma_start3A_288 = tpu.memref_slice %arg15[%dma_start3A_286, %dma_start3A_287] : memref<128x128xf32, #tpu.memory_space<vmem>> -> memref<16x128xf32, #tpu.memory_space<vmem>>
        %dma_start3A_289 = arith.constant 0 : i32
        %dma_start3A_290 = tpu.memref_slice %arg13[%run_scoped3A_277, %dma_start3A_289] : memref<8x16xi32, #tpu.memory_space<vmem>> -> memref<1x16xi32, #tpu.memory_space<vmem>>
        %dma_start3A_291 = tpu.memref_squeeze %dma_start3A_290 : memref<1x16xi32, #tpu.memory_space<vmem>> -> memref<16xi32, #tpu.memory_space<vmem>>
        %dma_start3A_292 = arith.constant 0 : i32
        %dma_start3A_293 = arith.constant 0 : i32
        %dma_start3A_294 = tpu.memref_slice %arg9[%dma_start3A_292, %dma_start3A_293] : memref<10240x128xf32, #tpu.memory_space<vmem_shared>> -> memref<10240x128xf32, #tpu.memory_space<vmem_shared>>
        tpu.enqueue_indirect_dma source(%dma_start3A_288 : memref<16x128xf32, #tpu.memory_space<vmem>>) target(%dma_start3A_294 : memref<10240x128xf32, #tpu.memory_space<vmem_shared>>) offsets(%dma_start3A_291 : memref<16xi32, #tpu.memory_space<vmem>>) semaphore(%run_scoped3A_285 : memref<!tpu.dma_semaphore, #tpu.memory_space<semaphore_mem>>) {add = true}
        %dma_wait3A_295 = arith.constant 0 : i32
        %dma_wait3A_296 = arith.constant 0 : i32
        %dma_wait3A_297 = tpu.memref_slice %arg15[%dma_wait3A_295, %dma_wait3A_296] : memref<128x128xf32, #tpu.memory_space<vmem>> -> memref<16x128xf32, #tpu.memory_space<vmem>>
        %dma_wait3A_298 = arith.constant 0 : i32
        %dma_wait3A_299 = tpu.memref_slice %arg13[%run_scoped3A_277, %dma_wait3A_298] : memref<8x16xi32, #tpu.memory_space<vmem>> -> memref<1x16xi32, #tpu.memory_space<vmem>>
        %dma_wait3A_300 = tpu.memref_squeeze %dma_wait3A_299 : memref<1x16xi32, #tpu.memory_space<vmem>> -> memref<16xi32, #tpu.memory_space<vmem>>
        %dma_wait3A_301 = arith.constant 0 : i32
        %dma_wait3A_302 = arith.constant 0 : i32
        %dma_wait3A_303 = tpu.memref_slice %arg9[%dma_wait3A_301, %dma_wait3A_302] : memref<10240x128xf32, #tpu.memory_space<vmem_shared>> -> memref<10240x128xf32, #tpu.memory_space<vmem_shared>>
        tpu.wait_indirect_dma semaphore(%run_scoped3A_285 : memref<!tpu.dma_semaphore, #tpu.memory_space<semaphore_mem>>) src(%dma_wait3A_297 : memref<16x128xf32, #tpu.memory_space<vmem>>) dst(%dma_wait3A_303 : memref<10240x128xf32, #tpu.memory_space<vmem_shared>>)
        tpu.yield
      }) : () -> ()
      %run_scoped3A_278 = arith.constant 1 : i32
      "tpu.region"() ({
        %run_scoped3A_285 = tpu.sem_alloc : memref<!tpu.dma_semaphore, #tpu.memory_space<semaphore_mem>>
        %dma_start3A_286 = arith.constant 16 : i32
        %dma_start3A_287 = arith.constant 0 : i32
        %dma_start3A_288 = tpu.memref_slice %arg15[%dma_start3A_286, %dma_start3A_287] : memref<128x128xf32, #tpu.memory_space<vmem>> -> memref<16x128xf32, #tpu.memory_space<vmem>>
        %dma_start3A_289 = arith.constant 0 : i32
        %dma_start3A_290 = tpu.memref_slice %arg13[%run_scoped3A_278, %dma_start3A_289] : memref<8x16xi32, #tpu.memory_space<vmem>> -> memref<1x16xi32, #tpu.memory_space<vmem>>
        %dma_start3A_291 = tpu.memref_squeeze %dma_start3A_290 : memref<1x16xi32, #tpu.memory_space<vmem>> -> memref<16xi32, #tpu.memory_space<vmem>>
        %dma_start3A_292 = arith.constant 0 : i32
        %dma_start3A_293 = arith.constant 0 : i32
        %dma_start3A_294 = tpu.memref_slice %arg9[%dma_start3A_292, %dma_start3A_293] : memref<10240x128xf32, #tpu.memory_space<vmem_shared>> -> memref<10240x128xf32, #tpu.memory_space<vmem_shared>>
        tpu.enqueue_indirect_dma source(%dma_start3A_288 : memref<16x128xf32, #tpu.memory_space<vmem>>) target(%dma_start3A_294 : memref<10240x128xf32, #tpu.memory_space<vmem_shared>>) offsets(%dma_start3A_291 : memref<16xi32, #tpu.memory_space<vmem>>) semaphore(%run_scoped3A_285 : memref<!tpu.dma_semaphore, #tpu.memory_space<semaphore_mem>>) {add = true}
        %dma_wait3A_295 = arith.constant 16 : i32
        %dma_wait3A_296 = arith.constant 0 : i32
        %dma_wait3A_297 = tpu.memref_slice %arg15[%dma_wait3A_295, %dma_wait3A_296] : memref<128x128xf32, #tpu.memory_space<vmem>> -> memref<16x128xf32, #tpu.memory_space<vmem>>
        %dma_wait3A_298 = arith.constant 0 : i32
        %dma_wait3A_299 = tpu.memref_slice %arg13[%run_scoped3A_278, %dma_wait3A_298] : memref<8x16xi32, #tpu.memory_space<vmem>> -> memref<1x16xi32, #tpu.memory_space<vmem>>
        %dma_wait3A_300 = tpu.memref_squeeze %dma_wait3A_299 : memref<1x16xi32, #tpu.memory_space<vmem>> -> memref<16xi32, #tpu.memory_space<vmem>>
        %dma_wait3A_301 = arith.constant 0 : i32
        %dma_wait3A_302 = arith.constant 0 : i32
        %dma_wait3A_303 = tpu.memref_slice %arg9[%dma_wait3A_301, %dma_wait3A_302] : memref<10240x128xf32, #tpu.memory_space<vmem_shared>> -> memref<10240x128xf32, #tpu.memory_space<vmem_shared>>
        tpu.wait_indirect_dma semaphore(%run_scoped3A_285 : memref<!tpu.dma_semaphore, #tpu.memory_space<semaphore_mem>>) src(%dma_wait3A_297 : memref<16x128xf32, #tpu.memory_space<vmem>>) dst(%dma_wait3A_303 : memref<10240x128xf32, #tpu.memory_space<vmem_shared>>)
        tpu.yield
      }) : () -> ()
      %run_scoped3A_279 = arith.constant 2 : i32
      "tpu.region"() ({
        %run_scoped3A_285 = tpu.sem_alloc : memref<!tpu.dma_semaphore, #tpu.memory_space<semaphore_mem>>
        %dma_start3A_286 = arith.constant 32 : i32
        %dma_start3A_287 = arith.constant 0 : i32
        %dma_start3A_288 = tpu.memref_slice %arg15[%dma_start3A_286, %dma_start3A_287] : memref<128x128xf32, #tpu.memory_space<vmem>> -> memref<16x128xf32, #tpu.memory_space<vmem>>
        %dma_start3A_289 = arith.constant 0 : i32
        %dma_start3A_290 = tpu.memref_slice %arg13[%run_scoped3A_279, %dma_start3A_289] : memref<8x16xi32, #tpu.memory_space<vmem>> -> memref<1x16xi32, #tpu.memory_space<vmem>>
        %dma_start3A_291 = tpu.memref_squeeze %dma_start3A_290 : memref<1x16xi32, #tpu.memory_space<vmem>> -> memref<16xi32, #tpu.memory_space<vmem>>
        %dma_start3A_292 = arith.constant 0 : i32
        %dma_start3A_293 = arith.constant 0 : i32
        %dma_start3A_294 = tpu.memref_slice %arg9[%dma_start3A_292, %dma_start3A_293] : memref<10240x128xf32, #tpu.memory_space<vmem_shared>> -> memref<10240x128xf32, #tpu.memory_space<vmem_shared>>
        tpu.enqueue_indirect_dma source(%dma_start3A_288 : memref<16x128xf32, #tpu.memory_space<vmem>>) target(%dma_start3A_294 : memref<10240x128xf32, #tpu.memory_space<vmem_shared>>) offsets(%dma_start3A_291 : memref<16xi32, #tpu.memory_space<vmem>>) semaphore(%run_scoped3A_285 : memref<!tpu.dma_semaphore, #tpu.memory_space<semaphore_mem>>) {add = true}
        %dma_wait3A_295 = arith.constant 32 : i32
        %dma_wait3A_296 = arith.constant 0 : i32
        %dma_wait3A_297 = tpu.memref_slice %arg15[%dma_wait3A_295, %dma_wait3A_296] : memref<128x128xf32, #tpu.memory_space<vmem>> -> memref<16x128xf32, #tpu.memory_space<vmem>>
        %dma_wait3A_298 = arith.constant 0 : i32
        %dma_wait3A_299 = tpu.memref_slice %arg13[%run_scoped3A_279, %dma_wait3A_298] : memref<8x16xi32, #tpu.memory_space<vmem>> -> memref<1x16xi32, #tpu.memory_space<vmem>>
        %dma_wait3A_300 = tpu.memref_squeeze %dma_wait3A_299 : memref<1x16xi32, #tpu.memory_space<vmem>> -> memref<16xi32, #tpu.memory_space<vmem>>
        %dma_wait3A_301 = arith.constant 0 : i32
        %dma_wait3A_302 = arith.constant 0 : i32
        %dma_wait3A_303 = tpu.memref_slice %arg9[%dma_wait3A_301, %dma_wait3A_302] : memref<10240x128xf32, #tpu.memory_space<vmem_shared>> -> memref<10240x128xf32, #tpu.memory_space<vmem_shared>>
        tpu.wait_indirect_dma semaphore(%run_scoped3A_285 : memref<!tpu.dma_semaphore, #tpu.memory_space<semaphore_mem>>) src(%dma_wait3A_297 : memref<16x128xf32, #tpu.memory_space<vmem>>) dst(%dma_wait3A_303 : memref<10240x128xf32, #tpu.memory_space<vmem_shared>>)
        tpu.yield
      }) : () -> ()
      %run_scoped3A_280 = arith.constant 3 : i32
      "tpu.region"() ({
        %run_scoped3A_285 = tpu.sem_alloc : memref<!tpu.dma_semaphore, #tpu.memory_space<semaphore_mem>>
        %dma_start3A_286 = arith.constant 48 : i32
        %dma_start3A_287 = arith.constant 0 : i32
        %dma_start3A_288 = tpu.memref_slice %arg15[%dma_start3A_286, %dma_start3A_287] : memref<128x128xf32, #tpu.memory_space<vmem>> -> memref<16x128xf32, #tpu.memory_space<vmem>>
        %dma_start3A_289 = arith.constant 0 : i32
        %dma_start3A_290 = tpu.memref_slice %arg13[%run_scoped3A_280, %dma_start3A_289] : memref<8x16xi32, #tpu.memory_space<vmem>> -> memref<1x16xi32, #tpu.memory_space<vmem>>
        %dma_start3A_291 = tpu.memref_squeeze %dma_start3A_290 : memref<1x16xi32, #tpu.memory_space<vmem>> -> memref<16xi32, #tpu.memory_space<vmem>>
        %dma_start3A_292 = arith.constant 0 : i32
        %dma_start3A_293 = arith.constant 0 : i32
        %dma_start3A_294 = tpu.memref_slice %arg9[%dma_start3A_292, %dma_start3A_293] : memref<10240x128xf32, #tpu.memory_space<vmem_shared>> -> memref<10240x128xf32, #tpu.memory_space<vmem_shared>>
        tpu.enqueue_indirect_dma source(%dma_start3A_288 : memref<16x128xf32, #tpu.memory_space<vmem>>) target(%dma_start3A_294 : memref<10240x128xf32, #tpu.memory_space<vmem_shared>>) offsets(%dma_start3A_291 : memref<16xi32, #tpu.memory_space<vmem>>) semaphore(%run_scoped3A_285 : memref<!tpu.dma_semaphore, #tpu.memory_space<semaphore_mem>>) {add = true}
        %dma_wait3A_295 = arith.constant 48 : i32
        %dma_wait3A_296 = arith.constant 0 : i32
        %dma_wait3A_297 = tpu.memref_slice %arg15[%dma_wait3A_295, %dma_wait3A_296] : memref<128x128xf32, #tpu.memory_space<vmem>> -> memref<16x128xf32, #tpu.memory_space<vmem>>
        %dma_wait3A_298 = arith.constant 0 : i32
        %dma_wait3A_299 = tpu.memref_slice %arg13[%run_scoped3A_280, %dma_wait3A_298] : memref<8x16xi32, #tpu.memory_space<vmem>> -> memref<1x16xi32, #tpu.memory_space<vmem>>
        %dma_wait3A_300 = tpu.memref_squeeze %dma_wait3A_299 : memref<1x16xi32, #tpu.memory_space<vmem>> -> memref<16xi32, #tpu.memory_space<vmem>>
        %dma_wait3A_301 = arith.constant 0 : i32
        %dma_wait3A_302 = arith.constant 0 : i32
        %dma_wait3A_303 = tpu.memref_slice %arg9[%dma_wait3A_301, %dma_wait3A_302] : memref<10240x128xf32, #tpu.memory_space<vmem_shared>> -> memref<10240x128xf32, #tpu.memory_space<vmem_shared>>
        tpu.wait_indirect_dma semaphore(%run_scoped3A_285 : memref<!tpu.dma_semaphore, #tpu.memory_space<semaphore_mem>>) src(%dma_wait3A_297 : memref<16x128xf32, #tpu.memory_space<vmem>>) dst(%dma_wait3A_303 : memref<10240x128xf32, #tpu.memory_space<vmem_shared>>)
        tpu.yield
      }) : () -> ()
      %run_scoped3A_281 = arith.constant 4 : i32
      "tpu.region"() ({
        %run_scoped3A_285 = tpu.sem_alloc : memref<!tpu.dma_semaphore, #tpu.memory_space<semaphore_mem>>
        %dma_start3A_286 = arith.constant 64 : i32
        %dma_start3A_287 = arith.constant 0 : i32
        %dma_start3A_288 = tpu.memref_slice %arg15[%dma_start3A_286, %dma_start3A_287] : memref<128x128xf32, #tpu.memory_space<vmem>> -> memref<16x128xf32, #tpu.memory_space<vmem>>
        %dma_start3A_289 = arith.constant 0 : i32
        %dma_start3A_290 = tpu.memref_slice %arg13[%run_scoped3A_281, %dma_start3A_289] : memref<8x16xi32, #tpu.memory_space<vmem>> -> memref<1x16xi32, #tpu.memory_space<vmem>>
        %dma_start3A_291 = tpu.memref_squeeze %dma_start3A_290 : memref<1x16xi32, #tpu.memory_space<vmem>> -> memref<16xi32, #tpu.memory_space<vmem>>
        %dma_start3A_292 = arith.constant 0 : i32
        %dma_start3A_293 = arith.constant 0 : i32
        %dma_start3A_294 = tpu.memref_slice %arg9[%dma_start3A_292, %dma_start3A_293] : memref<10240x128xf32, #tpu.memory_space<vmem_shared>> -> memref<10240x128xf32, #tpu.memory_space<vmem_shared>>
        tpu.enqueue_indirect_dma source(%dma_start3A_288 : memref<16x128xf32, #tpu.memory_space<vmem>>) target(%dma_start3A_294 : memref<10240x128xf32, #tpu.memory_space<vmem_shared>>) offsets(%dma_start3A_291 : memref<16xi32, #tpu.memory_space<vmem>>) semaphore(%run_scoped3A_285 : memref<!tpu.dma_semaphore, #tpu.memory_space<semaphore_mem>>) {add = true}
        %dma_wait3A_295 = arith.constant 64 : i32
        %dma_wait3A_296 = arith.constant 0 : i32
        %dma_wait3A_297 = tpu.memref_slice %arg15[%dma_wait3A_295, %dma_wait3A_296] : memref<128x128xf32, #tpu.memory_space<vmem>> -> memref<16x128xf32, #tpu.memory_space<vmem>>
        %dma_wait3A_298 = arith.constant 0 : i32
        %dma_wait3A_299 = tpu.memref_slice %arg13[%run_scoped3A_281, %dma_wait3A_298] : memref<8x16xi32, #tpu.memory_space<vmem>> -> memref<1x16xi32, #tpu.memory_space<vmem>>
        %dma_wait3A_300 = tpu.memref_squeeze %dma_wait3A_299 : memref<1x16xi32, #tpu.memory_space<vmem>> -> memref<16xi32, #tpu.memory_space<vmem>>
        %dma_wait3A_301 = arith.constant 0 : i32
        %dma_wait3A_302 = arith.constant 0 : i32
        %dma_wait3A_303 = tpu.memref_slice %arg9[%dma_wait3A_301, %dma_wait3A_302] : memref<10240x128xf32, #tpu.memory_space<vmem_shared>> -> memref<10240x128xf32, #tpu.memory_space<vmem_shared>>
        tpu.wait_indirect_dma semaphore(%run_scoped3A_285 : memref<!tpu.dma_semaphore, #tpu.memory_space<semaphore_mem>>) src(%dma_wait3A_297 : memref<16x128xf32, #tpu.memory_space<vmem>>) dst(%dma_wait3A_303 : memref<10240x128xf32, #tpu.memory_space<vmem_shared>>)
        tpu.yield
      }) : () -> ()
      %run_scoped3A_282 = arith.constant 5 : i32
      "tpu.region"() ({
        %run_scoped3A_285 = tpu.sem_alloc : memref<!tpu.dma_semaphore, #tpu.memory_space<semaphore_mem>>
        %dma_start3A_286 = arith.constant 80 : i32
        %dma_start3A_287 = arith.constant 0 : i32
        %dma_start3A_288 = tpu.memref_slice %arg15[%dma_start3A_286, %dma_start3A_287] : memref<128x128xf32, #tpu.memory_space<vmem>> -> memref<16x128xf32, #tpu.memory_space<vmem>>
        %dma_start3A_289 = arith.constant 0 : i32
        %dma_start3A_290 = tpu.memref_slice %arg13[%run_scoped3A_282, %dma_start3A_289] : memref<8x16xi32, #tpu.memory_space<vmem>> -> memref<1x16xi32, #tpu.memory_space<vmem>>
        %dma_start3A_291 = tpu.memref_squeeze %dma_start3A_290 : memref<1x16xi32, #tpu.memory_space<vmem>> -> memref<16xi32, #tpu.memory_space<vmem>>
        %dma_start3A_292 = arith.constant 0 : i32
        %dma_start3A_293 = arith.constant 0 : i32
        %dma_start3A_294 = tpu.memref_slice %arg9[%dma_start3A_292, %dma_start3A_293] : memref<10240x128xf32, #tpu.memory_space<vmem_shared>> -> memref<10240x128xf32, #tpu.memory_space<vmem_shared>>
        tpu.enqueue_indirect_dma source(%dma_start3A_288 : memref<16x128xf32, #tpu.memory_space<vmem>>) target(%dma_start3A_294 : memref<10240x128xf32, #tpu.memory_space<vmem_shared>>) offsets(%dma_start3A_291 : memref<16xi32, #tpu.memory_space<vmem>>) semaphore(%run_scoped3A_285 : memref<!tpu.dma_semaphore, #tpu.memory_space<semaphore_mem>>) {add = true}
        %dma_wait3A_295 = arith.constant 80 : i32
        %dma_wait3A_296 = arith.constant 0 : i32
        %dma_wait3A_297 = tpu.memref_slice %arg15[%dma_wait3A_295, %dma_wait3A_296] : memref<128x128xf32, #tpu.memory_space<vmem>> -> memref<16x128xf32, #tpu.memory_space<vmem>>
        %dma_wait3A_298 = arith.constant 0 : i32
        %dma_wait3A_299 = tpu.memref_slice %arg13[%run_scoped3A_282, %dma_wait3A_298] : memref<8x16xi32, #tpu.memory_space<vmem>> -> memref<1x16xi32, #tpu.memory_space<vmem>>
        %dma_wait3A_300 = tpu.memref_squeeze %dma_wait3A_299 : memref<1x16xi32, #tpu.memory_space<vmem>> -> memref<16xi32, #tpu.memory_space<vmem>>
        %dma_wait3A_301 = arith.constant 0 : i32
        %dma_wait3A_302 = arith.constant 0 : i32
        %dma_wait3A_303 = tpu.memref_slice %arg9[%dma_wait3A_301, %dma_wait3A_302] : memref<10240x128xf32, #tpu.memory_space<vmem_shared>> -> memref<10240x128xf32, #tpu.memory_space<vmem_shared>>
        tpu.wait_indirect_dma semaphore(%run_scoped3A_285 : memref<!tpu.dma_semaphore, #tpu.memory_space<semaphore_mem>>) src(%dma_wait3A_297 : memref<16x128xf32, #tpu.memory_space<vmem>>) dst(%dma_wait3A_303 : memref<10240x128xf32, #tpu.memory_space<vmem_shared>>)
        tpu.yield
      }) : () -> ()
      %run_scoped3A_283 = arith.constant 6 : i32
      "tpu.region"() ({
        %run_scoped3A_285 = tpu.sem_alloc : memref<!tpu.dma_semaphore, #tpu.memory_space<semaphore_mem>>
        %dma_start3A_286 = arith.constant 96 : i32
        %dma_start3A_287 = arith.constant 0 : i32
        %dma_start3A_288 = tpu.memref_slice %arg15[%dma_start3A_286, %dma_start3A_287] : memref<128x128xf32, #tpu.memory_space<vmem>> -> memref<16x128xf32, #tpu.memory_space<vmem>>
        %dma_start3A_289 = arith.constant 0 : i32
        %dma_start3A_290 = tpu.memref_slice %arg13[%run_scoped3A_283, %dma_start3A_289] : memref<8x16xi32, #tpu.memory_space<vmem>> -> memref<1x16xi32, #tpu.memory_space<vmem>>
        %dma_start3A_291 = tpu.memref_squeeze %dma_start3A_290 : memref<1x16xi32, #tpu.memory_space<vmem>> -> memref<16xi32, #tpu.memory_space<vmem>>
        %dma_start3A_292 = arith.constant 0 : i32
        %dma_start3A_293 = arith.constant 0 : i32
        %dma_start3A_294 = tpu.memref_slice %arg9[%dma_start3A_292, %dma_start3A_293] : memref<10240x128xf32, #tpu.memory_space<vmem_shared>> -> memref<10240x128xf32, #tpu.memory_space<vmem_shared>>
        tpu.enqueue_indirect_dma source(%dma_start3A_288 : memref<16x128xf32, #tpu.memory_space<vmem>>) target(%dma_start3A_294 : memref<10240x128xf32, #tpu.memory_space<vmem_shared>>) offsets(%dma_start3A_291 : memref<16xi32, #tpu.memory_space<vmem>>) semaphore(%run_scoped3A_285 : memref<!tpu.dma_semaphore, #tpu.memory_space<semaphore_mem>>) {add = true}
        %dma_wait3A_295 = arith.constant 96 : i32
        %dma_wait3A_296 = arith.constant 0 : i32
        %dma_wait3A_297 = tpu.memref_slice %arg15[%dma_wait3A_295, %dma_wait3A_296] : memref<128x128xf32, #tpu.memory_space<vmem>> -> memref<16x128xf32, #tpu.memory_space<vmem>>
        %dma_wait3A_298 = arith.constant 0 : i32
        %dma_wait3A_299 = tpu.memref_slice %arg13[%run_scoped3A_283, %dma_wait3A_298] : memref<8x16xi32, #tpu.memory_space<vmem>> -> memref<1x16xi32, #tpu.memory_space<vmem>>
        %dma_wait3A_300 = tpu.memref_squeeze %dma_wait3A_299 : memref<1x16xi32, #tpu.memory_space<vmem>> -> memref<16xi32, #tpu.memory_space<vmem>>
        %dma_wait3A_301 = arith.constant 0 : i32
        %dma_wait3A_302 = arith.constant 0 : i32
        %dma_wait3A_303 = tpu.memref_slice %arg9[%dma_wait3A_301, %dma_wait3A_302] : memref<10240x128xf32, #tpu.memory_space<vmem_shared>> -> memref<10240x128xf32, #tpu.memory_space<vmem_shared>>
        tpu.wait_indirect_dma semaphore(%run_scoped3A_285 : memref<!tpu.dma_semaphore, #tpu.memory_space<semaphore_mem>>) src(%dma_wait3A_297 : memref<16x128xf32, #tpu.memory_space<vmem>>) dst(%dma_wait3A_303 : memref<10240x128xf32, #tpu.memory_space<vmem_shared>>)
        tpu.yield
      }) : () -> ()
      %run_scoped3A_284 = arith.constant 7 : i32
      "tpu.region"() ({
        %run_scoped3A_285 = tpu.sem_alloc : memref<!tpu.dma_semaphore, #tpu.memory_space<semaphore_mem>>
        %dma_start3A_286 = arith.constant 112 : i32
        %dma_start3A_287 = arith.constant 0 : i32
        %dma_start3A_288 = tpu.memref_slice %arg15[%dma_start3A_286, %dma_start3A_287] : memref<128x128xf32, #tpu.memory_space<vmem>> -> memref<16x128xf32, #tpu.memory_space<vmem>>
        %dma_start3A_289 = arith.constant 0 : i32
        %dma_start3A_290 = tpu.memref_slice %arg13[%run_scoped3A_284, %dma_start3A_289] : memref<8x16xi32, #tpu.memory_space<vmem>> -> memref<1x16xi32, #tpu.memory_space<vmem>>
        %dma_start3A_291 = tpu.memref_squeeze %dma_start3A_290 : memref<1x16xi32, #tpu.memory_space<vmem>> -> memref<16xi32, #tpu.memory_space<vmem>>
        %dma_start3A_292 = arith.constant 0 : i32
        %dma_start3A_293 = arith.constant 0 : i32
        %dma_start3A_294 = tpu.memref_slice %arg9[%dma_start3A_292, %dma_start3A_293] : memref<10240x128xf32, #tpu.memory_space<vmem_shared>> -> memref<10240x128xf32, #tpu.memory_space<vmem_shared>>
        tpu.enqueue_indirect_dma source(%dma_start3A_288 : memref<16x128xf32, #tpu.memory_space<vmem>>) target(%dma_start3A_294 : memref<10240x128xf32, #tpu.memory_space<vmem_shared>>) offsets(%dma_start3A_291 : memref<16xi32, #tpu.memory_space<vmem>>) semaphore(%run_scoped3A_285 : memref<!tpu.dma_semaphore, #tpu.memory_space<semaphore_mem>>) {add = true}
        %dma_wait3A_295 = arith.constant 112 : i32
        %dma_wait3A_296 = arith.constant 0 : i32
        %dma_wait3A_297 = tpu.memref_slice %arg15[%dma_wait3A_295, %dma_wait3A_296] : memref<128x128xf32, #tpu.memory_space<vmem>> -> memref<16x128xf32, #tpu.memory_space<vmem>>
        %dma_wait3A_298 = arith.constant 0 : i32
        %dma_wait3A_299 = tpu.memref_slice %arg13[%run_scoped3A_284, %dma_wait3A_298] : memref<8x16xi32, #tpu.memory_space<vmem>> -> memref<1x16xi32, #tpu.memory_space<vmem>>
        %dma_wait3A_300 = tpu.memref_squeeze %dma_wait3A_299 : memref<1x16xi32, #tpu.memory_space<vmem>> -> memref<16xi32, #tpu.memory_space<vmem>>
        %dma_wait3A_301 = arith.constant 0 : i32
        %dma_wait3A_302 = arith.constant 0 : i32
        %dma_wait3A_303 = tpu.memref_slice %arg9[%dma_wait3A_301, %dma_wait3A_302] : memref<10240x128xf32, #tpu.memory_space<vmem_shared>> -> memref<10240x128xf32, #tpu.memory_space<vmem_shared>>
        tpu.wait_indirect_dma semaphore(%run_scoped3A_285 : memref<!tpu.dma_semaphore, #tpu.memory_space<semaphore_mem>>) src(%dma_wait3A_297 : memref<16x128xf32, #tpu.memory_space<vmem>>) dst(%dma_wait3A_303 : memref<10240x128xf32, #tpu.memory_space<vmem_shared>>)
        tpu.yield
      }) : () -> ()
    }
    %scan3A_47 = arith.constant 20 : i32
    %add3A_48 = arith.constant 40 : i32
    %add3A_49 = arith.addi %select_n3A, %add3A_48 : i32
    "tpu.region"() ({
      %run_scoped3A = tpu.sem_alloc : memref<!tpu.dma_semaphore, #tpu.memory_space<semaphore_mem>>
      %dma_start3A_92 = arith.constant 0 : i32
      %dma_start3A_93 = arith.constant 0 : i32
      %dma_start3A_94 = tpu.memref_slice %arg3[%add3A_49, %dma_start3A_92, %dma_start3A_93] : memref<2560x1x128xi32, #tpu.memory_space<hbm>> -> memref<40x1x128xi32, #tpu.memory_space<hbm>>
      %dma_start3A_95 = arith.constant 0 : i32
      %dma_start3A_96 = arith.constant 0 : i32
      %dma_start3A_97 = tpu.memref_slice %arg3[%add3A_49, %dma_start3A_95, %dma_start3A_96] : memref<2560x1x128xi32, #tpu.memory_space<hbm>> -> memref<40x1x128xi32, #tpu.memory_space<hbm>>
      tpu.enqueue_dma source(%dma_start3A_97 : memref<40x1x128xi32, #tpu.memory_space<hbm>>) target(%arg10 : memref<40x1x128xi32, #tpu.memory_space<vmem>>) target_semaphore(%run_scoped3A : memref<!tpu.dma_semaphore, #tpu.memory_space<semaphore_mem>>)
      %dma_wait3A = arith.constant 0 : i32
      %dma_wait3A_98 = arith.constant 0 : i32
      %dma_wait3A_99 = tpu.memref_slice %arg3[%add3A_49, %dma_wait3A, %dma_wait3A_98] : memref<2560x1x128xi32, #tpu.memory_space<hbm>> -> memref<40x1x128xi32, #tpu.memory_space<hbm>>
      %dma_wait3A_100 = arith.constant 0 : i32
      %dma_wait3A_101 = arith.constant 0 : i32
      %dma_wait3A_102 = tpu.memref_slice %arg3[%add3A_49, %dma_wait3A_100, %dma_wait3A_101] : memref<2560x1x128xi32, #tpu.memory_space<hbm>> -> memref<40x1x128xi32, #tpu.memory_space<hbm>>
      tpu.wait_dma2 semaphore(%run_scoped3A : memref<!tpu.dma_semaphore, #tpu.memory_space<semaphore_mem>>) src(%dma_wait3A_102 : memref<40x1x128xi32, #tpu.memory_space<hbm>>) dst(%arg10 : memref<40x1x128xi32, #tpu.memory_space<vmem>>)
      tpu.yield
    }) : () -> ()
    %add3A_50 = arith.constant 5120 : i32
    %add3A_51 = arith.addi %mul3A_20, %add3A_50 : i32
    "tpu.region"() ({
      %run_scoped3A = tpu.sem_alloc : memref<!tpu.dma_semaphore, #tpu.memory_space<semaphore_mem>>
      %dma_start3A_92 = tpu.memref_slice %arg4[%add3A_51] : memref<163840xi32, #tpu.memory_space<hbm>> -> memref<128xi32, #tpu.memory_space<hbm>>
      %dma_start3A_93 = tpu.memref_slice %arg4[%add3A_51] : memref<163840xi32, #tpu.memory_space<hbm>> -> memref<128xi32, #tpu.memory_space<hbm>>
      tpu.enqueue_dma source(%dma_start3A_93 : memref<128xi32, #tpu.memory_space<hbm>>) target(%arg11 : memref<128xi32, #tpu.memory_space<vmem>>) target_semaphore(%run_scoped3A : memref<!tpu.dma_semaphore, #tpu.memory_space<semaphore_mem>>)
      %dma_wait3A = tpu.memref_slice %arg4[%add3A_51] : memref<163840xi32, #tpu.memory_space<hbm>> -> memref<128xi32, #tpu.memory_space<hbm>>
      %dma_wait3A_94 = tpu.memref_slice %arg4[%add3A_51] : memref<163840xi32, #tpu.memory_space<hbm>> -> memref<128xi32, #tpu.memory_space<hbm>>
      tpu.wait_dma2 semaphore(%run_scoped3A : memref<!tpu.dma_semaphore, #tpu.memory_space<semaphore_mem>>) src(%dma_wait3A_94 : memref<128xi32, #tpu.memory_space<hbm>>) dst(%arg11 : memref<128xi32, #tpu.memory_space<vmem>>)
      tpu.yield
    }) : () -> ()
    %dma_start3A_52 = arith.constant 0 : i32
    %dma_start3A_53 = arith.constant 0 : i32
    %dma_start3A_54 = arith.constant 0 : i32
    %dma_start3A_55 = tpu.memref_slice %arg10[%dma_start3A_52, %dma_start3A_53, %dma_start3A_54] : memref<40x1x128xi32, #tpu.memory_space<vmem>> -> memref<1x1x128xi32, #tpu.memory_space<vmem>>
    %dma_start3A_56 = tpu.memref_squeeze %dma_start3A_55 : memref<1x1x128xi32, #tpu.memory_space<vmem>> -> memref<128xi32, #tpu.memory_space<vmem>>
    %dma_start3A_57 = arith.constant 0 : i32
    %dma_start3A_58 = arith.constant 0 : i32
    %dma_start3A_59 = tpu.memref_slice %arg2[%dma_start3A_57, %dma_start3A_58] : memref<20000x128xf32, #tpu.memory_space<hbm>> -> memref<20000x128xf32, #tpu.memory_space<hbm>>
    tpu.enqueue_indirect_dma source(%dma_start3A_59 : memref<20000x128xf32, #tpu.memory_space<hbm>>) target(%arg14 : memref<128x128xf32, #tpu.memory_space<vmem>>) offsets(%dma_start3A_56 : memref<128xi32, #tpu.memory_space<vmem>>) semaphore(%arg16 : memref<!tpu.dma_semaphore, #tpu.memory_space<semaphore_mem>>)
    %scan3A_60 = arith.constant 0 : i32
    %scan3A_61 = arith.constant 0 : i32
    %scan3A_62 = arith.constant 20 : i32
    %scan3A_63 = arith.addi %scan3A_61, %scan3A_62 : i32
    %scan3A_64 = arith.constant 1 : i32
    scf.for %scan3A_92 = %scan3A_61 to %scan3A_63 step %scan3A_64  : i32 {
      %mul3A_93 = arith.constant 2 : i32
      %mul3A_94 = arith.muli %mul3A_93, %scan3A_92 : i32
      %add3A_95 = arith.constant 1 : i32
      %add3A_96 = arith.addi %mul3A_94, %add3A_95 : i32
      %mul3A_97 = arith.constant 128 : i32
      %mul3A_98 = arith.muli %add3A_96, %mul3A_97 : i32
      %add3A_99 = arith.addi %add3A_51, %mul3A_98 : i32
      "tpu.region"() ({
        %run_scoped3A_285 = tpu.sem_alloc : memref<!tpu.dma_semaphore, #tpu.memory_space<semaphore_mem>>
        %dma_start3A_286 = tpu.memref_slice %arg4[%add3A_99] : memref<163840xi32, #tpu.memory_space<hbm>> -> memref<128xi32, #tpu.memory_space<hbm>>
        %dma_start3A_287 = tpu.memref_slice %arg4[%add3A_99] : memref<163840xi32, #tpu.memory_space<hbm>> -> memref<128xi32, #tpu.memory_space<hbm>>
        tpu.enqueue_dma source(%dma_start3A_287 : memref<128xi32, #tpu.memory_space<hbm>>) target(%arg12 : memref<128xi32, #tpu.memory_space<vmem>>) target_semaphore(%run_scoped3A_285 : memref<!tpu.dma_semaphore, #tpu.memory_space<semaphore_mem>>)
        %dma_wait3A_288 = tpu.memref_slice %arg4[%add3A_99] : memref<163840xi32, #tpu.memory_space<hbm>> -> memref<128xi32, #tpu.memory_space<hbm>>
        %dma_wait3A_289 = tpu.memref_slice %arg4[%add3A_99] : memref<163840xi32, #tpu.memory_space<hbm>> -> memref<128xi32, #tpu.memory_space<hbm>>
        tpu.wait_dma2 semaphore(%run_scoped3A_285 : memref<!tpu.dma_semaphore, #tpu.memory_space<semaphore_mem>>) src(%dma_wait3A_289 : memref<128xi32, #tpu.memory_space<hbm>>) dst(%arg12 : memref<128xi32, #tpu.memory_space<vmem>>)
        tpu.yield
      }) : () -> ()
      %add3A_100 = arith.constant 1 : i32
      %add3A_101 = arith.addi %mul3A_94, %add3A_100 : i32
      %dma_start3A_102 = arith.constant 0 : i32
      %dma_start3A_103 = arith.constant 0 : i32
      %dma_start3A_104 = tpu.memref_slice %arg10[%add3A_101, %dma_start3A_102, %dma_start3A_103] : memref<40x1x128xi32, #tpu.memory_space<vmem>> -> memref<1x1x128xi32, #tpu.memory_space<vmem>>
      %dma_start3A_105 = tpu.memref_squeeze %dma_start3A_104 : memref<1x1x128xi32, #tpu.memory_space<vmem>> -> memref<128xi32, #tpu.memory_space<vmem>>
      %dma_start3A_106 = arith.constant 0 : i32
      %dma_start3A_107 = arith.constant 0 : i32
      %dma_start3A_108 = tpu.memref_slice %arg2[%dma_start3A_106, %dma_start3A_107] : memref<20000x128xf32, #tpu.memory_space<hbm>> -> memref<20000x128xf32, #tpu.memory_space<hbm>>
      tpu.enqueue_indirect_dma source(%dma_start3A_108 : memref<20000x128xf32, #tpu.memory_space<hbm>>) target(%arg15 : memref<128x128xf32, #tpu.memory_space<vmem>>) offsets(%dma_start3A_105 : memref<128xi32, #tpu.memory_space<vmem>>) semaphore(%arg17 : memref<!tpu.dma_semaphore, #tpu.memory_space<semaphore_mem>>)
      %dma_wait3A = arith.constant 0 : i32
      %dma_wait3A_109 = arith.constant 0 : i32
      %dma_wait3A_110 = tpu.memref_slice %arg10[%mul3A_94, %dma_wait3A, %dma_wait3A_109] : memref<40x1x128xi32, #tpu.memory_space<vmem>> -> memref<1x1x128xi32, #tpu.memory_space<vmem>>
      %dma_wait3A_111 = tpu.memref_squeeze %dma_wait3A_110 : memref<1x1x128xi32, #tpu.memory_space<vmem>> -> memref<128xi32, #tpu.memory_space<vmem>>
      %dma_wait3A_112 = arith.constant 0 : i32
      %dma_wait3A_113 = arith.constant 0 : i32
      %dma_wait3A_114 = tpu.memref_slice %arg2[%dma_wait3A_112, %dma_wait3A_113] : memref<20000x128xf32, #tpu.memory_space<hbm>> -> memref<20000x128xf32, #tpu.memory_space<hbm>>
      tpu.wait_indirect_dma semaphore(%arg16 : memref<!tpu.dma_semaphore, #tpu.memory_space<semaphore_mem>>) src(%dma_wait3A_114 : memref<20000x128xf32, #tpu.memory_space<hbm>>) dst(%arg14 : memref<128x128xf32, #tpu.memory_space<vmem>>)
      %get3A = arith.constant 0 : index
      %get3A_115 = tpu.vector_load %arg11[%get3A] {strides = array<i32>} : memref<128xi32, #tpu.memory_space<vmem>>, vector<16xi32>,
      %get3A_116 = vector.shape_cast %get3A_115 : vector<16xi32> to vector<16xi32>
      %swap3A = arith.constant 0 : i32
      %swap3A_117 = arith.index_cast %swap3A : i32 to index
      %swap3A_118 = arith.constant 0 : index
      %swap3A_119 = tpu.vector_load %arg13[%swap3A_117, %swap3A_118] {strides = array<i32>} : memref<8x16xi32, #tpu.memory_space<vmem>>, vector<1x16xi32>,
      %swap3A_120 = vector.shape_cast %swap3A_119 : vector<1x16xi32> to vector<16xi32>
      %swap3A_121 = vector.shape_cast %get3A_116 : vector<16xi32> to vector<1x16xi32>
      tpu.vector_store %arg13[%swap3A_117, %swap3A_118], %swap3A_121 {strides = array<i32>} : memref<8x16xi32, #tpu.memory_space<vmem>>, vector<1x16xi32>,
      %get3A_122 = arith.constant 16 : index
      %get3A_123 = tpu.vector_load %arg11[%get3A_122] {strides = array<i32>} : memref<128xi32, #tpu.memory_space<vmem>>, vector<16xi32>,
      %get3A_124 = vector.shape_cast %get3A_123 : vector<16xi32> to vector<16xi32>
      %swap3A_125 = arith.constant 1 : i32
      %swap3A_126 = arith.index_cast %swap3A_125 : i32 to index
      %swap3A_127 = arith.constant 0 : index
      %swap3A_128 = tpu.vector_load %arg13[%swap3A_126, %swap3A_127] {strides = array<i32>} : memref<8x16xi32, #tpu.memory_space<vmem>>, vector<1x16xi32>,
      %swap3A_129 = vector.shape_cast %swap3A_128 : vector<1x16xi32> to vector<16xi32>
      %swap3A_130 = vector.shape_cast %get3A_124 : vector<16xi32> to vector<1x16xi32>
      tpu.vector_store %arg13[%swap3A_126, %swap3A_127], %swap3A_130 {strides = array<i32>} : memref<8x16xi32, #tpu.memory_space<vmem>>, vector<1x16xi32>,
      %get3A_131 = arith.constant 32 : index
      %get3A_132 = tpu.vector_load %arg11[%get3A_131] {strides = array<i32>} : memref<128xi32, #tpu.memory_space<vmem>>, vector<16xi32>,
      %get3A_133 = vector.shape_cast %get3A_132 : vector<16xi32> to vector<16xi32>
      %swap3A_134 = arith.constant 2 : i32
      %swap3A_135 = arith.index_cast %swap3A_134 : i32 to index
      %swap3A_136 = arith.constant 0 : index
      %swap3A_137 = tpu.vector_load %arg13[%swap3A_135, %swap3A_136] {strides = array<i32>} : memref<8x16xi32, #tpu.memory_space<vmem>>, vector<1x16xi32>,
      %swap3A_138 = vector.shape_cast %swap3A_137 : vector<1x16xi32> to vector<16xi32>
      %swap3A_139 = vector.shape_cast %get3A_133 : vector<16xi32> to vector<1x16xi32>
      tpu.vector_store %arg13[%swap3A_135, %swap3A_136], %swap3A_139 {strides = array<i32>} : memref<8x16xi32, #tpu.memory_space<vmem>>, vector<1x16xi32>,
      %get3A_140 = arith.constant 48 : index
      %get3A_141 = tpu.vector_load %arg11[%get3A_140] {strides = array<i32>} : memref<128xi32, #tpu.memory_space<vmem>>, vector<16xi32>,
      %get3A_142 = vector.shape_cast %get3A_141 : vector<16xi32> to vector<16xi32>
      %swap3A_143 = arith.constant 3 : i32
      %swap3A_144 = arith.index_cast %swap3A_143 : i32 to index
      %swap3A_145 = arith.constant 0 : index
      %swap3A_146 = tpu.vector_load %arg13[%swap3A_144, %swap3A_145] {strides = array<i32>} : memref<8x16xi32, #tpu.memory_space<vmem>>, vector<1x16xi32>,
      %swap3A_147 = vector.shape_cast %swap3A_146 : vector<1x16xi32> to vector<16xi32>
      %swap3A_148 = vector.shape_cast %get3A_142 : vector<16xi32> to vector<1x16xi32>
      tpu.vector_store %arg13[%swap3A_144, %swap3A_145], %swap3A_148 {strides = array<i32>} : memref<8x16xi32, #tpu.memory_space<vmem>>, vector<1x16xi32>,
      %get3A_149 = arith.constant 64 : index
      %get3A_150 = tpu.vector_load %arg11[%get3A_149] {strides = array<i32>} : memref<128xi32, #tpu.memory_space<vmem>>, vector<16xi32>,
      %get3A_151 = vector.shape_cast %get3A_150 : vector<16xi32> to vector<16xi32>
      %swap3A_152 = arith.constant 4 : i32
      %swap3A_153 = arith.index_cast %swap3A_152 : i32 to index
      %swap3A_154 = arith.constant 0 : index
      %swap3A_155 = tpu.vector_load %arg13[%swap3A_153, %swap3A_154] {strides = array<i32>} : memref<8x16xi32, #tpu.memory_space<vmem>>, vector<1x16xi32>,
      %swap3A_156 = vector.shape_cast %swap3A_155 : vector<1x16xi32> to vector<16xi32>
      %swap3A_157 = vector.shape_cast %get3A_151 : vector<16xi32> to vector<1x16xi32>
      tpu.vector_store %arg13[%swap3A_153, %swap3A_154], %swap3A_157 {strides = array<i32>} : memref<8x16xi32, #tpu.memory_space<vmem>>, vector<1x16xi32>,
      %get3A_158 = arith.constant 80 : index
      %get3A_159 = tpu.vector_load %arg11[%get3A_158] {strides = array<i32>} : memref<128xi32, #tpu.memory_space<vmem>>, vector<16xi32>,
      %get3A_160 = vector.shape_cast %get3A_159 : vector<16xi32> to vector<16xi32>
      %swap3A_161 = arith.constant 5 : i32
      %swap3A_162 = arith.index_cast %swap3A_161 : i32 to index
      %swap3A_163 = arith.constant 0 : index
      %swap3A_164 = tpu.vector_load %arg13[%swap3A_162, %swap3A_163] {strides = array<i32>} : memref<8x16xi32, #tpu.memory_space<vmem>>, vector<1x16xi32>,
      %swap3A_165 = vector.shape_cast %swap3A_164 : vector<1x16xi32> to vector<16xi32>
      %swap3A_166 = vector.shape_cast %get3A_160 : vector<16xi32> to vector<1x16xi32>
      tpu.vector_store %arg13[%swap3A_162, %swap3A_163], %swap3A_166 {strides = array<i32>} : memref<8x16xi32, #tpu.memory_space<vmem>>, vector<1x16xi32>,
      %get3A_167 = arith.constant 96 : index
      %get3A_168 = tpu.vector_load %arg11[%get3A_167] {strides = array<i32>} : memref<128xi32, #tpu.memory_space<vmem>>, vector<16xi32>,
      %get3A_169 = vector.shape_cast %get3A_168 : vector<16xi32> to vector<16xi32>
      %swap3A_170 = arith.constant 6 : i32
      %swap3A_171 = arith.index_cast %swap3A_170 : i32 to index
      %swap3A_172 = arith.constant 0 : index
      %swap3A_173 = tpu.vector_load %arg13[%swap3A_171, %swap3A_172] {strides = array<i32>} : memref<8x16xi32, #tpu.memory_space<vmem>>, vector<1x16xi32>,
      %swap3A_174 = vector.shape_cast %swap3A_173 : vector<1x16xi32> to vector<16xi32>
      %swap3A_175 = vector.shape_cast %get3A_169 : vector<16xi32> to vector<1x16xi32>
      tpu.vector_store %arg13[%swap3A_171, %swap3A_172], %swap3A_175 {strides = array<i32>} : memref<8x16xi32, #tpu.memory_space<vmem>>, vector<1x16xi32>,
      %get3A_176 = arith.constant 112 : index
      %get3A_177 = tpu.vector_load %arg11[%get3A_176] {strides = array<i32>} : memref<128xi32, #tpu.memory_space<vmem>>, vector<16xi32>,
      %get3A_178 = vector.shape_cast %get3A_177 : vector<16xi32> to vector<16xi32>
      %swap3A_179 = arith.constant 7 : i32
      %swap3A_180 = arith.index_cast %swap3A_179 : i32 to index
      %swap3A_181 = arith.constant 0 : index
      %swap3A_182 = tpu.vector_load %arg13[%swap3A_180, %swap3A_181] {strides = array<i32>} : memref<8x16xi32, #tpu.memory_space<vmem>>, vector<1x16xi32>,
      %swap3A_183 = vector.shape_cast %swap3A_182 : vector<1x16xi32> to vector<16xi32>
      %swap3A_184 = vector.shape_cast %get3A_178 : vector<16xi32> to vector<1x16xi32>
      tpu.vector_store %arg13[%swap3A_180, %swap3A_181], %swap3A_184 {strides = array<i32>} : memref<8x16xi32, #tpu.memory_space<vmem>>, vector<1x16xi32>,
      %run_scoped3A = arith.constant 0 : i32
      "tpu.region"() ({
        %run_scoped3A_285 = tpu.sem_alloc : memref<!tpu.dma_semaphore, #tpu.memory_space<semaphore_mem>>
        %dma_start3A_286 = arith.constant 0 : i32
        %dma_start3A_287 = arith.constant 0 : i32
        %dma_start3A_288 = tpu.memref_slice %arg14[%dma_start3A_286, %dma_start3A_287] : memref<128x128xf32, #tpu.memory_space<vmem>> -> memref<16x128xf32, #tpu.memory_space<vmem>>
        %dma_start3A_289 = arith.constant 0 : i32
        %dma_start3A_290 = tpu.memref_slice %arg13[%run_scoped3A, %dma_start3A_289] : memref<8x16xi32, #tpu.memory_space<vmem>> -> memref<1x16xi32, #tpu.memory_space<vmem>>
        %dma_start3A_291 = tpu.memref_squeeze %dma_start3A_290 : memref<1x16xi32, #tpu.memory_space<vmem>> -> memref<16xi32, #tpu.memory_space<vmem>>
        %dma_start3A_292 = arith.constant 0 : i32
        %dma_start3A_293 = arith.constant 0 : i32
        %dma_start3A_294 = tpu.memref_slice %arg9[%dma_start3A_292, %dma_start3A_293] : memref<10240x128xf32, #tpu.memory_space<vmem_shared>> -> memref<10240x128xf32, #tpu.memory_space<vmem_shared>>
        tpu.enqueue_indirect_dma source(%dma_start3A_288 : memref<16x128xf32, #tpu.memory_space<vmem>>) target(%dma_start3A_294 : memref<10240x128xf32, #tpu.memory_space<vmem_shared>>) offsets(%dma_start3A_291 : memref<16xi32, #tpu.memory_space<vmem>>) semaphore(%run_scoped3A_285 : memref<!tpu.dma_semaphore, #tpu.memory_space<semaphore_mem>>) {add = true}
        %dma_wait3A_295 = arith.constant 0 : i32
        %dma_wait3A_296 = arith.constant 0 : i32
        %dma_wait3A_297 = tpu.memref_slice %arg14[%dma_wait3A_295, %dma_wait3A_296] : memref<128x128xf32, #tpu.memory_space<vmem>> -> memref<16x128xf32, #tpu.memory_space<vmem>>
        %dma_wait3A_298 = arith.constant 0 : i32
        %dma_wait3A_299 = tpu.memref_slice %arg13[%run_scoped3A, %dma_wait3A_298] : memref<8x16xi32, #tpu.memory_space<vmem>> -> memref<1x16xi32, #tpu.memory_space<vmem>>
        %dma_wait3A_300 = tpu.memref_squeeze %dma_wait3A_299 : memref<1x16xi32, #tpu.memory_space<vmem>> -> memref<16xi32, #tpu.memory_space<vmem>>
        %dma_wait3A_301 = arith.constant 0 : i32
        %dma_wait3A_302 = arith.constant 0 : i32
        %dma_wait3A_303 = tpu.memref_slice %arg9[%dma_wait3A_301, %dma_wait3A_302] : memref<10240x128xf32, #tpu.memory_space<vmem_shared>> -> memref<10240x128xf32, #tpu.memory_space<vmem_shared>>
        tpu.wait_indirect_dma semaphore(%run_scoped3A_285 : memref<!tpu.dma_semaphore, #tpu.memory_space<semaphore_mem>>) src(%dma_wait3A_297 : memref<16x128xf32, #tpu.memory_space<vmem>>) dst(%dma_wait3A_303 : memref<10240x128xf32, #tpu.memory_space<vmem_shared>>)
        tpu.yield
      }) : () -> ()
      %run_scoped3A_185 = arith.constant 1 : i32
      "tpu.region"() ({
        %run_scoped3A_285 = tpu.sem_alloc : memref<!tpu.dma_semaphore, #tpu.memory_space<semaphore_mem>>
        %dma_start3A_286 = arith.constant 16 : i32
        %dma_start3A_287 = arith.constant 0 : i32
        %dma_start3A_288 = tpu.memref_slice %arg14[%dma_start3A_286, %dma_start3A_287] : memref<128x128xf32, #tpu.memory_space<vmem>> -> memref<16x128xf32, #tpu.memory_space<vmem>>
        %dma_start3A_289 = arith.constant 0 : i32
        %dma_start3A_290 = tpu.memref_slice %arg13[%run_scoped3A_185, %dma_start3A_289] : memref<8x16xi32, #tpu.memory_space<vmem>> -> memref<1x16xi32, #tpu.memory_space<vmem>>
        %dma_start3A_291 = tpu.memref_squeeze %dma_start3A_290 : memref<1x16xi32, #tpu.memory_space<vmem>> -> memref<16xi32, #tpu.memory_space<vmem>>
        %dma_start3A_292 = arith.constant 0 : i32
        %dma_start3A_293 = arith.constant 0 : i32
        %dma_start3A_294 = tpu.memref_slice %arg9[%dma_start3A_292, %dma_start3A_293] : memref<10240x128xf32, #tpu.memory_space<vmem_shared>> -> memref<10240x128xf32, #tpu.memory_space<vmem_shared>>
        tpu.enqueue_indirect_dma source(%dma_start3A_288 : memref<16x128xf32, #tpu.memory_space<vmem>>) target(%dma_start3A_294 : memref<10240x128xf32, #tpu.memory_space<vmem_shared>>) offsets(%dma_start3A_291 : memref<16xi32, #tpu.memory_space<vmem>>) semaphore(%run_scoped3A_285 : memref<!tpu.dma_semaphore, #tpu.memory_space<semaphore_mem>>) {add = true}
        %dma_wait3A_295 = arith.constant 16 : i32
        %dma_wait3A_296 = arith.constant 0 : i32
        %dma_wait3A_297 = tpu.memref_slice %arg14[%dma_wait3A_295, %dma_wait3A_296] : memref<128x128xf32, #tpu.memory_space<vmem>> -> memref<16x128xf32, #tpu.memory_space<vmem>>
        %dma_wait3A_298 = arith.constant 0 : i32
        %dma_wait3A_299 = tpu.memref_slice %arg13[%run_scoped3A_185, %dma_wait3A_298] : memref<8x16xi32, #tpu.memory_space<vmem>> -> memref<1x16xi32, #tpu.memory_space<vmem>>
        %dma_wait3A_300 = tpu.memref_squeeze %dma_wait3A_299 : memref<1x16xi32, #tpu.memory_space<vmem>> -> memref<16xi32, #tpu.memory_space<vmem>>
        %dma_wait3A_301 = arith.constant 0 : i32
        %dma_wait3A_302 = arith.constant 0 : i32
        %dma_wait3A_303 = tpu.memref_slice %arg9[%dma_wait3A_301, %dma_wait3A_302] : memref<10240x128xf32, #tpu.memory_space<vmem_shared>> -> memref<10240x128xf32, #tpu.memory_space<vmem_shared>>
        tpu.wait_indirect_dma semaphore(%run_scoped3A_285 : memref<!tpu.dma_semaphore, #tpu.memory_space<semaphore_mem>>) src(%dma_wait3A_297 : memref<16x128xf32, #tpu.memory_space<vmem>>) dst(%dma_wait3A_303 : memref<10240x128xf32, #tpu.memory_space<vmem_shared>>)
        tpu.yield
      }) : () -> ()
      %run_scoped3A_186 = arith.constant 2 : i32
      "tpu.region"() ({
        %run_scoped3A_285 = tpu.sem_alloc : memref<!tpu.dma_semaphore, #tpu.memory_space<semaphore_mem>>
        %dma_start3A_286 = arith.constant 32 : i32
        %dma_start3A_287 = arith.constant 0 : i32
        %dma_start3A_288 = tpu.memref_slice %arg14[%dma_start3A_286, %dma_start3A_287] : memref<128x128xf32, #tpu.memory_space<vmem>> -> memref<16x128xf32, #tpu.memory_space<vmem>>
        %dma_start3A_289 = arith.constant 0 : i32
        %dma_start3A_290 = tpu.memref_slice %arg13[%run_scoped3A_186, %dma_start3A_289] : memref<8x16xi32, #tpu.memory_space<vmem>> -> memref<1x16xi32, #tpu.memory_space<vmem>>
        %dma_start3A_291 = tpu.memref_squeeze %dma_start3A_290 : memref<1x16xi32, #tpu.memory_space<vmem>> -> memref<16xi32, #tpu.memory_space<vmem>>
        %dma_start3A_292 = arith.constant 0 : i32
        %dma_start3A_293 = arith.constant 0 : i32
        %dma_start3A_294 = tpu.memref_slice %arg9[%dma_start3A_292, %dma_start3A_293] : memref<10240x128xf32, #tpu.memory_space<vmem_shared>> -> memref<10240x128xf32, #tpu.memory_space<vmem_shared>>
        tpu.enqueue_indirect_dma source(%dma_start3A_288 : memref<16x128xf32, #tpu.memory_space<vmem>>) target(%dma_start3A_294 : memref<10240x128xf32, #tpu.memory_space<vmem_shared>>) offsets(%dma_start3A_291 : memref<16xi32, #tpu.memory_space<vmem>>) semaphore(%run_scoped3A_285 : memref<!tpu.dma_semaphore, #tpu.memory_space<semaphore_mem>>) {add = true}
        %dma_wait3A_295 = arith.constant 32 : i32
        %dma_wait3A_296 = arith.constant 0 : i32
        %dma_wait3A_297 = tpu.memref_slice %arg14[%dma_wait3A_295, %dma_wait3A_296] : memref<128x128xf32, #tpu.memory_space<vmem>> -> memref<16x128xf32, #tpu.memory_space<vmem>>
        %dma_wait3A_298 = arith.constant 0 : i32
        %dma_wait3A_299 = tpu.memref_slice %arg13[%run_scoped3A_186, %dma_wait3A_298] : memref<8x16xi32, #tpu.memory_space<vmem>> -> memref<1x16xi32, #tpu.memory_space<vmem>>
        %dma_wait3A_300 = tpu.memref_squeeze %dma_wait3A_299 : memref<1x16xi32, #tpu.memory_space<vmem>> -> memref<16xi32, #tpu.memory_space<vmem>>
        %dma_wait3A_301 = arith.constant 0 : i32
        %dma_wait3A_302 = arith.constant 0 : i32
        %dma_wait3A_303 = tpu.memref_slice %arg9[%dma_wait3A_301, %dma_wait3A_302] : memref<10240x128xf32, #tpu.memory_space<vmem_shared>> -> memref<10240x128xf32, #tpu.memory_space<vmem_shared>>
        tpu.wait_indirect_dma semaphore(%run_scoped3A_285 : memref<!tpu.dma_semaphore, #tpu.memory_space<semaphore_mem>>) src(%dma_wait3A_297 : memref<16x128xf32, #tpu.memory_space<vmem>>) dst(%dma_wait3A_303 : memref<10240x128xf32, #tpu.memory_space<vmem_shared>>)
        tpu.yield
      }) : () -> ()
      %run_scoped3A_187 = arith.constant 3 : i32
      "tpu.region"() ({
        %run_scoped3A_285 = tpu.sem_alloc : memref<!tpu.dma_semaphore, #tpu.memory_space<semaphore_mem>>
        %dma_start3A_286 = arith.constant 48 : i32
        %dma_start3A_287 = arith.constant 0 : i32
        %dma_start3A_288 = tpu.memref_slice %arg14[%dma_start3A_286, %dma_start3A_287] : memref<128x128xf32, #tpu.memory_space<vmem>> -> memref<16x128xf32, #tpu.memory_space<vmem>>
        %dma_start3A_289 = arith.constant 0 : i32
        %dma_start3A_290 = tpu.memref_slice %arg13[%run_scoped3A_187, %dma_start3A_289] : memref<8x16xi32, #tpu.memory_space<vmem>> -> memref<1x16xi32, #tpu.memory_space<vmem>>
        %dma_start3A_291 = tpu.memref_squeeze %dma_start3A_290 : memref<1x16xi32, #tpu.memory_space<vmem>> -> memref<16xi32, #tpu.memory_space<vmem>>
        %dma_start3A_292 = arith.constant 0 : i32
        %dma_start3A_293 = arith.constant 0 : i32
        %dma_start3A_294 = tpu.memref_slice %arg9[%dma_start3A_292, %dma_start3A_293] : memref<10240x128xf32, #tpu.memory_space<vmem_shared>> -> memref<10240x128xf32, #tpu.memory_space<vmem_shared>>
        tpu.enqueue_indirect_dma source(%dma_start3A_288 : memref<16x128xf32, #tpu.memory_space<vmem>>) target(%dma_start3A_294 : memref<10240x128xf32, #tpu.memory_space<vmem_shared>>) offsets(%dma_start3A_291 : memref<16xi32, #tpu.memory_space<vmem>>) semaphore(%run_scoped3A_285 : memref<!tpu.dma_semaphore, #tpu.memory_space<semaphore_mem>>) {add = true}
        %dma_wait3A_295 = arith.constant 48 : i32
        %dma_wait3A_296 = arith.constant 0 : i32
        %dma_wait3A_297 = tpu.memref_slice %arg14[%dma_wait3A_295, %dma_wait3A_296] : memref<128x128xf32, #tpu.memory_space<vmem>> -> memref<16x128xf32, #tpu.memory_space<vmem>>
        %dma_wait3A_298 = arith.constant 0 : i32
        %dma_wait3A_299 = tpu.memref_slice %arg13[%run_scoped3A_187, %dma_wait3A_298] : memref<8x16xi32, #tpu.memory_space<vmem>> -> memref<1x16xi32, #tpu.memory_space<vmem>>
        %dma_wait3A_300 = tpu.memref_squeeze %dma_wait3A_299 : memref<1x16xi32, #tpu.memory_space<vmem>> -> memref<16xi32, #tpu.memory_space<vmem>>
        %dma_wait3A_301 = arith.constant 0 : i32
        %dma_wait3A_302 = arith.constant 0 : i32
        %dma_wait3A_303 = tpu.memref_slice %arg9[%dma_wait3A_301, %dma_wait3A_302] : memref<10240x128xf32, #tpu.memory_space<vmem_shared>> -> memref<10240x128xf32, #tpu.memory_space<vmem_shared>>
        tpu.wait_indirect_dma semaphore(%run_scoped3A_285 : memref<!tpu.dma_semaphore, #tpu.memory_space<semaphore_mem>>) src(%dma_wait3A_297 : memref<16x128xf32, #tpu.memory_space<vmem>>) dst(%dma_wait3A_303 : memref<10240x128xf32, #tpu.memory_space<vmem_shared>>)
        tpu.yield
      }) : () -> ()
      %run_scoped3A_188 = arith.constant 4 : i32
      "tpu.region"() ({
        %run_scoped3A_285 = tpu.sem_alloc : memref<!tpu.dma_semaphore, #tpu.memory_space<semaphore_mem>>
        %dma_start3A_286 = arith.constant 64 : i32
        %dma_start3A_287 = arith.constant 0 : i32
        %dma_start3A_288 = tpu.memref_slice %arg14[%dma_start3A_286, %dma_start3A_287] : memref<128x128xf32, #tpu.memory_space<vmem>> -> memref<16x128xf32, #tpu.memory_space<vmem>>
        %dma_start3A_289 = arith.constant 0 : i32
        %dma_start3A_290 = tpu.memref_slice %arg13[%run_scoped3A_188, %dma_start3A_289] : memref<8x16xi32, #tpu.memory_space<vmem>> -> memref<1x16xi32, #tpu.memory_space<vmem>>
        %dma_start3A_291 = tpu.memref_squeeze %dma_start3A_290 : memref<1x16xi32, #tpu.memory_space<vmem>> -> memref<16xi32, #tpu.memory_space<vmem>>
        %dma_start3A_292 = arith.constant 0 : i32
        %dma_start3A_293 = arith.constant 0 : i32
        %dma_start3A_294 = tpu.memref_slice %arg9[%dma_start3A_292, %dma_start3A_293] : memref<10240x128xf32, #tpu.memory_space<vmem_shared>> -> memref<10240x128xf32, #tpu.memory_space<vmem_shared>>
        tpu.enqueue_indirect_dma source(%dma_start3A_288 : memref<16x128xf32, #tpu.memory_space<vmem>>) target(%dma_start3A_294 : memref<10240x128xf32, #tpu.memory_space<vmem_shared>>) offsets(%dma_start3A_291 : memref<16xi32, #tpu.memory_space<vmem>>) semaphore(%run_scoped3A_285 : memref<!tpu.dma_semaphore, #tpu.memory_space<semaphore_mem>>) {add = true}
        %dma_wait3A_295 = arith.constant 64 : i32
        %dma_wait3A_296 = arith.constant 0 : i32
        %dma_wait3A_297 = tpu.memref_slice %arg14[%dma_wait3A_295, %dma_wait3A_296] : memref<128x128xf32, #tpu.memory_space<vmem>> -> memref<16x128xf32, #tpu.memory_space<vmem>>
        %dma_wait3A_298 = arith.constant 0 : i32
        %dma_wait3A_299 = tpu.memref_slice %arg13[%run_scoped3A_188, %dma_wait3A_298] : memref<8x16xi32, #tpu.memory_space<vmem>> -> memref<1x16xi32, #tpu.memory_space<vmem>>
        %dma_wait3A_300 = tpu.memref_squeeze %dma_wait3A_299 : memref<1x16xi32, #tpu.memory_space<vmem>> -> memref<16xi32, #tpu.memory_space<vmem>>
        %dma_wait3A_301 = arith.constant 0 : i32
        %dma_wait3A_302 = arith.constant 0 : i32
        %dma_wait3A_303 = tpu.memref_slice %arg9[%dma_wait3A_301, %dma_wait3A_302] : memref<10240x128xf32, #tpu.memory_space<vmem_shared>> -> memref<10240x128xf32, #tpu.memory_space<vmem_shared>>
        tpu.wait_indirect_dma semaphore(%run_scoped3A_285 : memref<!tpu.dma_semaphore, #tpu.memory_space<semaphore_mem>>) src(%dma_wait3A_297 : memref<16x128xf32, #tpu.memory_space<vmem>>) dst(%dma_wait3A_303 : memref<10240x128xf32, #tpu.memory_space<vmem_shared>>)
        tpu.yield
      }) : () -> ()
      %run_scoped3A_189 = arith.constant 5 : i32
      "tpu.region"() ({
        %run_scoped3A_285 = tpu.sem_alloc : memref<!tpu.dma_semaphore, #tpu.memory_space<semaphore_mem>>
        %dma_start3A_286 = arith.constant 80 : i32
        %dma_start3A_287 = arith.constant 0 : i32
        %dma_start3A_288 = tpu.memref_slice %arg14[%dma_start3A_286, %dma_start3A_287] : memref<128x128xf32, #tpu.memory_space<vmem>> -> memref<16x128xf32, #tpu.memory_space<vmem>>
        %dma_start3A_289 = arith.constant 0 : i32
        %dma_start3A_290 = tpu.memref_slice %arg13[%run_scoped3A_189, %dma_start3A_289] : memref<8x16xi32, #tpu.memory_space<vmem>> -> memref<1x16xi32, #tpu.memory_space<vmem>>
        %dma_start3A_291 = tpu.memref_squeeze %dma_start3A_290 : memref<1x16xi32, #tpu.memory_space<vmem>> -> memref<16xi32, #tpu.memory_space<vmem>>
        %dma_start3A_292 = arith.constant 0 : i32
        %dma_start3A_293 = arith.constant 0 : i32
        %dma_start3A_294 = tpu.memref_slice %arg9[%dma_start3A_292, %dma_start3A_293] : memref<10240x128xf32, #tpu.memory_space<vmem_shared>> -> memref<10240x128xf32, #tpu.memory_space<vmem_shared>>
        tpu.enqueue_indirect_dma source(%dma_start3A_288 : memref<16x128xf32, #tpu.memory_space<vmem>>) target(%dma_start3A_294 : memref<10240x128xf32, #tpu.memory_space<vmem_shared>>) offsets(%dma_start3A_291 : memref<16xi32, #tpu.memory_space<vmem>>) semaphore(%run_scoped3A_285 : memref<!tpu.dma_semaphore, #tpu.memory_space<semaphore_mem>>) {add = true}
        %dma_wait3A_295 = arith.constant 80 : i32
        %dma_wait3A_296 = arith.constant 0 : i32
        %dma_wait3A_297 = tpu.memref_slice %arg14[%dma_wait3A_295, %dma_wait3A_296] : memref<128x128xf32, #tpu.memory_space<vmem>> -> memref<16x128xf32, #tpu.memory_space<vmem>>
        %dma_wait3A_298 = arith.constant 0 : i32
        %dma_wait3A_299 = tpu.memref_slice %arg13[%run_scoped3A_189, %dma_wait3A_298] : memref<8x16xi32, #tpu.memory_space<vmem>> -> memref<1x16xi32, #tpu.memory_space<vmem>>
        %dma_wait3A_300 = tpu.memref_squeeze %dma_wait3A_299 : memref<1x16xi32, #tpu.memory_space<vmem>> -> memref<16xi32, #tpu.memory_space<vmem>>
        %dma_wait3A_301 = arith.constant 0 : i32
        %dma_wait3A_302 = arith.constant 0 : i32
        %dma_wait3A_303 = tpu.memref_slice %arg9[%dma_wait3A_301, %dma_wait3A_302] : memref<10240x128xf32, #tpu.memory_space<vmem_shared>> -> memref<10240x128xf32, #tpu.memory_space<vmem_shared>>
        tpu.wait_indirect_dma semaphore(%run_scoped3A_285 : memref<!tpu.dma_semaphore, #tpu.memory_space<semaphore_mem>>) src(%dma_wait3A_297 : memref<16x128xf32, #tpu.memory_space<vmem>>) dst(%dma_wait3A_303 : memref<10240x128xf32, #tpu.memory_space<vmem_shared>>)
        tpu.yield
      }) : () -> ()
      %run_scoped3A_190 = arith.constant 6 : i32
      "tpu.region"() ({
        %run_scoped3A_285 = tpu.sem_alloc : memref<!tpu.dma_semaphore, #tpu.memory_space<semaphore_mem>>
        %dma_start3A_286 = arith.constant 96 : i32
        %dma_start3A_287 = arith.constant 0 : i32
        %dma_start3A_288 = tpu.memref_slice %arg14[%dma_start3A_286, %dma_start3A_287] : memref<128x128xf32, #tpu.memory_space<vmem>> -> memref<16x128xf32, #tpu.memory_space<vmem>>
        %dma_start3A_289 = arith.constant 0 : i32
        %dma_start3A_290 = tpu.memref_slice %arg13[%run_scoped3A_190, %dma_start3A_289] : memref<8x16xi32, #tpu.memory_space<vmem>> -> memref<1x16xi32, #tpu.memory_space<vmem>>
        %dma_start3A_291 = tpu.memref_squeeze %dma_start3A_290 : memref<1x16xi32, #tpu.memory_space<vmem>> -> memref<16xi32, #tpu.memory_space<vmem>>
        %dma_start3A_292 = arith.constant 0 : i32
        %dma_start3A_293 = arith.constant 0 : i32
        %dma_start3A_294 = tpu.memref_slice %arg9[%dma_start3A_292, %dma_start3A_293] : memref<10240x128xf32, #tpu.memory_space<vmem_shared>> -> memref<10240x128xf32, #tpu.memory_space<vmem_shared>>
        tpu.enqueue_indirect_dma source(%dma_start3A_288 : memref<16x128xf32, #tpu.memory_space<vmem>>) target(%dma_start3A_294 : memref<10240x128xf32, #tpu.memory_space<vmem_shared>>) offsets(%dma_start3A_291 : memref<16xi32, #tpu.memory_space<vmem>>) semaphore(%run_scoped3A_285 : memref<!tpu.dma_semaphore, #tpu.memory_space<semaphore_mem>>) {add = true}
        %dma_wait3A_295 = arith.constant 96 : i32
        %dma_wait3A_296 = arith.constant 0 : i32
        %dma_wait3A_297 = tpu.memref_slice %arg14[%dma_wait3A_295, %dma_wait3A_296] : memref<128x128xf32, #tpu.memory_space<vmem>> -> memref<16x128xf32, #tpu.memory_space<vmem>>
        %dma_wait3A_298 = arith.constant 0 : i32
        %dma_wait3A_299 = tpu.memref_slice %arg13[%run_scoped3A_190, %dma_wait3A_298] : memref<8x16xi32, #tpu.memory_space<vmem>> -> memref<1x16xi32, #tpu.memory_space<vmem>>
        %dma_wait3A_300 = tpu.memref_squeeze %dma_wait3A_299 : memref<1x16xi32, #tpu.memory_space<vmem>> -> memref<16xi32, #tpu.memory_space<vmem>>
        %dma_wait3A_301 = arith.constant 0 : i32
        %dma_wait3A_302 = arith.constant 0 : i32
        %dma_wait3A_303 = tpu.memref_slice %arg9[%dma_wait3A_301, %dma_wait3A_302] : memref<10240x128xf32, #tpu.memory_space<vmem_shared>> -> memref<10240x128xf32, #tpu.memory_space<vmem_shared>>
        tpu.wait_indirect_dma semaphore(%run_scoped3A_285 : memref<!tpu.dma_semaphore, #tpu.memory_space<semaphore_mem>>) src(%dma_wait3A_297 : memref<16x128xf32, #tpu.memory_space<vmem>>) dst(%dma_wait3A_303 : memref<10240x128xf32, #tpu.memory_space<vmem_shared>>)
        tpu.yield
      }) : () -> ()
      %run_scoped3A_191 = arith.constant 7 : i32
      "tpu.region"() ({
        %run_scoped3A_285 = tpu.sem_alloc : memref<!tpu.dma_semaphore, #tpu.memory_space<semaphore_mem>>
        %dma_start3A_286 = arith.constant 112 : i32
        %dma_start3A_287 = arith.constant 0 : i32
        %dma_start3A_288 = tpu.memref_slice %arg14[%dma_start3A_286, %dma_start3A_287] : memref<128x128xf32, #tpu.memory_space<vmem>> -> memref<16x128xf32, #tpu.memory_space<vmem>>
        %dma_start3A_289 = arith.constant 0 : i32
        %dma_start3A_290 = tpu.memref_slice %arg13[%run_scoped3A_191, %dma_start3A_289] : memref<8x16xi32, #tpu.memory_space<vmem>> -> memref<1x16xi32, #tpu.memory_space<vmem>>
        %dma_start3A_291 = tpu.memref_squeeze %dma_start3A_290 : memref<1x16xi32, #tpu.memory_space<vmem>> -> memref<16xi32, #tpu.memory_space<vmem>>
        %dma_start3A_292 = arith.constant 0 : i32
        %dma_start3A_293 = arith.constant 0 : i32
        %dma_start3A_294 = tpu.memref_slice %arg9[%dma_start3A_292, %dma_start3A_293] : memref<10240x128xf32, #tpu.memory_space<vmem_shared>> -> memref<10240x128xf32, #tpu.memory_space<vmem_shared>>
        tpu.enqueue_indirect_dma source(%dma_start3A_288 : memref<16x128xf32, #tpu.memory_space<vmem>>) target(%dma_start3A_294 : memref<10240x128xf32, #tpu.memory_space<vmem_shared>>) offsets(%dma_start3A_291 : memref<16xi32, #tpu.memory_space<vmem>>) semaphore(%run_scoped3A_285 : memref<!tpu.dma_semaphore, #tpu.memory_space<semaphore_mem>>) {add = true}
        %dma_wait3A_295 = arith.constant 112 : i32
        %dma_wait3A_296 = arith.constant 0 : i32
        %dma_wait3A_297 = tpu.memref_slice %arg14[%dma_wait3A_295, %dma_wait3A_296] : memref<128x128xf32, #tpu.memory_space<vmem>> -> memref<16x128xf32, #tpu.memory_space<vmem>>
        %dma_wait3A_298 = arith.constant 0 : i32
        %dma_wait3A_299 = tpu.memref_slice %arg13[%run_scoped3A_191, %dma_wait3A_298] : memref<8x16xi32, #tpu.memory_space<vmem>> -> memref<1x16xi32, #tpu.memory_space<vmem>>
        %dma_wait3A_300 = tpu.memref_squeeze %dma_wait3A_299 : memref<1x16xi32, #tpu.memory_space<vmem>> -> memref<16xi32, #tpu.memory_space<vmem>>
        %dma_wait3A_301 = arith.constant 0 : i32
        %dma_wait3A_302 = arith.constant 0 : i32
        %dma_wait3A_303 = tpu.memref_slice %arg9[%dma_wait3A_301, %dma_wait3A_302] : memref<10240x128xf32, #tpu.memory_space<vmem_shared>> -> memref<10240x128xf32, #tpu.memory_space<vmem_shared>>
        tpu.wait_indirect_dma semaphore(%run_scoped3A_285 : memref<!tpu.dma_semaphore, #tpu.memory_space<semaphore_mem>>) src(%dma_wait3A_297 : memref<16x128xf32, #tpu.memory_space<vmem>>) dst(%dma_wait3A_303 : memref<10240x128xf32, #tpu.memory_space<vmem_shared>>)
        tpu.yield
      }) : () -> ()
      %add3A_192 = arith.constant 2 : i32
      %add3A_193 = arith.addi %mul3A_94, %add3A_192 : i32
      %lt3A = arith.constant 40 : i32
      %lt3A_194 = arith.cmpi slt, %add3A_193, %lt3A : i32
      %convert_element_type3A = arith.extui %lt3A_194 : i1 to i32
      %cond3A = arith.constant 0 : i32
      %cond3A_195 = arith.cmpi ne, %convert_element_type3A, %cond3A : i32
      scf.if %cond3A_195 {
        %add3A_285 = arith.constant 2 : i32
        %add3A_286 = arith.addi %mul3A_94, %add3A_285 : i32
        %mul3A_287 = arith.constant 128 : i32
        %mul3A_288 = arith.muli %add3A_286, %mul3A_287 : i32
        %add3A_289 = arith.addi %add3A_51, %mul3A_288 : i32
        "tpu.region"() ({
          %run_scoped3A_299 = tpu.sem_alloc : memref<!tpu.dma_semaphore, #tpu.memory_space<semaphore_mem>>
          %dma_start3A_300 = tpu.memref_slice %arg4[%add3A_289] : memref<163840xi32, #tpu.memory_space<hbm>> -> memref<128xi32, #tpu.memory_space<hbm>>
          %dma_start3A_301 = tpu.memref_slice %arg4[%add3A_289] : memref<163840xi32, #tpu.memory_space<hbm>> -> memref<128xi32, #tpu.memory_space<hbm>>
          tpu.enqueue_dma source(%dma_start3A_301 : memref<128xi32, #tpu.memory_space<hbm>>) target(%arg11 : memref<128xi32, #tpu.memory_space<vmem>>) target_semaphore(%run_scoped3A_299 : memref<!tpu.dma_semaphore, #tpu.memory_space<semaphore_mem>>)
          %dma_wait3A_302 = tpu.memref_slice %arg4[%add3A_289] : memref<163840xi32, #tpu.memory_space<hbm>> -> memref<128xi32, #tpu.memory_space<hbm>>
          %dma_wait3A_303 = tpu.memref_slice %arg4[%add3A_289] : memref<163840xi32, #tpu.memory_space<hbm>> -> memref<128xi32, #tpu.memory_space<hbm>>
          tpu.wait_dma2 semaphore(%run_scoped3A_299 : memref<!tpu.dma_semaphore, #tpu.memory_space<semaphore_mem>>) src(%dma_wait3A_303 : memref<128xi32, #tpu.memory_space<hbm>>) dst(%arg11 : memref<128xi32, #tpu.memory_space<vmem>>)
          tpu.yield
        }) : () -> ()
        %add3A_290 = arith.constant 2 : i32
        %add3A_291 = arith.addi %mul3A_94, %add3A_290 : i32
        %dma_start3A_292 = arith.constant 0 : i32
        %dma_start3A_293 = arith.constant 0 : i32
        %dma_start3A_294 = tpu.memref_slice %arg10[%add3A_291, %dma_start3A_292, %dma_start3A_293] : memref<40x1x128xi32, #tpu.memory_space<vmem>> -> memref<1x1x128xi32, #tpu.memory_space<vmem>>
        %dma_start3A_295 = tpu.memref_squeeze %dma_start3A_294 : memref<1x1x128xi32, #tpu.memory_space<vmem>> -> memref<128xi32, #tpu.memory_space<vmem>>
        %dma_start3A_296 = arith.constant 0 : i32
        %dma_start3A_297 = arith.constant 0 : i32
        %dma_start3A_298 = tpu.memref_slice %arg2[%dma_start3A_296, %dma_start3A_297] : memref<20000x128xf32, #tpu.memory_space<hbm>> -> memref<20000x128xf32, #tpu.memory_space<hbm>>
        tpu.enqueue_indirect_dma source(%dma_start3A_298 : memref<20000x128xf32, #tpu.memory_space<hbm>>) target(%arg14 : memref<128x128xf32, #tpu.memory_space<vmem>>) offsets(%dma_start3A_295 : memref<128xi32, #tpu.memory_space<vmem>>) semaphore(%arg16 : memref<!tpu.dma_semaphore, #tpu.memory_space<semaphore_mem>>)
      } else {
      }
      %add3A_196 = arith.constant 1 : i32
      %add3A_197 = arith.addi %mul3A_94, %add3A_196 : i32
      %dma_wait3A_198 = arith.constant 0 : i32
      %dma_wait3A_199 = arith.constant 0 : i32
      %dma_wait3A_200 = tpu.memref_slice %arg10[%add3A_197, %dma_wait3A_198, %dma_wait3A_199] : memref<40x1x128xi32, #tpu.memory_space<vmem>> -> memref<1x1x128xi32, #tpu.memory_space<vmem>>
      %dma_wait3A_201 = tpu.memref_squeeze %dma_wait3A_200 : memref<1x1x128xi32, #tpu.memory_space<vmem>> -> memref<128xi32, #tpu.memory_space<vmem>>
      %dma_wait3A_202 = arith.constant 0 : i32
      %dma_wait3A_203 = arith.constant 0 : i32
      %dma_wait3A_204 = tpu.memref_slice %arg2[%dma_wait3A_202, %dma_wait3A_203] : memref<20000x128xf32, #tpu.memory_space<hbm>> -> memref<20000x128xf32, #tpu.memory_space<hbm>>
      tpu.wait_indirect_dma semaphore(%arg17 : memref<!tpu.dma_semaphore, #tpu.memory_space<semaphore_mem>>) src(%dma_wait3A_204 : memref<20000x128xf32, #tpu.memory_space<hbm>>) dst(%arg15 : memref<128x128xf32, #tpu.memory_space<vmem>>)
      %get3A_205 = arith.constant 0 : index
      %get3A_206 = tpu.vector_load %arg12[%get3A_205] {strides = array<i32>} : memref<128xi32, #tpu.memory_space<vmem>>, vector<16xi32>,
      %get3A_207 = vector.shape_cast %get3A_206 : vector<16xi32> to vector<16xi32>
      %swap3A_208 = arith.constant 0 : i32
      %swap3A_209 = arith.index_cast %swap3A_208 : i32 to index
      %swap3A_210 = arith.constant 0 : index
      %swap3A_211 = tpu.vector_load %arg13[%swap3A_209, %swap3A_210] {strides = array<i32>} : memref<8x16xi32, #tpu.memory_space<vmem>>, vector<1x16xi32>,
      %swap3A_212 = vector.shape_cast %swap3A_211 : vector<1x16xi32> to vector<16xi32>
      %swap3A_213 = vector.shape_cast %get3A_207 : vector<16xi32> to vector<1x16xi32>
      tpu.vector_store %arg13[%swap3A_209, %swap3A_210], %swap3A_213 {strides = array<i32>} : memref<8x16xi32, #tpu.memory_space<vmem>>, vector<1x16xi32>,
      %get3A_214 = arith.constant 16 : index
      %get3A_215 = tpu.vector_load %arg12[%get3A_214] {strides = array<i32>} : memref<128xi32, #tpu.memory_space<vmem>>, vector<16xi32>,
      %get3A_216 = vector.shape_cast %get3A_215 : vector<16xi32> to vector<16xi32>
      %swap3A_217 = arith.constant 1 : i32
      %swap3A_218 = arith.index_cast %swap3A_217 : i32 to index
      %swap3A_219 = arith.constant 0 : index
      %swap3A_220 = tpu.vector_load %arg13[%swap3A_218, %swap3A_219] {strides = array<i32>} : memref<8x16xi32, #tpu.memory_space<vmem>>, vector<1x16xi32>,
      %swap3A_221 = vector.shape_cast %swap3A_220 : vector<1x16xi32> to vector<16xi32>
      %swap3A_222 = vector.shape_cast %get3A_216 : vector<16xi32> to vector<1x16xi32>
      tpu.vector_store %arg13[%swap3A_218, %swap3A_219], %swap3A_222 {strides = array<i32>} : memref<8x16xi32, #tpu.memory_space<vmem>>, vector<1x16xi32>,
      %get3A_223 = arith.constant 32 : index
      %get3A_224 = tpu.vector_load %arg12[%get3A_223] {strides = array<i32>} : memref<128xi32, #tpu.memory_space<vmem>>, vector<16xi32>,
      %get3A_225 = vector.shape_cast %get3A_224 : vector<16xi32> to vector<16xi32>
      %swap3A_226 = arith.constant 2 : i32
      %swap3A_227 = arith.index_cast %swap3A_226 : i32 to index
      %swap3A_228 = arith.constant 0 : index
      %swap3A_229 = tpu.vector_load %arg13[%swap3A_227, %swap3A_228] {strides = array<i32>} : memref<8x16xi32, #tpu.memory_space<vmem>>, vector<1x16xi32>,
      %swap3A_230 = vector.shape_cast %swap3A_229 : vector<1x16xi32> to vector<16xi32>
      %swap3A_231 = vector.shape_cast %get3A_225 : vector<16xi32> to vector<1x16xi32>
      tpu.vector_store %arg13[%swap3A_227, %swap3A_228], %swap3A_231 {strides = array<i32>} : memref<8x16xi32, #tpu.memory_space<vmem>>, vector<1x16xi32>,
      %get3A_232 = arith.constant 48 : index
      %get3A_233 = tpu.vector_load %arg12[%get3A_232] {strides = array<i32>} : memref<128xi32, #tpu.memory_space<vmem>>, vector<16xi32>,
      %get3A_234 = vector.shape_cast %get3A_233 : vector<16xi32> to vector<16xi32>
      %swap3A_235 = arith.constant 3 : i32
      %swap3A_236 = arith.index_cast %swap3A_235 : i32 to index
      %swap3A_237 = arith.constant 0 : index
      %swap3A_238 = tpu.vector_load %arg13[%swap3A_236, %swap3A_237] {strides = array<i32>} : memref<8x16xi32, #tpu.memory_space<vmem>>, vector<1x16xi32>,
      %swap3A_239 = vector.shape_cast %swap3A_238 : vector<1x16xi32> to vector<16xi32>
      %swap3A_240 = vector.shape_cast %get3A_234 : vector<16xi32> to vector<1x16xi32>
      tpu.vector_store %arg13[%swap3A_236, %swap3A_237], %swap3A_240 {strides = array<i32>} : memref<8x16xi32, #tpu.memory_space<vmem>>, vector<1x16xi32>,
      %get3A_241 = arith.constant 64 : index
      %get3A_242 = tpu.vector_load %arg12[%get3A_241] {strides = array<i32>} : memref<128xi32, #tpu.memory_space<vmem>>, vector<16xi32>,
      %get3A_243 = vector.shape_cast %get3A_242 : vector<16xi32> to vector<16xi32>
      %swap3A_244 = arith.constant 4 : i32
      %swap3A_245 = arith.index_cast %swap3A_244 : i32 to index
      %swap3A_246 = arith.constant 0 : index
      %swap3A_247 = tpu.vector_load %arg13[%swap3A_245, %swap3A_246] {strides = array<i32>} : memref<8x16xi32, #tpu.memory_space<vmem>>, vector<1x16xi32>,
      %swap3A_248 = vector.shape_cast %swap3A_247 : vector<1x16xi32> to vector<16xi32>
      %swap3A_249 = vector.shape_cast %get3A_243 : vector<16xi32> to vector<1x16xi32>
      tpu.vector_store %arg13[%swap3A_245, %swap3A_246], %swap3A_249 {strides = array<i32>} : memref<8x16xi32, #tpu.memory_space<vmem>>, vector<1x16xi32>,
      %get3A_250 = arith.constant 80 : index
      %get3A_251 = tpu.vector_load %arg12[%get3A_250] {strides = array<i32>} : memref<128xi32, #tpu.memory_space<vmem>>, vector<16xi32>,
      %get3A_252 = vector.shape_cast %get3A_251 : vector<16xi32> to vector<16xi32>
      %swap3A_253 = arith.constant 5 : i32
      %swap3A_254 = arith.index_cast %swap3A_253 : i32 to index
      %swap3A_255 = arith.constant 0 : index
      %swap3A_256 = tpu.vector_load %arg13[%swap3A_254, %swap3A_255] {strides = array<i32>} : memref<8x16xi32, #tpu.memory_space<vmem>>, vector<1x16xi32>,
      %swap3A_257 = vector.shape_cast %swap3A_256 : vector<1x16xi32> to vector<16xi32>
      %swap3A_258 = vector.shape_cast %get3A_252 : vector<16xi32> to vector<1x16xi32>
      tpu.vector_store %arg13[%swap3A_254, %swap3A_255], %swap3A_258 {strides = array<i32>} : memref<8x16xi32, #tpu.memory_space<vmem>>, vector<1x16xi32>,
      %get3A_259 = arith.constant 96 : index
      %get3A_260 = tpu.vector_load %arg12[%get3A_259] {strides = array<i32>} : memref<128xi32, #tpu.memory_space<vmem>>, vector<16xi32>,
      %get3A_261 = vector.shape_cast %get3A_260 : vector<16xi32> to vector<16xi32>
      %swap3A_262 = arith.constant 6 : i32
      %swap3A_263 = arith.index_cast %swap3A_262 : i32 to index
      %swap3A_264 = arith.constant 0 : index
      %swap3A_265 = tpu.vector_load %arg13[%swap3A_263, %swap3A_264] {strides = array<i32>} : memref<8x16xi32, #tpu.memory_space<vmem>>, vector<1x16xi32>,
      %swap3A_266 = vector.shape_cast %swap3A_265 : vector<1x16xi32> to vector<16xi32>
      %swap3A_267 = vector.shape_cast %get3A_261 : vector<16xi32> to vector<1x16xi32>
      tpu.vector_store %arg13[%swap3A_263, %swap3A_264], %swap3A_267 {strides = array<i32>} : memref<8x16xi32, #tpu.memory_space<vmem>>, vector<1x16xi32>,
      %get3A_268 = arith.constant 112 : index
      %get3A_269 = tpu.vector_load %arg12[%get3A_268] {strides = array<i32>} : memref<128xi32, #tpu.memory_space<vmem>>, vector<16xi32>,
      %get3A_270 = vector.shape_cast %get3A_269 : vector<16xi32> to vector<16xi32>
      %swap3A_271 = arith.constant 7 : i32
      %swap3A_272 = arith.index_cast %swap3A_271 : i32 to index
      %swap3A_273 = arith.constant 0 : index
      %swap3A_274 = tpu.vector_load %arg13[%swap3A_272, %swap3A_273] {strides = array<i32>} : memref<8x16xi32, #tpu.memory_space<vmem>>, vector<1x16xi32>,
      %swap3A_275 = vector.shape_cast %swap3A_274 : vector<1x16xi32> to vector<16xi32>
      %swap3A_276 = vector.shape_cast %get3A_270 : vector<16xi32> to vector<1x16xi32>
      tpu.vector_store %arg13[%swap3A_272, %swap3A_273], %swap3A_276 {strides = array<i32>} : memref<8x16xi32, #tpu.memory_space<vmem>>, vector<1x16xi32>,
      %run_scoped3A_277 = arith.constant 0 : i32
      "tpu.region"() ({
        %run_scoped3A_285 = tpu.sem_alloc : memref<!tpu.dma_semaphore, #tpu.memory_space<semaphore_mem>>
        %dma_start3A_286 = arith.constant 0 : i32
        %dma_start3A_287 = arith.constant 0 : i32
        %dma_start3A_288 = tpu.memref_slice %arg15[%dma_start3A_286, %dma_start3A_287] : memref<128x128xf32, #tpu.memory_space<vmem>> -> memref<16x128xf32, #tpu.memory_space<vmem>>
        %dma_start3A_289 = arith.constant 0 : i32
        %dma_start3A_290 = tpu.memref_slice %arg13[%run_scoped3A_277, %dma_start3A_289] : memref<8x16xi32, #tpu.memory_space<vmem>> -> memref<1x16xi32, #tpu.memory_space<vmem>>
        %dma_start3A_291 = tpu.memref_squeeze %dma_start3A_290 : memref<1x16xi32, #tpu.memory_space<vmem>> -> memref<16xi32, #tpu.memory_space<vmem>>
        %dma_start3A_292 = arith.constant 0 : i32
        %dma_start3A_293 = arith.constant 0 : i32
        %dma_start3A_294 = tpu.memref_slice %arg9[%dma_start3A_292, %dma_start3A_293] : memref<10240x128xf32, #tpu.memory_space<vmem_shared>> -> memref<10240x128xf32, #tpu.memory_space<vmem_shared>>
        tpu.enqueue_indirect_dma source(%dma_start3A_288 : memref<16x128xf32, #tpu.memory_space<vmem>>) target(%dma_start3A_294 : memref<10240x128xf32, #tpu.memory_space<vmem_shared>>) offsets(%dma_start3A_291 : memref<16xi32, #tpu.memory_space<vmem>>) semaphore(%run_scoped3A_285 : memref<!tpu.dma_semaphore, #tpu.memory_space<semaphore_mem>>) {add = true}
        %dma_wait3A_295 = arith.constant 0 : i32
        %dma_wait3A_296 = arith.constant 0 : i32
        %dma_wait3A_297 = tpu.memref_slice %arg15[%dma_wait3A_295, %dma_wait3A_296] : memref<128x128xf32, #tpu.memory_space<vmem>> -> memref<16x128xf32, #tpu.memory_space<vmem>>
        %dma_wait3A_298 = arith.constant 0 : i32
        %dma_wait3A_299 = tpu.memref_slice %arg13[%run_scoped3A_277, %dma_wait3A_298] : memref<8x16xi32, #tpu.memory_space<vmem>> -> memref<1x16xi32, #tpu.memory_space<vmem>>
        %dma_wait3A_300 = tpu.memref_squeeze %dma_wait3A_299 : memref<1x16xi32, #tpu.memory_space<vmem>> -> memref<16xi32, #tpu.memory_space<vmem>>
        %dma_wait3A_301 = arith.constant 0 : i32
        %dma_wait3A_302 = arith.constant 0 : i32
        %dma_wait3A_303 = tpu.memref_slice %arg9[%dma_wait3A_301, %dma_wait3A_302] : memref<10240x128xf32, #tpu.memory_space<vmem_shared>> -> memref<10240x128xf32, #tpu.memory_space<vmem_shared>>
        tpu.wait_indirect_dma semaphore(%run_scoped3A_285 : memref<!tpu.dma_semaphore, #tpu.memory_space<semaphore_mem>>) src(%dma_wait3A_297 : memref<16x128xf32, #tpu.memory_space<vmem>>) dst(%dma_wait3A_303 : memref<10240x128xf32, #tpu.memory_space<vmem_shared>>)
        tpu.yield
      }) : () -> ()
      %run_scoped3A_278 = arith.constant 1 : i32
      "tpu.region"() ({
        %run_scoped3A_285 = tpu.sem_alloc : memref<!tpu.dma_semaphore, #tpu.memory_space<semaphore_mem>>
        %dma_start3A_286 = arith.constant 16 : i32
        %dma_start3A_287 = arith.constant 0 : i32
        %dma_start3A_288 = tpu.memref_slice %arg15[%dma_start3A_286, %dma_start3A_287] : memref<128x128xf32, #tpu.memory_space<vmem>> -> memref<16x128xf32, #tpu.memory_space<vmem>>
        %dma_start3A_289 = arith.constant 0 : i32
        %dma_start3A_290 = tpu.memref_slice %arg13[%run_scoped3A_278, %dma_start3A_289] : memref<8x16xi32, #tpu.memory_space<vmem>> -> memref<1x16xi32, #tpu.memory_space<vmem>>
        %dma_start3A_291 = tpu.memref_squeeze %dma_start3A_290 : memref<1x16xi32, #tpu.memory_space<vmem>> -> memref<16xi32, #tpu.memory_space<vmem>>
        %dma_start3A_292 = arith.constant 0 : i32
        %dma_start3A_293 = arith.constant 0 : i32
        %dma_start3A_294 = tpu.memref_slice %arg9[%dma_start3A_292, %dma_start3A_293] : memref<10240x128xf32, #tpu.memory_space<vmem_shared>> -> memref<10240x128xf32, #tpu.memory_space<vmem_shared>>
        tpu.enqueue_indirect_dma source(%dma_start3A_288 : memref<16x128xf32, #tpu.memory_space<vmem>>) target(%dma_start3A_294 : memref<10240x128xf32, #tpu.memory_space<vmem_shared>>) offsets(%dma_start3A_291 : memref<16xi32, #tpu.memory_space<vmem>>) semaphore(%run_scoped3A_285 : memref<!tpu.dma_semaphore, #tpu.memory_space<semaphore_mem>>) {add = true}
        %dma_wait3A_295 = arith.constant 16 : i32
        %dma_wait3A_296 = arith.constant 0 : i32
        %dma_wait3A_297 = tpu.memref_slice %arg15[%dma_wait3A_295, %dma_wait3A_296] : memref<128x128xf32, #tpu.memory_space<vmem>> -> memref<16x128xf32, #tpu.memory_space<vmem>>
        %dma_wait3A_298 = arith.constant 0 : i32
        %dma_wait3A_299 = tpu.memref_slice %arg13[%run_scoped3A_278, %dma_wait3A_298] : memref<8x16xi32, #tpu.memory_space<vmem>> -> memref<1x16xi32, #tpu.memory_space<vmem>>
        %dma_wait3A_300 = tpu.memref_squeeze %dma_wait3A_299 : memref<1x16xi32, #tpu.memory_space<vmem>> -> memref<16xi32, #tpu.memory_space<vmem>>
        %dma_wait3A_301 = arith.constant 0 : i32
        %dma_wait3A_302 = arith.constant 0 : i32
        %dma_wait3A_303 = tpu.memref_slice %arg9[%dma_wait3A_301, %dma_wait3A_302] : memref<10240x128xf32, #tpu.memory_space<vmem_shared>> -> memref<10240x128xf32, #tpu.memory_space<vmem_shared>>
        tpu.wait_indirect_dma semaphore(%run_scoped3A_285 : memref<!tpu.dma_semaphore, #tpu.memory_space<semaphore_mem>>) src(%dma_wait3A_297 : memref<16x128xf32, #tpu.memory_space<vmem>>) dst(%dma_wait3A_303 : memref<10240x128xf32, #tpu.memory_space<vmem_shared>>)
        tpu.yield
      }) : () -> ()
      %run_scoped3A_279 = arith.constant 2 : i32
      "tpu.region"() ({
        %run_scoped3A_285 = tpu.sem_alloc : memref<!tpu.dma_semaphore, #tpu.memory_space<semaphore_mem>>
        %dma_start3A_286 = arith.constant 32 : i32
        %dma_start3A_287 = arith.constant 0 : i32
        %dma_start3A_288 = tpu.memref_slice %arg15[%dma_start3A_286, %dma_start3A_287] : memref<128x128xf32, #tpu.memory_space<vmem>> -> memref<16x128xf32, #tpu.memory_space<vmem>>
        %dma_start3A_289 = arith.constant 0 : i32
        %dma_start3A_290 = tpu.memref_slice %arg13[%run_scoped3A_279, %dma_start3A_289] : memref<8x16xi32, #tpu.memory_space<vmem>> -> memref<1x16xi32, #tpu.memory_space<vmem>>
        %dma_start3A_291 = tpu.memref_squeeze %dma_start3A_290 : memref<1x16xi32, #tpu.memory_space<vmem>> -> memref<16xi32, #tpu.memory_space<vmem>>
        %dma_start3A_292 = arith.constant 0 : i32
        %dma_start3A_293 = arith.constant 0 : i32
        %dma_start3A_294 = tpu.memref_slice %arg9[%dma_start3A_292, %dma_start3A_293] : memref<10240x128xf32, #tpu.memory_space<vmem_shared>> -> memref<10240x128xf32, #tpu.memory_space<vmem_shared>>
        tpu.enqueue_indirect_dma source(%dma_start3A_288 : memref<16x128xf32, #tpu.memory_space<vmem>>) target(%dma_start3A_294 : memref<10240x128xf32, #tpu.memory_space<vmem_shared>>) offsets(%dma_start3A_291 : memref<16xi32, #tpu.memory_space<vmem>>) semaphore(%run_scoped3A_285 : memref<!tpu.dma_semaphore, #tpu.memory_space<semaphore_mem>>) {add = true}
        %dma_wait3A_295 = arith.constant 32 : i32
        %dma_wait3A_296 = arith.constant 0 : i32
        %dma_wait3A_297 = tpu.memref_slice %arg15[%dma_wait3A_295, %dma_wait3A_296] : memref<128x128xf32, #tpu.memory_space<vmem>> -> memref<16x128xf32, #tpu.memory_space<vmem>>
        %dma_wait3A_298 = arith.constant 0 : i32
        %dma_wait3A_299 = tpu.memref_slice %arg13[%run_scoped3A_279, %dma_wait3A_298] : memref<8x16xi32, #tpu.memory_space<vmem>> -> memref<1x16xi32, #tpu.memory_space<vmem>>
        %dma_wait3A_300 = tpu.memref_squeeze %dma_wait3A_299 : memref<1x16xi32, #tpu.memory_space<vmem>> -> memref<16xi32, #tpu.memory_space<vmem>>
        %dma_wait3A_301 = arith.constant 0 : i32
        %dma_wait3A_302 = arith.constant 0 : i32
        %dma_wait3A_303 = tpu.memref_slice %arg9[%dma_wait3A_301, %dma_wait3A_302] : memref<10240x128xf32, #tpu.memory_space<vmem_shared>> -> memref<10240x128xf32, #tpu.memory_space<vmem_shared>>
        tpu.wait_indirect_dma semaphore(%run_scoped3A_285 : memref<!tpu.dma_semaphore, #tpu.memory_space<semaphore_mem>>) src(%dma_wait3A_297 : memref<16x128xf32, #tpu.memory_space<vmem>>) dst(%dma_wait3A_303 : memref<10240x128xf32, #tpu.memory_space<vmem_shared>>)
        tpu.yield
      }) : () -> ()
      %run_scoped3A_280 = arith.constant 3 : i32
      "tpu.region"() ({
        %run_scoped3A_285 = tpu.sem_alloc : memref<!tpu.dma_semaphore, #tpu.memory_space<semaphore_mem>>
        %dma_start3A_286 = arith.constant 48 : i32
        %dma_start3A_287 = arith.constant 0 : i32
        %dma_start3A_288 = tpu.memref_slice %arg15[%dma_start3A_286, %dma_start3A_287] : memref<128x128xf32, #tpu.memory_space<vmem>> -> memref<16x128xf32, #tpu.memory_space<vmem>>
        %dma_start3A_289 = arith.constant 0 : i32
        %dma_start3A_290 = tpu.memref_slice %arg13[%run_scoped3A_280, %dma_start3A_289] : memref<8x16xi32, #tpu.memory_space<vmem>> -> memref<1x16xi32, #tpu.memory_space<vmem>>
        %dma_start3A_291 = tpu.memref_squeeze %dma_start3A_290 : memref<1x16xi32, #tpu.memory_space<vmem>> -> memref<16xi32, #tpu.memory_space<vmem>>
        %dma_start3A_292 = arith.constant 0 : i32
        %dma_start3A_293 = arith.constant 0 : i32
        %dma_start3A_294 = tpu.memref_slice %arg9[%dma_start3A_292, %dma_start3A_293] : memref<10240x128xf32, #tpu.memory_space<vmem_shared>> -> memref<10240x128xf32, #tpu.memory_space<vmem_shared>>
        tpu.enqueue_indirect_dma source(%dma_start3A_288 : memref<16x128xf32, #tpu.memory_space<vmem>>) target(%dma_start3A_294 : memref<10240x128xf32, #tpu.memory_space<vmem_shared>>) offsets(%dma_start3A_291 : memref<16xi32, #tpu.memory_space<vmem>>) semaphore(%run_scoped3A_285 : memref<!tpu.dma_semaphore, #tpu.memory_space<semaphore_mem>>) {add = true}
        %dma_wait3A_295 = arith.constant 48 : i32
        %dma_wait3A_296 = arith.constant 0 : i32
        %dma_wait3A_297 = tpu.memref_slice %arg15[%dma_wait3A_295, %dma_wait3A_296] : memref<128x128xf32, #tpu.memory_space<vmem>> -> memref<16x128xf32, #tpu.memory_space<vmem>>
        %dma_wait3A_298 = arith.constant 0 : i32
        %dma_wait3A_299 = tpu.memref_slice %arg13[%run_scoped3A_280, %dma_wait3A_298] : memref<8x16xi32, #tpu.memory_space<vmem>> -> memref<1x16xi32, #tpu.memory_space<vmem>>
        %dma_wait3A_300 = tpu.memref_squeeze %dma_wait3A_299 : memref<1x16xi32, #tpu.memory_space<vmem>> -> memref<16xi32, #tpu.memory_space<vmem>>
        %dma_wait3A_301 = arith.constant 0 : i32
        %dma_wait3A_302 = arith.constant 0 : i32
        %dma_wait3A_303 = tpu.memref_slice %arg9[%dma_wait3A_301, %dma_wait3A_302] : memref<10240x128xf32, #tpu.memory_space<vmem_shared>> -> memref<10240x128xf32, #tpu.memory_space<vmem_shared>>
        tpu.wait_indirect_dma semaphore(%run_scoped3A_285 : memref<!tpu.dma_semaphore, #tpu.memory_space<semaphore_mem>>) src(%dma_wait3A_297 : memref<16x128xf32, #tpu.memory_space<vmem>>) dst(%dma_wait3A_303 : memref<10240x128xf32, #tpu.memory_space<vmem_shared>>)
        tpu.yield
      }) : () -> ()
      %run_scoped3A_281 = arith.constant 4 : i32
      "tpu.region"() ({
        %run_scoped3A_285 = tpu.sem_alloc : memref<!tpu.dma_semaphore, #tpu.memory_space<semaphore_mem>>
        %dma_start3A_286 = arith.constant 64 : i32
        %dma_start3A_287 = arith.constant 0 : i32
        %dma_start3A_288 = tpu.memref_slice %arg15[%dma_start3A_286, %dma_start3A_287] : memref<128x128xf32, #tpu.memory_space<vmem>> -> memref<16x128xf32, #tpu.memory_space<vmem>>
        %dma_start3A_289 = arith.constant 0 : i32
        %dma_start3A_290 = tpu.memref_slice %arg13[%run_scoped3A_281, %dma_start3A_289] : memref<8x16xi32, #tpu.memory_space<vmem>> -> memref<1x16xi32, #tpu.memory_space<vmem>>
        %dma_start3A_291 = tpu.memref_squeeze %dma_start3A_290 : memref<1x16xi32, #tpu.memory_space<vmem>> -> memref<16xi32, #tpu.memory_space<vmem>>
        %dma_start3A_292 = arith.constant 0 : i32
        %dma_start3A_293 = arith.constant 0 : i32
        %dma_start3A_294 = tpu.memref_slice %arg9[%dma_start3A_292, %dma_start3A_293] : memref<10240x128xf32, #tpu.memory_space<vmem_shared>> -> memref<10240x128xf32, #tpu.memory_space<vmem_shared>>
        tpu.enqueue_indirect_dma source(%dma_start3A_288 : memref<16x128xf32, #tpu.memory_space<vmem>>) target(%dma_start3A_294 : memref<10240x128xf32, #tpu.memory_space<vmem_shared>>) offsets(%dma_start3A_291 : memref<16xi32, #tpu.memory_space<vmem>>) semaphore(%run_scoped3A_285 : memref<!tpu.dma_semaphore, #tpu.memory_space<semaphore_mem>>) {add = true}
        %dma_wait3A_295 = arith.constant 64 : i32
        %dma_wait3A_296 = arith.constant 0 : i32
        %dma_wait3A_297 = tpu.memref_slice %arg15[%dma_wait3A_295, %dma_wait3A_296] : memref<128x128xf32, #tpu.memory_space<vmem>> -> memref<16x128xf32, #tpu.memory_space<vmem>>
        %dma_wait3A_298 = arith.constant 0 : i32
        %dma_wait3A_299 = tpu.memref_slice %arg13[%run_scoped3A_281, %dma_wait3A_298] : memref<8x16xi32, #tpu.memory_space<vmem>> -> memref<1x16xi32, #tpu.memory_space<vmem>>
        %dma_wait3A_300 = tpu.memref_squeeze %dma_wait3A_299 : memref<1x16xi32, #tpu.memory_space<vmem>> -> memref<16xi32, #tpu.memory_space<vmem>>
        %dma_wait3A_301 = arith.constant 0 : i32
        %dma_wait3A_302 = arith.constant 0 : i32
        %dma_wait3A_303 = tpu.memref_slice %arg9[%dma_wait3A_301, %dma_wait3A_302] : memref<10240x128xf32, #tpu.memory_space<vmem_shared>> -> memref<10240x128xf32, #tpu.memory_space<vmem_shared>>
        tpu.wait_indirect_dma semaphore(%run_scoped3A_285 : memref<!tpu.dma_semaphore, #tpu.memory_space<semaphore_mem>>) src(%dma_wait3A_297 : memref<16x128xf32, #tpu.memory_space<vmem>>) dst(%dma_wait3A_303 : memref<10240x128xf32, #tpu.memory_space<vmem_shared>>)
        tpu.yield
      }) : () -> ()
      %run_scoped3A_282 = arith.constant 5 : i32
      "tpu.region"() ({
        %run_scoped3A_285 = tpu.sem_alloc : memref<!tpu.dma_semaphore, #tpu.memory_space<semaphore_mem>>
        %dma_start3A_286 = arith.constant 80 : i32
        %dma_start3A_287 = arith.constant 0 : i32
        %dma_start3A_288 = tpu.memref_slice %arg15[%dma_start3A_286, %dma_start3A_287] : memref<128x128xf32, #tpu.memory_space<vmem>> -> memref<16x128xf32, #tpu.memory_space<vmem>>
        %dma_start3A_289 = arith.constant 0 : i32
        %dma_start3A_290 = tpu.memref_slice %arg13[%run_scoped3A_282, %dma_start3A_289] : memref<8x16xi32, #tpu.memory_space<vmem>> -> memref<1x16xi32, #tpu.memory_space<vmem>>
        %dma_start3A_291 = tpu.memref_squeeze %dma_start3A_290 : memref<1x16xi32, #tpu.memory_space<vmem>> -> memref<16xi32, #tpu.memory_space<vmem>>
        %dma_start3A_292 = arith.constant 0 : i32
        %dma_start3A_293 = arith.constant 0 : i32
        %dma_start3A_294 = tpu.memref_slice %arg9[%dma_start3A_292, %dma_start3A_293] : memref<10240x128xf32, #tpu.memory_space<vmem_shared>> -> memref<10240x128xf32, #tpu.memory_space<vmem_shared>>
        tpu.enqueue_indirect_dma source(%dma_start3A_288 : memref<16x128xf32, #tpu.memory_space<vmem>>) target(%dma_start3A_294 : memref<10240x128xf32, #tpu.memory_space<vmem_shared>>) offsets(%dma_start3A_291 : memref<16xi32, #tpu.memory_space<vmem>>) semaphore(%run_scoped3A_285 : memref<!tpu.dma_semaphore, #tpu.memory_space<semaphore_mem>>) {add = true}
        %dma_wait3A_295 = arith.constant 80 : i32
        %dma_wait3A_296 = arith.constant 0 : i32
        %dma_wait3A_297 = tpu.memref_slice %arg15[%dma_wait3A_295, %dma_wait3A_296] : memref<128x128xf32, #tpu.memory_space<vmem>> -> memref<16x128xf32, #tpu.memory_space<vmem>>
        %dma_wait3A_298 = arith.constant 0 : i32
        %dma_wait3A_299 = tpu.memref_slice %arg13[%run_scoped3A_282, %dma_wait3A_298] : memref<8x16xi32, #tpu.memory_space<vmem>> -> memref<1x16xi32, #tpu.memory_space<vmem>>
        %dma_wait3A_300 = tpu.memref_squeeze %dma_wait3A_299 : memref<1x16xi32, #tpu.memory_space<vmem>> -> memref<16xi32, #tpu.memory_space<vmem>>
        %dma_wait3A_301 = arith.constant 0 : i32
        %dma_wait3A_302 = arith.constant 0 : i32
        %dma_wait3A_303 = tpu.memref_slice %arg9[%dma_wait3A_301, %dma_wait3A_302] : memref<10240x128xf32, #tpu.memory_space<vmem_shared>> -> memref<10240x128xf32, #tpu.memory_space<vmem_shared>>
        tpu.wait_indirect_dma semaphore(%run_scoped3A_285 : memref<!tpu.dma_semaphore, #tpu.memory_space<semaphore_mem>>) src(%dma_wait3A_297 : memref<16x128xf32, #tpu.memory_space<vmem>>) dst(%dma_wait3A_303 : memref<10240x128xf32, #tpu.memory_space<vmem_shared>>)
        tpu.yield
      }) : () -> ()
      %run_scoped3A_283 = arith.constant 6 : i32
      "tpu.region"() ({
        %run_scoped3A_285 = tpu.sem_alloc : memref<!tpu.dma_semaphore, #tpu.memory_space<semaphore_mem>>
        %dma_start3A_286 = arith.constant 96 : i32
        %dma_start3A_287 = arith.constant 0 : i32
        %dma_start3A_288 = tpu.memref_slice %arg15[%dma_start3A_286, %dma_start3A_287] : memref<128x128xf32, #tpu.memory_space<vmem>> -> memref<16x128xf32, #tpu.memory_space<vmem>>
        %dma_start3A_289 = arith.constant 0 : i32
        %dma_start3A_290 = tpu.memref_slice %arg13[%run_scoped3A_283, %dma_start3A_289] : memref<8x16xi32, #tpu.memory_space<vmem>> -> memref<1x16xi32, #tpu.memory_space<vmem>>
        %dma_start3A_291 = tpu.memref_squeeze %dma_start3A_290 : memref<1x16xi32, #tpu.memory_space<vmem>> -> memref<16xi32, #tpu.memory_space<vmem>>
        %dma_start3A_292 = arith.constant 0 : i32
        %dma_start3A_293 = arith.constant 0 : i32
        %dma_start3A_294 = tpu.memref_slice %arg9[%dma_start3A_292, %dma_start3A_293] : memref<10240x128xf32, #tpu.memory_space<vmem_shared>> -> memref<10240x128xf32, #tpu.memory_space<vmem_shared>>
        tpu.enqueue_indirect_dma source(%dma_start3A_288 : memref<16x128xf32, #tpu.memory_space<vmem>>) target(%dma_start3A_294 : memref<10240x128xf32, #tpu.memory_space<vmem_shared>>) offsets(%dma_start3A_291 : memref<16xi32, #tpu.memory_space<vmem>>) semaphore(%run_scoped3A_285 : memref<!tpu.dma_semaphore, #tpu.memory_space<semaphore_mem>>) {add = true}
        %dma_wait3A_295 = arith.constant 96 : i32
        %dma_wait3A_296 = arith.constant 0 : i32
        %dma_wait3A_297 = tpu.memref_slice %arg15[%dma_wait3A_295, %dma_wait3A_296] : memref<128x128xf32, #tpu.memory_space<vmem>> -> memref<16x128xf32, #tpu.memory_space<vmem>>
        %dma_wait3A_298 = arith.constant 0 : i32
        %dma_wait3A_299 = tpu.memref_slice %arg13[%run_scoped3A_283, %dma_wait3A_298] : memref<8x16xi32, #tpu.memory_space<vmem>> -> memref<1x16xi32, #tpu.memory_space<vmem>>
        %dma_wait3A_300 = tpu.memref_squeeze %dma_wait3A_299 : memref<1x16xi32, #tpu.memory_space<vmem>> -> memref<16xi32, #tpu.memory_space<vmem>>
        %dma_wait3A_301 = arith.constant 0 : i32
        %dma_wait3A_302 = arith.constant 0 : i32
        %dma_wait3A_303 = tpu.memref_slice %arg9[%dma_wait3A_301, %dma_wait3A_302] : memref<10240x128xf32, #tpu.memory_space<vmem_shared>> -> memref<10240x128xf32, #tpu.memory_space<vmem_shared>>
        tpu.wait_indirect_dma semaphore(%run_scoped3A_285 : memref<!tpu.dma_semaphore, #tpu.memory_space<semaphore_mem>>) src(%dma_wait3A_297 : memref<16x128xf32, #tpu.memory_space<vmem>>) dst(%dma_wait3A_303 : memref<10240x128xf32, #tpu.memory_space<vmem_shared>>)
        tpu.yield
      }) : () -> ()
      %run_scoped3A_284 = arith.constant 7 : i32
      "tpu.region"() ({
        %run_scoped3A_285 = tpu.sem_alloc : memref<!tpu.dma_semaphore, #tpu.memory_space<semaphore_mem>>
        %dma_start3A_286 = arith.constant 112 : i32
        %dma_start3A_287 = arith.constant 0 : i32
        %dma_start3A_288 = tpu.memref_slice %arg15[%dma_start3A_286, %dma_start3A_287] : memref<128x128xf32, #tpu.memory_space<vmem>> -> memref<16x128xf32, #tpu.memory_space<vmem>>
        %dma_start3A_289 = arith.constant 0 : i32
        %dma_start3A_290 = tpu.memref_slice %arg13[%run_scoped3A_284, %dma_start3A_289] : memref<8x16xi32, #tpu.memory_space<vmem>> -> memref<1x16xi32, #tpu.memory_space<vmem>>
        %dma_start3A_291 = tpu.memref_squeeze %dma_start3A_290 : memref<1x16xi32, #tpu.memory_space<vmem>> -> memref<16xi32, #tpu.memory_space<vmem>>
        %dma_start3A_292 = arith.constant 0 : i32
        %dma_start3A_293 = arith.constant 0 : i32
        %dma_start3A_294 = tpu.memref_slice %arg9[%dma_start3A_292, %dma_start3A_293] : memref<10240x128xf32, #tpu.memory_space<vmem_shared>> -> memref<10240x128xf32, #tpu.memory_space<vmem_shared>>
        tpu.enqueue_indirect_dma source(%dma_start3A_288 : memref<16x128xf32, #tpu.memory_space<vmem>>) target(%dma_start3A_294 : memref<10240x128xf32, #tpu.memory_space<vmem_shared>>) offsets(%dma_start3A_291 : memref<16xi32, #tpu.memory_space<vmem>>) semaphore(%run_scoped3A_285 : memref<!tpu.dma_semaphore, #tpu.memory_space<semaphore_mem>>) {add = true}
        %dma_wait3A_295 = arith.constant 112 : i32
        %dma_wait3A_296 = arith.constant 0 : i32
        %dma_wait3A_297 = tpu.memref_slice %arg15[%dma_wait3A_295, %dma_wait3A_296] : memref<128x128xf32, #tpu.memory_space<vmem>> -> memref<16x128xf32, #tpu.memory_space<vmem>>
        %dma_wait3A_298 = arith.constant 0 : i32
        %dma_wait3A_299 = tpu.memref_slice %arg13[%run_scoped3A_284, %dma_wait3A_298] : memref<8x16xi32, #tpu.memory_space<vmem>> -> memref<1x16xi32, #tpu.memory_space<vmem>>
        %dma_wait3A_300 = tpu.memref_squeeze %dma_wait3A_299 : memref<1x16xi32, #tpu.memory_space<vmem>> -> memref<16xi32, #tpu.memory_space<vmem>>
        %dma_wait3A_301 = arith.constant 0 : i32
        %dma_wait3A_302 = arith.constant 0 : i32
        %dma_wait3A_303 = tpu.memref_slice %arg9[%dma_wait3A_301, %dma_wait3A_302] : memref<10240x128xf32, #tpu.memory_space<vmem_shared>> -> memref<10240x128xf32, #tpu.memory_space<vmem_shared>>
        tpu.wait_indirect_dma semaphore(%run_scoped3A_285 : memref<!tpu.dma_semaphore, #tpu.memory_space<semaphore_mem>>) src(%dma_wait3A_297 : memref<16x128xf32, #tpu.memory_space<vmem>>) dst(%dma_wait3A_303 : memref<10240x128xf32, #tpu.memory_space<vmem_shared>>)
        tpu.yield
      }) : () -> ()
    }
    %scan3A_65 = arith.constant 20 : i32
    %barrier3A_66 = arith.constant 0 : index
    tpu.barrier barrier_id(%barrier3A_66)
    "tpu.region"() ({
      %run_scoped3A = tpu.sem_alloc : memref<!tpu.dma_semaphore, #tpu.memory_space<semaphore_mem>>
      tpu.enqueue_dma source(%arg5 : memref<128x128xf32, #tpu.memory_space<hbm>>) target(%arg14 : memref<128x128xf32, #tpu.memory_space<vmem>>) target_semaphore(%run_scoped3A : memref<!tpu.dma_semaphore, #tpu.memory_space<semaphore_mem>>)
      tpu.wait_dma2 semaphore(%run_scoped3A : memref<!tpu.dma_semaphore, #tpu.memory_space<semaphore_mem>>) src(%arg5 : memref<128x128xf32, #tpu.memory_space<hbm>>) dst(%arg14 : memref<128x128xf32, #tpu.memory_space<vmem>>)
      tpu.yield
    }) : () -> ()
    %scan3A_67 = arith.constant 0 : i32
    %scan3A_68 = arith.constant 0 : i32
    %scan3A_69 = arith.constant 5 : i32
    %scan3A_70 = arith.addi %scan3A_68, %scan3A_69 : i32
    %scan3A_71 = arith.constant 1 : i32
    scf.for %scan3A_92 = %scan3A_68 to %scan3A_70 step %scan3A_71  : i32 {
      %mul3A_93 = arith.constant 640 : i32
      %mul3A_94 = arith.muli %arg1, %mul3A_93 : i32
      %mul3A_95 = arith.constant 128 : i32
      %mul3A_96 = arith.muli %scan3A_92, %mul3A_95 : i32
      %add3A_97 = arith.addi %mul3A_94, %mul3A_96 : i32
      "tpu.region"() ({
        %run_scoped3A = tpu.sem_alloc : memref<!tpu.dma_semaphore, #tpu.memory_space<semaphore_mem>>
        %dma_start3A_101 = arith.constant 0 : i32
        %dma_start3A_102 = tpu.memref_slice %arg9[%add3A_97, %dma_start3A_101] : memref<10240x128xf32, #tpu.memory_space<vmem_shared>> -> memref<128x128xf32, #tpu.memory_space<vmem_shared>>
        %dma_start3A_103 = arith.constant 0 : i32
        %dma_start3A_104 = tpu.memref_slice %arg9[%add3A_97, %dma_start3A_103] : memref<10240x128xf32, #tpu.memory_space<vmem_shared>> -> memref<128x128xf32, #tpu.memory_space<vmem_shared>>
        tpu.enqueue_dma source(%dma_start3A_104 : memref<128x128xf32, #tpu.memory_space<vmem_shared>>) target(%arg15 : memref<128x128xf32, #tpu.memory_space<vmem>>) target_semaphore(%run_scoped3A : memref<!tpu.dma_semaphore, #tpu.memory_space<semaphore_mem>>)
        %dma_wait3A = arith.constant 0 : i32
        %dma_wait3A_105 = tpu.memref_slice %arg9[%add3A_97, %dma_wait3A] : memref<10240x128xf32, #tpu.memory_space<vmem_shared>> -> memref<128x128xf32, #tpu.memory_space<vmem_shared>>
        %dma_wait3A_106 = arith.constant 0 : i32
        %dma_wait3A_107 = tpu.memref_slice %arg9[%add3A_97, %dma_wait3A_106] : memref<10240x128xf32, #tpu.memory_space<vmem_shared>> -> memref<128x128xf32, #tpu.memory_space<vmem_shared>>
        tpu.wait_dma2 semaphore(%run_scoped3A : memref<!tpu.dma_semaphore, #tpu.memory_space<semaphore_mem>>) src(%dma_wait3A_107 : memref<128x128xf32, #tpu.memory_space<vmem_shared>>) dst(%arg15 : memref<128x128xf32, #tpu.memory_space<vmem>>)
        tpu.yield
      }) : () -> ()
      %mul3A_98 = arith.constant 128 : i32
      %mul3A_99 = arith.muli %scan3A_92, %mul3A_98 : i32
      %add3A_100 = arith.addi %add3A_25, %mul3A_99 : i32
      "tpu.region"() ({
        %run_scoped3A = tpu.sem_alloc : memref<!tpu.dma_semaphore, #tpu.memory_space<semaphore_mem>>
        %dma_start3A_101 = arith.constant 0 : i32
        %dma_start3A_102 = tpu.memref_slice %arg7[%add3A_100, %dma_start3A_101] : memref<20480x128xf32, #tpu.memory_space<hbm>> -> memref<128x128xf32, #tpu.memory_space<hbm>>
        %dma_start3A_103 = arith.constant 0 : i32
        %dma_start3A_104 = tpu.memref_slice %arg7[%add3A_100, %dma_start3A_103] : memref<20480x128xf32, #tpu.memory_space<hbm>> -> memref<128x128xf32, #tpu.memory_space<hbm>>
        tpu.enqueue_dma source(%arg15 : memref<128x128xf32, #tpu.memory_space<vmem>>) target(%dma_start3A_104 : memref<128x128xf32, #tpu.memory_space<hbm>>) target_semaphore(%run_scoped3A : memref<!tpu.dma_semaphore, #tpu.memory_space<semaphore_mem>>)
        %dma_wait3A = arith.constant 0 : i32
        %dma_wait3A_105 = tpu.memref_slice %arg7[%add3A_100, %dma_wait3A] : memref<20480x128xf32, #tpu.memory_space<hbm>> -> memref<128x128xf32, #tpu.memory_space<hbm>>
        %dma_wait3A_106 = arith.constant 0 : i32
        %dma_wait3A_107 = tpu.memref_slice %arg7[%add3A_100, %dma_wait3A_106] : memref<20480x128xf32, #tpu.memory_space<hbm>> -> memref<128x128xf32, #tpu.memory_space<hbm>>
        tpu.wait_dma2 semaphore(%run_scoped3A : memref<!tpu.dma_semaphore, #tpu.memory_space<semaphore_mem>>) src(%arg15 : memref<128x128xf32, #tpu.memory_space<vmem>>) dst(%dma_wait3A_107 : memref<128x128xf32, #tpu.memory_space<hbm>>)
        tpu.yield
      }) : () -> ()
      "tpu.region"() ({
        %run_scoped3A = tpu.sem_alloc : memref<!tpu.dma_semaphore, #tpu.memory_space<semaphore_mem>>
        %dma_start3A_101 = arith.constant 0 : i32
        %dma_start3A_102 = tpu.memref_slice %arg9[%add3A_97, %dma_start3A_101] : memref<10240x128xf32, #tpu.memory_space<vmem_shared>> -> memref<128x128xf32, #tpu.memory_space<vmem_shared>>
        %dma_start3A_103 = arith.constant 0 : i32
        %dma_start3A_104 = tpu.memref_slice %arg9[%add3A_97, %dma_start3A_103] : memref<10240x128xf32, #tpu.memory_space<vmem_shared>> -> memref<128x128xf32, #tpu.memory_space<vmem_shared>>
        tpu.enqueue_dma source(%arg14 : memref<128x128xf32, #tpu.memory_space<vmem>>) target(%dma_start3A_104 : memref<128x128xf32, #tpu.memory_space<vmem_shared>>) target_semaphore(%run_scoped3A : memref<!tpu.dma_semaphore, #tpu.memory_space<semaphore_mem>>)
        %dma_wait3A = arith.constant 0 : i32
        %dma_wait3A_105 = tpu.memref_slice %arg9[%add3A_97, %dma_wait3A] : memref<10240x128xf32, #tpu.memory_space<vmem_shared>> -> memref<128x128xf32, #tpu.memory_space<vmem_shared>>
        %dma_wait3A_106 = arith.constant 0 : i32
        %dma_wait3A_107 = tpu.memref_slice %arg9[%add3A_97, %dma_wait3A_106] : memref<10240x128xf32, #tpu.memory_space<vmem_shared>> -> memref<128x128xf32, #tpu.memory_space<vmem_shared>>
        tpu.wait_dma2 semaphore(%run_scoped3A : memref<!tpu.dma_semaphore, #tpu.memory_space<semaphore_mem>>) src(%arg14 : memref<128x128xf32, #tpu.memory_space<vmem>>) dst(%dma_wait3A_107 : memref<128x128xf32, #tpu.memory_space<vmem_shared>>)
        tpu.yield
      }) : () -> ()
    }
    %scan3A_72 = arith.constant 5 : i32
    "tpu.region"() ({
      %run_scoped3A = tpu.sem_alloc : memref<!tpu.dma_semaphore, #tpu.memory_space<semaphore_mem>>
      tpu.enqueue_dma source(%arg6 : memref<128x128xf32, #tpu.memory_space<hbm>>) target(%arg14 : memref<128x128xf32, #tpu.memory_space<vmem>>) target_semaphore(%run_scoped3A : memref<!tpu.dma_semaphore, #tpu.memory_space<semaphore_mem>>)
      tpu.wait_dma2 semaphore(%run_scoped3A : memref<!tpu.dma_semaphore, #tpu.memory_space<semaphore_mem>>) src(%arg6 : memref<128x128xf32, #tpu.memory_space<hbm>>) dst(%arg14 : memref<128x128xf32, #tpu.memory_space<vmem>>)
      tpu.yield
    }) : () -> ()
    %barrier3A_73 = arith.constant 0 : index
    tpu.barrier barrier_id(%barrier3A_73)
    %mul3A_74 = arith.constant 40 : i32
    %mul3A_75 = arith.muli %arg0, %mul3A_74 : i32
    %mul3A_76 = arith.constant 128 : i32
    %mul3A_77 = arith.muli %mul3A_75, %mul3A_76 : i32
    %add3A_78 = arith.addi %mul3A_20, %mul3A_77 : i32
    "tpu.region"() ({
      %run_scoped3A = tpu.sem_alloc : memref<!tpu.dma_semaphore, #tpu.memory_space<semaphore_mem>>
      %dma_start3A_92 = tpu.memref_slice %arg4[%add3A_78] : memref<163840xi32, #tpu.memory_space<hbm>> -> memref<128xi32, #tpu.memory_space<hbm>>
      %dma_start3A_93 = tpu.memref_slice %arg4[%add3A_78] : memref<163840xi32, #tpu.memory_space<hbm>> -> memref<128xi32, #tpu.memory_space<hbm>>
      tpu.enqueue_dma source(%dma_start3A_93 : memref<128xi32, #tpu.memory_space<hbm>>) target(%arg11 : memref<128xi32, #tpu.memory_space<vmem>>) target_semaphore(%run_scoped3A : memref<!tpu.dma_semaphore, #tpu.memory_space<semaphore_mem>>)
      %dma_wait3A = tpu.memref_slice %arg4[%add3A_78] : memref<163840xi32, #tpu.memory_space<hbm>> -> memref<128xi32, #tpu.memory_space<hbm>>
      %dma_wait3A_94 = tpu.memref_slice %arg4[%add3A_78] : memref<163840xi32, #tpu.memory_space<hbm>> -> memref<128xi32, #tpu.memory_space<hbm>>
      tpu.wait_dma2 semaphore(%run_scoped3A : memref<!tpu.dma_semaphore, #tpu.memory_space<semaphore_mem>>) src(%dma_wait3A_94 : memref<128xi32, #tpu.memory_space<hbm>>) dst(%arg11 : memref<128xi32, #tpu.memory_space<vmem>>)
      tpu.yield
    }) : () -> ()
    %scan3A_79 = arith.constant 0 : i32
    %scan3A_80 = arith.constant 0 : i32
    %scan3A_81 = arith.constant 20 : i32
    %scan3A_82 = arith.addi %scan3A_80, %scan3A_81 : i32
    %scan3A_83 = arith.constant 1 : i32
    scf.for %scan3A_92 = %scan3A_80 to %scan3A_82 step %scan3A_83  : i32 {
      %mul3A_93 = arith.constant 2 : i32
      %mul3A_94 = arith.muli %mul3A_93, %scan3A_92 : i32
      %add3A_95 = arith.constant 1 : i32
      %add3A_96 = arith.addi %mul3A_94, %add3A_95 : i32
      %mul3A_97 = arith.constant 128 : i32
      %mul3A_98 = arith.muli %add3A_96, %mul3A_97 : i32
      %add3A_99 = arith.addi %add3A_78, %mul3A_98 : i32
      %dma_start3A_100 = tpu.memref_slice %arg4[%add3A_99] : memref<163840xi32, #tpu.memory_space<hbm>> -> memref<128xi32, #tpu.memory_space<hbm>>
      %dma_start3A_101 = tpu.memref_slice %arg4[%add3A_99] : memref<163840xi32, #tpu.memory_space<hbm>> -> memref<128xi32, #tpu.memory_space<hbm>>
      tpu.enqueue_dma source(%dma_start3A_101 : memref<128xi32, #tpu.memory_space<hbm>>) target(%arg12 : memref<128xi32, #tpu.memory_space<vmem>>) target_semaphore(%arg16 : memref<!tpu.dma_semaphore, #tpu.memory_space<semaphore_mem>>)
      %get3A = arith.constant 0 : index
      %get3A_102 = tpu.vector_load %arg11[%get3A] {strides = array<i32>} : memref<128xi32, #tpu.memory_space<vmem>>, vector<16xi32>,
      %get3A_103 = vector.shape_cast %get3A_102 : vector<16xi32> to vector<16xi32>
      %swap3A = arith.constant 0 : i32
      %swap3A_104 = arith.index_cast %swap3A : i32 to index
      %swap3A_105 = arith.constant 0 : index
      %swap3A_106 = tpu.vector_load %arg13[%swap3A_104, %swap3A_105] {strides = array<i32>} : memref<8x16xi32, #tpu.memory_space<vmem>>, vector<1x16xi32>,
      %swap3A_107 = vector.shape_cast %swap3A_106 : vector<1x16xi32> to vector<16xi32>
      %swap3A_108 = vector.shape_cast %get3A_103 : vector<16xi32> to vector<1x16xi32>
      tpu.vector_store %arg13[%swap3A_104, %swap3A_105], %swap3A_108 {strides = array<i32>} : memref<8x16xi32, #tpu.memory_space<vmem>>, vector<1x16xi32>,
      %get3A_109 = arith.constant 16 : index
      %get3A_110 = tpu.vector_load %arg11[%get3A_109] {strides = array<i32>} : memref<128xi32, #tpu.memory_space<vmem>>, vector<16xi32>,
      %get3A_111 = vector.shape_cast %get3A_110 : vector<16xi32> to vector<16xi32>
      %swap3A_112 = arith.constant 1 : i32
      %swap3A_113 = arith.index_cast %swap3A_112 : i32 to index
      %swap3A_114 = arith.constant 0 : index
      %swap3A_115 = tpu.vector_load %arg13[%swap3A_113, %swap3A_114] {strides = array<i32>} : memref<8x16xi32, #tpu.memory_space<vmem>>, vector<1x16xi32>,
      %swap3A_116 = vector.shape_cast %swap3A_115 : vector<1x16xi32> to vector<16xi32>
      %swap3A_117 = vector.shape_cast %get3A_111 : vector<16xi32> to vector<1x16xi32>
      tpu.vector_store %arg13[%swap3A_113, %swap3A_114], %swap3A_117 {strides = array<i32>} : memref<8x16xi32, #tpu.memory_space<vmem>>, vector<1x16xi32>,
      %get3A_118 = arith.constant 32 : index
      %get3A_119 = tpu.vector_load %arg11[%get3A_118] {strides = array<i32>} : memref<128xi32, #tpu.memory_space<vmem>>, vector<16xi32>,
      %get3A_120 = vector.shape_cast %get3A_119 : vector<16xi32> to vector<16xi32>
      %swap3A_121 = arith.constant 2 : i32
      %swap3A_122 = arith.index_cast %swap3A_121 : i32 to index
      %swap3A_123 = arith.constant 0 : index
      %swap3A_124 = tpu.vector_load %arg13[%swap3A_122, %swap3A_123] {strides = array<i32>} : memref<8x16xi32, #tpu.memory_space<vmem>>, vector<1x16xi32>,
      %swap3A_125 = vector.shape_cast %swap3A_124 : vector<1x16xi32> to vector<16xi32>
      %swap3A_126 = vector.shape_cast %get3A_120 : vector<16xi32> to vector<1x16xi32>
      tpu.vector_store %arg13[%swap3A_122, %swap3A_123], %swap3A_126 {strides = array<i32>} : memref<8x16xi32, #tpu.memory_space<vmem>>, vector<1x16xi32>,
      %get3A_127 = arith.constant 48 : index
      %get3A_128 = tpu.vector_load %arg11[%get3A_127] {strides = array<i32>} : memref<128xi32, #tpu.memory_space<vmem>>, vector<16xi32>,
      %get3A_129 = vector.shape_cast %get3A_128 : vector<16xi32> to vector<16xi32>
      %swap3A_130 = arith.constant 3 : i32
      %swap3A_131 = arith.index_cast %swap3A_130 : i32 to index
      %swap3A_132 = arith.constant 0 : index
      %swap3A_133 = tpu.vector_load %arg13[%swap3A_131, %swap3A_132] {strides = array<i32>} : memref<8x16xi32, #tpu.memory_space<vmem>>, vector<1x16xi32>,
      %swap3A_134 = vector.shape_cast %swap3A_133 : vector<1x16xi32> to vector<16xi32>
      %swap3A_135 = vector.shape_cast %get3A_129 : vector<16xi32> to vector<1x16xi32>
      tpu.vector_store %arg13[%swap3A_131, %swap3A_132], %swap3A_135 {strides = array<i32>} : memref<8x16xi32, #tpu.memory_space<vmem>>, vector<1x16xi32>,
      %get3A_136 = arith.constant 64 : index
      %get3A_137 = tpu.vector_load %arg11[%get3A_136] {strides = array<i32>} : memref<128xi32, #tpu.memory_space<vmem>>, vector<16xi32>,
      %get3A_138 = vector.shape_cast %get3A_137 : vector<16xi32> to vector<16xi32>
      %swap3A_139 = arith.constant 4 : i32
      %swap3A_140 = arith.index_cast %swap3A_139 : i32 to index
      %swap3A_141 = arith.constant 0 : index
      %swap3A_142 = tpu.vector_load %arg13[%swap3A_140, %swap3A_141] {strides = array<i32>} : memref<8x16xi32, #tpu.memory_space<vmem>>, vector<1x16xi32>,
      %swap3A_143 = vector.shape_cast %swap3A_142 : vector<1x16xi32> to vector<16xi32>
      %swap3A_144 = vector.shape_cast %get3A_138 : vector<16xi32> to vector<1x16xi32>
      tpu.vector_store %arg13[%swap3A_140, %swap3A_141], %swap3A_144 {strides = array<i32>} : memref<8x16xi32, #tpu.memory_space<vmem>>, vector<1x16xi32>,
      %get3A_145 = arith.constant 80 : index
      %get3A_146 = tpu.vector_load %arg11[%get3A_145] {strides = array<i32>} : memref<128xi32, #tpu.memory_space<vmem>>, vector<16xi32>,
      %get3A_147 = vector.shape_cast %get3A_146 : vector<16xi32> to vector<16xi32>
      %swap3A_148 = arith.constant 5 : i32
      %swap3A_149 = arith.index_cast %swap3A_148 : i32 to index
      %swap3A_150 = arith.constant 0 : index
      %swap3A_151 = tpu.vector_load %arg13[%swap3A_149, %swap3A_150] {strides = array<i32>} : memref<8x16xi32, #tpu.memory_space<vmem>>, vector<1x16xi32>,
      %swap3A_152 = vector.shape_cast %swap3A_151 : vector<1x16xi32> to vector<16xi32>
      %swap3A_153 = vector.shape_cast %get3A_147 : vector<16xi32> to vector<1x16xi32>
      tpu.vector_store %arg13[%swap3A_149, %swap3A_150], %swap3A_153 {strides = array<i32>} : memref<8x16xi32, #tpu.memory_space<vmem>>, vector<1x16xi32>,
      %get3A_154 = arith.constant 96 : index
      %get3A_155 = tpu.vector_load %arg11[%get3A_154] {strides = array<i32>} : memref<128xi32, #tpu.memory_space<vmem>>, vector<16xi32>,
      %get3A_156 = vector.shape_cast %get3A_155 : vector<16xi32> to vector<16xi32>
      %swap3A_157 = arith.constant 6 : i32
      %swap3A_158 = arith.index_cast %swap3A_157 : i32 to index
      %swap3A_159 = arith.constant 0 : index
      %swap3A_160 = tpu.vector_load %arg13[%swap3A_158, %swap3A_159] {strides = array<i32>} : memref<8x16xi32, #tpu.memory_space<vmem>>, vector<1x16xi32>,
      %swap3A_161 = vector.shape_cast %swap3A_160 : vector<1x16xi32> to vector<16xi32>
      %swap3A_162 = vector.shape_cast %get3A_156 : vector<16xi32> to vector<1x16xi32>
      tpu.vector_store %arg13[%swap3A_158, %swap3A_159], %swap3A_162 {strides = array<i32>} : memref<8x16xi32, #tpu.memory_space<vmem>>, vector<1x16xi32>,
      %get3A_163 = arith.constant 112 : index
      %get3A_164 = tpu.vector_load %arg11[%get3A_163] {strides = array<i32>} : memref<128xi32, #tpu.memory_space<vmem>>, vector<16xi32>,
      %get3A_165 = vector.shape_cast %get3A_164 : vector<16xi32> to vector<16xi32>
      %swap3A_166 = arith.constant 7 : i32
      %swap3A_167 = arith.index_cast %swap3A_166 : i32 to index
      %swap3A_168 = arith.constant 0 : index
      %swap3A_169 = tpu.vector_load %arg13[%swap3A_167, %swap3A_168] {strides = array<i32>} : memref<8x16xi32, #tpu.memory_space<vmem>>, vector<1x16xi32>,
      %swap3A_170 = vector.shape_cast %swap3A_169 : vector<1x16xi32> to vector<16xi32>
      %swap3A_171 = vector.shape_cast %get3A_165 : vector<16xi32> to vector<1x16xi32>
      tpu.vector_store %arg13[%swap3A_167, %swap3A_168], %swap3A_171 {strides = array<i32>} : memref<8x16xi32, #tpu.memory_space<vmem>>, vector<1x16xi32>,
      %run_scoped3A = arith.constant 0 : i32
      "tpu.region"() ({
        %run_scoped3A_276 = tpu.sem_alloc : memref<!tpu.dma_semaphore, #tpu.memory_space<semaphore_mem>>
        %dma_start3A_277 = arith.constant 0 : i32
        %dma_start3A_278 = arith.constant 0 : i32
        %dma_start3A_279 = tpu.memref_slice %arg14[%dma_start3A_277, %dma_start3A_278] : memref<128x128xf32, #tpu.memory_space<vmem>> -> memref<16x128xf32, #tpu.memory_space<vmem>>
        %dma_start3A_280 = arith.constant 0 : i32
        %dma_start3A_281 = tpu.memref_slice %arg13[%run_scoped3A, %dma_start3A_280] : memref<8x16xi32, #tpu.memory_space<vmem>> -> memref<1x16xi32, #tpu.memory_space<vmem>>
        %dma_start3A_282 = tpu.memref_squeeze %dma_start3A_281 : memref<1x16xi32, #tpu.memory_space<vmem>> -> memref<16xi32, #tpu.memory_space<vmem>>
        %dma_start3A_283 = arith.constant 0 : i32
        %dma_start3A_284 = arith.constant 0 : i32
        %dma_start3A_285 = tpu.memref_slice %arg9[%dma_start3A_283, %dma_start3A_284] : memref<10240x128xf32, #tpu.memory_space<vmem_shared>> -> memref<10240x128xf32, #tpu.memory_space<vmem_shared>>
        tpu.enqueue_indirect_dma source(%dma_start3A_279 : memref<16x128xf32, #tpu.memory_space<vmem>>) target(%dma_start3A_285 : memref<10240x128xf32, #tpu.memory_space<vmem_shared>>) offsets(%dma_start3A_282 : memref<16xi32, #tpu.memory_space<vmem>>) semaphore(%run_scoped3A_276 : memref<!tpu.dma_semaphore, #tpu.memory_space<semaphore_mem>>) {add = true}
        %dma_wait3A_286 = arith.constant 0 : i32
        %dma_wait3A_287 = arith.constant 0 : i32
        %dma_wait3A_288 = tpu.memref_slice %arg14[%dma_wait3A_286, %dma_wait3A_287] : memref<128x128xf32, #tpu.memory_space<vmem>> -> memref<16x128xf32, #tpu.memory_space<vmem>>
        %dma_wait3A_289 = arith.constant 0 : i32
        %dma_wait3A_290 = tpu.memref_slice %arg13[%run_scoped3A, %dma_wait3A_289] : memref<8x16xi32, #tpu.memory_space<vmem>> -> memref<1x16xi32, #tpu.memory_space<vmem>>
        %dma_wait3A_291 = tpu.memref_squeeze %dma_wait3A_290 : memref<1x16xi32, #tpu.memory_space<vmem>> -> memref<16xi32, #tpu.memory_space<vmem>>
        %dma_wait3A_292 = arith.constant 0 : i32
        %dma_wait3A_293 = arith.constant 0 : i32
        %dma_wait3A_294 = tpu.memref_slice %arg9[%dma_wait3A_292, %dma_wait3A_293] : memref<10240x128xf32, #tpu.memory_space<vmem_shared>> -> memref<10240x128xf32, #tpu.memory_space<vmem_shared>>
        tpu.wait_indirect_dma semaphore(%run_scoped3A_276 : memref<!tpu.dma_semaphore, #tpu.memory_space<semaphore_mem>>) src(%dma_wait3A_288 : memref<16x128xf32, #tpu.memory_space<vmem>>) dst(%dma_wait3A_294 : memref<10240x128xf32, #tpu.memory_space<vmem_shared>>)
        tpu.yield
      }) : () -> ()
      %run_scoped3A_172 = arith.constant 1 : i32
      "tpu.region"() ({
        %run_scoped3A_276 = tpu.sem_alloc : memref<!tpu.dma_semaphore, #tpu.memory_space<semaphore_mem>>
        %dma_start3A_277 = arith.constant 16 : i32
        %dma_start3A_278 = arith.constant 0 : i32
        %dma_start3A_279 = tpu.memref_slice %arg14[%dma_start3A_277, %dma_start3A_278] : memref<128x128xf32, #tpu.memory_space<vmem>> -> memref<16x128xf32, #tpu.memory_space<vmem>>
        %dma_start3A_280 = arith.constant 0 : i32
        %dma_start3A_281 = tpu.memref_slice %arg13[%run_scoped3A_172, %dma_start3A_280] : memref<8x16xi32, #tpu.memory_space<vmem>> -> memref<1x16xi32, #tpu.memory_space<vmem>>
        %dma_start3A_282 = tpu.memref_squeeze %dma_start3A_281 : memref<1x16xi32, #tpu.memory_space<vmem>> -> memref<16xi32, #tpu.memory_space<vmem>>
        %dma_start3A_283 = arith.constant 0 : i32
        %dma_start3A_284 = arith.constant 0 : i32
        %dma_start3A_285 = tpu.memref_slice %arg9[%dma_start3A_283, %dma_start3A_284] : memref<10240x128xf32, #tpu.memory_space<vmem_shared>> -> memref<10240x128xf32, #tpu.memory_space<vmem_shared>>
        tpu.enqueue_indirect_dma source(%dma_start3A_279 : memref<16x128xf32, #tpu.memory_space<vmem>>) target(%dma_start3A_285 : memref<10240x128xf32, #tpu.memory_space<vmem_shared>>) offsets(%dma_start3A_282 : memref<16xi32, #tpu.memory_space<vmem>>) semaphore(%run_scoped3A_276 : memref<!tpu.dma_semaphore, #tpu.memory_space<semaphore_mem>>) {add = true}
        %dma_wait3A_286 = arith.constant 16 : i32
        %dma_wait3A_287 = arith.constant 0 : i32
        %dma_wait3A_288 = tpu.memref_slice %arg14[%dma_wait3A_286, %dma_wait3A_287] : memref<128x128xf32, #tpu.memory_space<vmem>> -> memref<16x128xf32, #tpu.memory_space<vmem>>
        %dma_wait3A_289 = arith.constant 0 : i32
        %dma_wait3A_290 = tpu.memref_slice %arg13[%run_scoped3A_172, %dma_wait3A_289] : memref<8x16xi32, #tpu.memory_space<vmem>> -> memref<1x16xi32, #tpu.memory_space<vmem>>
        %dma_wait3A_291 = tpu.memref_squeeze %dma_wait3A_290 : memref<1x16xi32, #tpu.memory_space<vmem>> -> memref<16xi32, #tpu.memory_space<vmem>>
        %dma_wait3A_292 = arith.constant 0 : i32
        %dma_wait3A_293 = arith.constant 0 : i32
        %dma_wait3A_294 = tpu.memref_slice %arg9[%dma_wait3A_292, %dma_wait3A_293] : memref<10240x128xf32, #tpu.memory_space<vmem_shared>> -> memref<10240x128xf32, #tpu.memory_space<vmem_shared>>
        tpu.wait_indirect_dma semaphore(%run_scoped3A_276 : memref<!tpu.dma_semaphore, #tpu.memory_space<semaphore_mem>>) src(%dma_wait3A_288 : memref<16x128xf32, #tpu.memory_space<vmem>>) dst(%dma_wait3A_294 : memref<10240x128xf32, #tpu.memory_space<vmem_shared>>)
        tpu.yield
      }) : () -> ()
      %run_scoped3A_173 = arith.constant 2 : i32
      "tpu.region"() ({
        %run_scoped3A_276 = tpu.sem_alloc : memref<!tpu.dma_semaphore, #tpu.memory_space<semaphore_mem>>
        %dma_start3A_277 = arith.constant 32 : i32
        %dma_start3A_278 = arith.constant 0 : i32
        %dma_start3A_279 = tpu.memref_slice %arg14[%dma_start3A_277, %dma_start3A_278] : memref<128x128xf32, #tpu.memory_space<vmem>> -> memref<16x128xf32, #tpu.memory_space<vmem>>
        %dma_start3A_280 = arith.constant 0 : i32
        %dma_start3A_281 = tpu.memref_slice %arg13[%run_scoped3A_173, %dma_start3A_280] : memref<8x16xi32, #tpu.memory_space<vmem>> -> memref<1x16xi32, #tpu.memory_space<vmem>>
        %dma_start3A_282 = tpu.memref_squeeze %dma_start3A_281 : memref<1x16xi32, #tpu.memory_space<vmem>> -> memref<16xi32, #tpu.memory_space<vmem>>
        %dma_start3A_283 = arith.constant 0 : i32
        %dma_start3A_284 = arith.constant 0 : i32
        %dma_start3A_285 = tpu.memref_slice %arg9[%dma_start3A_283, %dma_start3A_284] : memref<10240x128xf32, #tpu.memory_space<vmem_shared>> -> memref<10240x128xf32, #tpu.memory_space<vmem_shared>>
        tpu.enqueue_indirect_dma source(%dma_start3A_279 : memref<16x128xf32, #tpu.memory_space<vmem>>) target(%dma_start3A_285 : memref<10240x128xf32, #tpu.memory_space<vmem_shared>>) offsets(%dma_start3A_282 : memref<16xi32, #tpu.memory_space<vmem>>) semaphore(%run_scoped3A_276 : memref<!tpu.dma_semaphore, #tpu.memory_space<semaphore_mem>>) {add = true}
        %dma_wait3A_286 = arith.constant 32 : i32
        %dma_wait3A_287 = arith.constant 0 : i32
        %dma_wait3A_288 = tpu.memref_slice %arg14[%dma_wait3A_286, %dma_wait3A_287] : memref<128x128xf32, #tpu.memory_space<vmem>> -> memref<16x128xf32, #tpu.memory_space<vmem>>
        %dma_wait3A_289 = arith.constant 0 : i32
        %dma_wait3A_290 = tpu.memref_slice %arg13[%run_scoped3A_173, %dma_wait3A_289] : memref<8x16xi32, #tpu.memory_space<vmem>> -> memref<1x16xi32, #tpu.memory_space<vmem>>
        %dma_wait3A_291 = tpu.memref_squeeze %dma_wait3A_290 : memref<1x16xi32, #tpu.memory_space<vmem>> -> memref<16xi32, #tpu.memory_space<vmem>>
        %dma_wait3A_292 = arith.constant 0 : i32
        %dma_wait3A_293 = arith.constant 0 : i32
        %dma_wait3A_294 = tpu.memref_slice %arg9[%dma_wait3A_292, %dma_wait3A_293] : memref<10240x128xf32, #tpu.memory_space<vmem_shared>> -> memref<10240x128xf32, #tpu.memory_space<vmem_shared>>
        tpu.wait_indirect_dma semaphore(%run_scoped3A_276 : memref<!tpu.dma_semaphore, #tpu.memory_space<semaphore_mem>>) src(%dma_wait3A_288 : memref<16x128xf32, #tpu.memory_space<vmem>>) dst(%dma_wait3A_294 : memref<10240x128xf32, #tpu.memory_space<vmem_shared>>)
        tpu.yield
      }) : () -> ()
      %run_scoped3A_174 = arith.constant 3 : i32
      "tpu.region"() ({
        %run_scoped3A_276 = tpu.sem_alloc : memref<!tpu.dma_semaphore, #tpu.memory_space<semaphore_mem>>
        %dma_start3A_277 = arith.constant 48 : i32
        %dma_start3A_278 = arith.constant 0 : i32
        %dma_start3A_279 = tpu.memref_slice %arg14[%dma_start3A_277, %dma_start3A_278] : memref<128x128xf32, #tpu.memory_space<vmem>> -> memref<16x128xf32, #tpu.memory_space<vmem>>
        %dma_start3A_280 = arith.constant 0 : i32
        %dma_start3A_281 = tpu.memref_slice %arg13[%run_scoped3A_174, %dma_start3A_280] : memref<8x16xi32, #tpu.memory_space<vmem>> -> memref<1x16xi32, #tpu.memory_space<vmem>>
        %dma_start3A_282 = tpu.memref_squeeze %dma_start3A_281 : memref<1x16xi32, #tpu.memory_space<vmem>> -> memref<16xi32, #tpu.memory_space<vmem>>
        %dma_start3A_283 = arith.constant 0 : i32
        %dma_start3A_284 = arith.constant 0 : i32
        %dma_start3A_285 = tpu.memref_slice %arg9[%dma_start3A_283, %dma_start3A_284] : memref<10240x128xf32, #tpu.memory_space<vmem_shared>> -> memref<10240x128xf32, #tpu.memory_space<vmem_shared>>
        tpu.enqueue_indirect_dma source(%dma_start3A_279 : memref<16x128xf32, #tpu.memory_space<vmem>>) target(%dma_start3A_285 : memref<10240x128xf32, #tpu.memory_space<vmem_shared>>) offsets(%dma_start3A_282 : memref<16xi32, #tpu.memory_space<vmem>>) semaphore(%run_scoped3A_276 : memref<!tpu.dma_semaphore, #tpu.memory_space<semaphore_mem>>) {add = true}
        %dma_wait3A_286 = arith.constant 48 : i32
        %dma_wait3A_287 = arith.constant 0 : i32
        %dma_wait3A_288 = tpu.memref_slice %arg14[%dma_wait3A_286, %dma_wait3A_287] : memref<128x128xf32, #tpu.memory_space<vmem>> -> memref<16x128xf32, #tpu.memory_space<vmem>>
        %dma_wait3A_289 = arith.constant 0 : i32
        %dma_wait3A_290 = tpu.memref_slice %arg13[%run_scoped3A_174, %dma_wait3A_289] : memref<8x16xi32, #tpu.memory_space<vmem>> -> memref<1x16xi32, #tpu.memory_space<vmem>>
        %dma_wait3A_291 = tpu.memref_squeeze %dma_wait3A_290 : memref<1x16xi32, #tpu.memory_space<vmem>> -> memref<16xi32, #tpu.memory_space<vmem>>
        %dma_wait3A_292 = arith.constant 0 : i32
        %dma_wait3A_293 = arith.constant 0 : i32
        %dma_wait3A_294 = tpu.memref_slice %arg9[%dma_wait3A_292, %dma_wait3A_293] : memref<10240x128xf32, #tpu.memory_space<vmem_shared>> -> memref<10240x128xf32, #tpu.memory_space<vmem_shared>>
        tpu.wait_indirect_dma semaphore(%run_scoped3A_276 : memref<!tpu.dma_semaphore, #tpu.memory_space<semaphore_mem>>) src(%dma_wait3A_288 : memref<16x128xf32, #tpu.memory_space<vmem>>) dst(%dma_wait3A_294 : memref<10240x128xf32, #tpu.memory_space<vmem_shared>>)
        tpu.yield
      }) : () -> ()
      %run_scoped3A_175 = arith.constant 4 : i32
      "tpu.region"() ({
        %run_scoped3A_276 = tpu.sem_alloc : memref<!tpu.dma_semaphore, #tpu.memory_space<semaphore_mem>>
        %dma_start3A_277 = arith.constant 64 : i32
        %dma_start3A_278 = arith.constant 0 : i32
        %dma_start3A_279 = tpu.memref_slice %arg14[%dma_start3A_277, %dma_start3A_278] : memref<128x128xf32, #tpu.memory_space<vmem>> -> memref<16x128xf32, #tpu.memory_space<vmem>>
        %dma_start3A_280 = arith.constant 0 : i32
        %dma_start3A_281 = tpu.memref_slice %arg13[%run_scoped3A_175, %dma_start3A_280] : memref<8x16xi32, #tpu.memory_space<vmem>> -> memref<1x16xi32, #tpu.memory_space<vmem>>
        %dma_start3A_282 = tpu.memref_squeeze %dma_start3A_281 : memref<1x16xi32, #tpu.memory_space<vmem>> -> memref<16xi32, #tpu.memory_space<vmem>>
        %dma_start3A_283 = arith.constant 0 : i32
        %dma_start3A_284 = arith.constant 0 : i32
        %dma_start3A_285 = tpu.memref_slice %arg9[%dma_start3A_283, %dma_start3A_284] : memref<10240x128xf32, #tpu.memory_space<vmem_shared>> -> memref<10240x128xf32, #tpu.memory_space<vmem_shared>>
        tpu.enqueue_indirect_dma source(%dma_start3A_279 : memref<16x128xf32, #tpu.memory_space<vmem>>) target(%dma_start3A_285 : memref<10240x128xf32, #tpu.memory_space<vmem_shared>>) offsets(%dma_start3A_282 : memref<16xi32, #tpu.memory_space<vmem>>) semaphore(%run_scoped3A_276 : memref<!tpu.dma_semaphore, #tpu.memory_space<semaphore_mem>>) {add = true}
        %dma_wait3A_286 = arith.constant 64 : i32
        %dma_wait3A_287 = arith.constant 0 : i32
        %dma_wait3A_288 = tpu.memref_slice %arg14[%dma_wait3A_286, %dma_wait3A_287] : memref<128x128xf32, #tpu.memory_space<vmem>> -> memref<16x128xf32, #tpu.memory_space<vmem>>
        %dma_wait3A_289 = arith.constant 0 : i32
        %dma_wait3A_290 = tpu.memref_slice %arg13[%run_scoped3A_175, %dma_wait3A_289] : memref<8x16xi32, #tpu.memory_space<vmem>> -> memref<1x16xi32, #tpu.memory_space<vmem>>
        %dma_wait3A_291 = tpu.memref_squeeze %dma_wait3A_290 : memref<1x16xi32, #tpu.memory_space<vmem>> -> memref<16xi32, #tpu.memory_space<vmem>>
        %dma_wait3A_292 = arith.constant 0 : i32
        %dma_wait3A_293 = arith.constant 0 : i32
        %dma_wait3A_294 = tpu.memref_slice %arg9[%dma_wait3A_292, %dma_wait3A_293] : memref<10240x128xf32, #tpu.memory_space<vmem_shared>> -> memref<10240x128xf32, #tpu.memory_space<vmem_shared>>
        tpu.wait_indirect_dma semaphore(%run_scoped3A_276 : memref<!tpu.dma_semaphore, #tpu.memory_space<semaphore_mem>>) src(%dma_wait3A_288 : memref<16x128xf32, #tpu.memory_space<vmem>>) dst(%dma_wait3A_294 : memref<10240x128xf32, #tpu.memory_space<vmem_shared>>)
        tpu.yield
      }) : () -> ()
      %run_scoped3A_176 = arith.constant 5 : i32
      "tpu.region"() ({
        %run_scoped3A_276 = tpu.sem_alloc : memref<!tpu.dma_semaphore, #tpu.memory_space<semaphore_mem>>
        %dma_start3A_277 = arith.constant 80 : i32
        %dma_start3A_278 = arith.constant 0 : i32
        %dma_start3A_279 = tpu.memref_slice %arg14[%dma_start3A_277, %dma_start3A_278] : memref<128x128xf32, #tpu.memory_space<vmem>> -> memref<16x128xf32, #tpu.memory_space<vmem>>
        %dma_start3A_280 = arith.constant 0 : i32
        %dma_start3A_281 = tpu.memref_slice %arg13[%run_scoped3A_176, %dma_start3A_280] : memref<8x16xi32, #tpu.memory_space<vmem>> -> memref<1x16xi32, #tpu.memory_space<vmem>>
        %dma_start3A_282 = tpu.memref_squeeze %dma_start3A_281 : memref<1x16xi32, #tpu.memory_space<vmem>> -> memref<16xi32, #tpu.memory_space<vmem>>
        %dma_start3A_283 = arith.constant 0 : i32
        %dma_start3A_284 = arith.constant 0 : i32
        %dma_start3A_285 = tpu.memref_slice %arg9[%dma_start3A_283, %dma_start3A_284] : memref<10240x128xf32, #tpu.memory_space<vmem_shared>> -> memref<10240x128xf32, #tpu.memory_space<vmem_shared>>
        tpu.enqueue_indirect_dma source(%dma_start3A_279 : memref<16x128xf32, #tpu.memory_space<vmem>>) target(%dma_start3A_285 : memref<10240x128xf32, #tpu.memory_space<vmem_shared>>) offsets(%dma_start3A_282 : memref<16xi32, #tpu.memory_space<vmem>>) semaphore(%run_scoped3A_276 : memref<!tpu.dma_semaphore, #tpu.memory_space<semaphore_mem>>) {add = true}
        %dma_wait3A_286 = arith.constant 80 : i32
        %dma_wait3A_287 = arith.constant 0 : i32
        %dma_wait3A_288 = tpu.memref_slice %arg14[%dma_wait3A_286, %dma_wait3A_287] : memref<128x128xf32, #tpu.memory_space<vmem>> -> memref<16x128xf32, #tpu.memory_space<vmem>>
        %dma_wait3A_289 = arith.constant 0 : i32
        %dma_wait3A_290 = tpu.memref_slice %arg13[%run_scoped3A_176, %dma_wait3A_289] : memref<8x16xi32, #tpu.memory_space<vmem>> -> memref<1x16xi32, #tpu.memory_space<vmem>>
        %dma_wait3A_291 = tpu.memref_squeeze %dma_wait3A_290 : memref<1x16xi32, #tpu.memory_space<vmem>> -> memref<16xi32, #tpu.memory_space<vmem>>
        %dma_wait3A_292 = arith.constant 0 : i32
        %dma_wait3A_293 = arith.constant 0 : i32
        %dma_wait3A_294 = tpu.memref_slice %arg9[%dma_wait3A_292, %dma_wait3A_293] : memref<10240x128xf32, #tpu.memory_space<vmem_shared>> -> memref<10240x128xf32, #tpu.memory_space<vmem_shared>>
        tpu.wait_indirect_dma semaphore(%run_scoped3A_276 : memref<!tpu.dma_semaphore, #tpu.memory_space<semaphore_mem>>) src(%dma_wait3A_288 : memref<16x128xf32, #tpu.memory_space<vmem>>) dst(%dma_wait3A_294 : memref<10240x128xf32, #tpu.memory_space<vmem_shared>>)
        tpu.yield
      }) : () -> ()
      %run_scoped3A_177 = arith.constant 6 : i32
      "tpu.region"() ({
        %run_scoped3A_276 = tpu.sem_alloc : memref<!tpu.dma_semaphore, #tpu.memory_space<semaphore_mem>>
        %dma_start3A_277 = arith.constant 96 : i32
        %dma_start3A_278 = arith.constant 0 : i32
        %dma_start3A_279 = tpu.memref_slice %arg14[%dma_start3A_277, %dma_start3A_278] : memref<128x128xf32, #tpu.memory_space<vmem>> -> memref<16x128xf32, #tpu.memory_space<vmem>>
        %dma_start3A_280 = arith.constant 0 : i32
        %dma_start3A_281 = tpu.memref_slice %arg13[%run_scoped3A_177, %dma_start3A_280] : memref<8x16xi32, #tpu.memory_space<vmem>> -> memref<1x16xi32, #tpu.memory_space<vmem>>
        %dma_start3A_282 = tpu.memref_squeeze %dma_start3A_281 : memref<1x16xi32, #tpu.memory_space<vmem>> -> memref<16xi32, #tpu.memory_space<vmem>>
        %dma_start3A_283 = arith.constant 0 : i32
        %dma_start3A_284 = arith.constant 0 : i32
        %dma_start3A_285 = tpu.memref_slice %arg9[%dma_start3A_283, %dma_start3A_284] : memref<10240x128xf32, #tpu.memory_space<vmem_shared>> -> memref<10240x128xf32, #tpu.memory_space<vmem_shared>>
        tpu.enqueue_indirect_dma source(%dma_start3A_279 : memref<16x128xf32, #tpu.memory_space<vmem>>) target(%dma_start3A_285 : memref<10240x128xf32, #tpu.memory_space<vmem_shared>>) offsets(%dma_start3A_282 : memref<16xi32, #tpu.memory_space<vmem>>) semaphore(%run_scoped3A_276 : memref<!tpu.dma_semaphore, #tpu.memory_space<semaphore_mem>>) {add = true}
        %dma_wait3A_286 = arith.constant 96 : i32
        %dma_wait3A_287 = arith.constant 0 : i32
        %dma_wait3A_288 = tpu.memref_slice %arg14[%dma_wait3A_286, %dma_wait3A_287] : memref<128x128xf32, #tpu.memory_space<vmem>> -> memref<16x128xf32, #tpu.memory_space<vmem>>
        %dma_wait3A_289 = arith.constant 0 : i32
        %dma_wait3A_290 = tpu.memref_slice %arg13[%run_scoped3A_177, %dma_wait3A_289] : memref<8x16xi32, #tpu.memory_space<vmem>> -> memref<1x16xi32, #tpu.memory_space<vmem>>
        %dma_wait3A_291 = tpu.memref_squeeze %dma_wait3A_290 : memref<1x16xi32, #tpu.memory_space<vmem>> -> memref<16xi32, #tpu.memory_space<vmem>>
        %dma_wait3A_292 = arith.constant 0 : i32
        %dma_wait3A_293 = arith.constant 0 : i32
        %dma_wait3A_294 = tpu.memref_slice %arg9[%dma_wait3A_292, %dma_wait3A_293] : memref<10240x128xf32, #tpu.memory_space<vmem_shared>> -> memref<10240x128xf32, #tpu.memory_space<vmem_shared>>
        tpu.wait_indirect_dma semaphore(%run_scoped3A_276 : memref<!tpu.dma_semaphore, #tpu.memory_space<semaphore_mem>>) src(%dma_wait3A_288 : memref<16x128xf32, #tpu.memory_space<vmem>>) dst(%dma_wait3A_294 : memref<10240x128xf32, #tpu.memory_space<vmem_shared>>)
        tpu.yield
      }) : () -> ()
      %run_scoped3A_178 = arith.constant 7 : i32
      "tpu.region"() ({
        %run_scoped3A_276 = tpu.sem_alloc : memref<!tpu.dma_semaphore, #tpu.memory_space<semaphore_mem>>
        %dma_start3A_277 = arith.constant 112 : i32
        %dma_start3A_278 = arith.constant 0 : i32
        %dma_start3A_279 = tpu.memref_slice %arg14[%dma_start3A_277, %dma_start3A_278] : memref<128x128xf32, #tpu.memory_space<vmem>> -> memref<16x128xf32, #tpu.memory_space<vmem>>
        %dma_start3A_280 = arith.constant 0 : i32
        %dma_start3A_281 = tpu.memref_slice %arg13[%run_scoped3A_178, %dma_start3A_280] : memref<8x16xi32, #tpu.memory_space<vmem>> -> memref<1x16xi32, #tpu.memory_space<vmem>>
        %dma_start3A_282 = tpu.memref_squeeze %dma_start3A_281 : memref<1x16xi32, #tpu.memory_space<vmem>> -> memref<16xi32, #tpu.memory_space<vmem>>
        %dma_start3A_283 = arith.constant 0 : i32
        %dma_start3A_284 = arith.constant 0 : i32
        %dma_start3A_285 = tpu.memref_slice %arg9[%dma_start3A_283, %dma_start3A_284] : memref<10240x128xf32, #tpu.memory_space<vmem_shared>> -> memref<10240x128xf32, #tpu.memory_space<vmem_shared>>
        tpu.enqueue_indirect_dma source(%dma_start3A_279 : memref<16x128xf32, #tpu.memory_space<vmem>>) target(%dma_start3A_285 : memref<10240x128xf32, #tpu.memory_space<vmem_shared>>) offsets(%dma_start3A_282 : memref<16xi32, #tpu.memory_space<vmem>>) semaphore(%run_scoped3A_276 : memref<!tpu.dma_semaphore, #tpu.memory_space<semaphore_mem>>) {add = true}
        %dma_wait3A_286 = arith.constant 112 : i32
        %dma_wait3A_287 = arith.constant 0 : i32
        %dma_wait3A_288 = tpu.memref_slice %arg14[%dma_wait3A_286, %dma_wait3A_287] : memref<128x128xf32, #tpu.memory_space<vmem>> -> memref<16x128xf32, #tpu.memory_space<vmem>>
        %dma_wait3A_289 = arith.constant 0 : i32
        %dma_wait3A_290 = tpu.memref_slice %arg13[%run_scoped3A_178, %dma_wait3A_289] : memref<8x16xi32, #tpu.memory_space<vmem>> -> memref<1x16xi32, #tpu.memory_space<vmem>>
        %dma_wait3A_291 = tpu.memref_squeeze %dma_wait3A_290 : memref<1x16xi32, #tpu.memory_space<vmem>> -> memref<16xi32, #tpu.memory_space<vmem>>
        %dma_wait3A_292 = arith.constant 0 : i32
        %dma_wait3A_293 = arith.constant 0 : i32
        %dma_wait3A_294 = tpu.memref_slice %arg9[%dma_wait3A_292, %dma_wait3A_293] : memref<10240x128xf32, #tpu.memory_space<vmem_shared>> -> memref<10240x128xf32, #tpu.memory_space<vmem_shared>>
        tpu.wait_indirect_dma semaphore(%run_scoped3A_276 : memref<!tpu.dma_semaphore, #tpu.memory_space<semaphore_mem>>) src(%dma_wait3A_288 : memref<16x128xf32, #tpu.memory_space<vmem>>) dst(%dma_wait3A_294 : memref<10240x128xf32, #tpu.memory_space<vmem_shared>>)
        tpu.yield
      }) : () -> ()
      %add3A_179 = arith.constant 1 : i32
      %add3A_180 = arith.addi %mul3A_94, %add3A_179 : i32
      %mul3A_181 = arith.constant 128 : i32
      %mul3A_182 = arith.muli %add3A_180, %mul3A_181 : i32
      %add3A_183 = arith.addi %add3A_78, %mul3A_182 : i32
      %dma_wait3A = tpu.memref_slice %arg4[%add3A_183] : memref<163840xi32, #tpu.memory_space<hbm>> -> memref<128xi32, #tpu.memory_space<hbm>>
      %dma_wait3A_184 = tpu.memref_slice %arg4[%add3A_183] : memref<163840xi32, #tpu.memory_space<hbm>> -> memref<128xi32, #tpu.memory_space<hbm>>
      tpu.wait_dma2 semaphore(%arg16 : memref<!tpu.dma_semaphore, #tpu.memory_space<semaphore_mem>>) src(%dma_wait3A_184 : memref<128xi32, #tpu.memory_space<hbm>>) dst(%arg12 : memref<128xi32, #tpu.memory_space<vmem>>)
      %add3A_185 = arith.constant 2 : i32
      %add3A_186 = arith.addi %mul3A_94, %add3A_185 : i32
      %lt3A = arith.constant 40 : i32
      %lt3A_187 = arith.cmpi slt, %add3A_186, %lt3A : i32
      %convert_element_type3A = arith.extui %lt3A_187 : i1 to i32
      %cond3A = arith.constant 0 : i32
      %cond3A_188 = arith.cmpi ne, %convert_element_type3A, %cond3A : i32
      scf.if %cond3A_188 {
        %add3A_276 = arith.constant 2 : i32
        %add3A_277 = arith.addi %mul3A_94, %add3A_276 : i32
        %mul3A_278 = arith.constant 128 : i32
        %mul3A_279 = arith.muli %add3A_277, %mul3A_278 : i32
        %add3A_280 = arith.addi %add3A_78, %mul3A_279 : i32
        %dma_start3A_281 = tpu.memref_slice %arg4[%add3A_280] : memref<163840xi32, #tpu.memory_space<hbm>> -> memref<128xi32, #tpu.memory_space<hbm>>
        %dma_start3A_282 = tpu.memref_slice %arg4[%add3A_280] : memref<163840xi32, #tpu.memory_space<hbm>> -> memref<128xi32, #tpu.memory_space<hbm>>
        tpu.enqueue_dma source(%dma_start3A_282 : memref<128xi32, #tpu.memory_space<hbm>>) target(%arg11 : memref<128xi32, #tpu.memory_space<vmem>>) target_semaphore(%arg17 : memref<!tpu.dma_semaphore, #tpu.memory_space<semaphore_mem>>)
      } else {
      }
      %get3A_189 = arith.constant 0 : index
      %get3A_190 = tpu.vector_load %arg12[%get3A_189] {strides = array<i32>} : memref<128xi32, #tpu.memory_space<vmem>>, vector<16xi32>,
      %get3A_191 = vector.shape_cast %get3A_190 : vector<16xi32> to vector<16xi32>
      %swap3A_192 = arith.constant 0 : i32
      %swap3A_193 = arith.index_cast %swap3A_192 : i32 to index
      %swap3A_194 = arith.constant 0 : index
      %swap3A_195 = tpu.vector_load %arg13[%swap3A_193, %swap3A_194] {strides = array<i32>} : memref<8x16xi32, #tpu.memory_space<vmem>>, vector<1x16xi32>,
      %swap3A_196 = vector.shape_cast %swap3A_195 : vector<1x16xi32> to vector<16xi32>
      %swap3A_197 = vector.shape_cast %get3A_191 : vector<16xi32> to vector<1x16xi32>
      tpu.vector_store %arg13[%swap3A_193, %swap3A_194], %swap3A_197 {strides = array<i32>} : memref<8x16xi32, #tpu.memory_space<vmem>>, vector<1x16xi32>,
      %get3A_198 = arith.constant 16 : index
      %get3A_199 = tpu.vector_load %arg12[%get3A_198] {strides = array<i32>} : memref<128xi32, #tpu.memory_space<vmem>>, vector<16xi32>,
      %get3A_200 = vector.shape_cast %get3A_199 : vector<16xi32> to vector<16xi32>
      %swap3A_201 = arith.constant 1 : i32
      %swap3A_202 = arith.index_cast %swap3A_201 : i32 to index
      %swap3A_203 = arith.constant 0 : index
      %swap3A_204 = tpu.vector_load %arg13[%swap3A_202, %swap3A_203] {strides = array<i32>} : memref<8x16xi32, #tpu.memory_space<vmem>>, vector<1x16xi32>,
      %swap3A_205 = vector.shape_cast %swap3A_204 : vector<1x16xi32> to vector<16xi32>
      %swap3A_206 = vector.shape_cast %get3A_200 : vector<16xi32> to vector<1x16xi32>
      tpu.vector_store %arg13[%swap3A_202, %swap3A_203], %swap3A_206 {strides = array<i32>} : memref<8x16xi32, #tpu.memory_space<vmem>>, vector<1x16xi32>,
      %get3A_207 = arith.constant 32 : index
      %get3A_208 = tpu.vector_load %arg12[%get3A_207] {strides = array<i32>} : memref<128xi32, #tpu.memory_space<vmem>>, vector<16xi32>,
      %get3A_209 = vector.shape_cast %get3A_208 : vector<16xi32> to vector<16xi32>
      %swap3A_210 = arith.constant 2 : i32
      %swap3A_211 = arith.index_cast %swap3A_210 : i32 to index
      %swap3A_212 = arith.constant 0 : index
      %swap3A_213 = tpu.vector_load %arg13[%swap3A_211, %swap3A_212] {strides = array<i32>} : memref<8x16xi32, #tpu.memory_space<vmem>>, vector<1x16xi32>,
      %swap3A_214 = vector.shape_cast %swap3A_213 : vector<1x16xi32> to vector<16xi32>
      %swap3A_215 = vector.shape_cast %get3A_209 : vector<16xi32> to vector<1x16xi32>
      tpu.vector_store %arg13[%swap3A_211, %swap3A_212], %swap3A_215 {strides = array<i32>} : memref<8x16xi32, #tpu.memory_space<vmem>>, vector<1x16xi32>,
      %get3A_216 = arith.constant 48 : index
      %get3A_217 = tpu.vector_load %arg12[%get3A_216] {strides = array<i32>} : memref<128xi32, #tpu.memory_space<vmem>>, vector<16xi32>,
      %get3A_218 = vector.shape_cast %get3A_217 : vector<16xi32> to vector<16xi32>
      %swap3A_219 = arith.constant 3 : i32
      %swap3A_220 = arith.index_cast %swap3A_219 : i32 to index
      %swap3A_221 = arith.constant 0 : index
      %swap3A_222 = tpu.vector_load %arg13[%swap3A_220, %swap3A_221] {strides = array<i32>} : memref<8x16xi32, #tpu.memory_space<vmem>>, vector<1x16xi32>,
      %swap3A_223 = vector.shape_cast %swap3A_222 : vector<1x16xi32> to vector<16xi32>
      %swap3A_224 = vector.shape_cast %get3A_218 : vector<16xi32> to vector<1x16xi32>
      tpu.vector_store %arg13[%swap3A_220, %swap3A_221], %swap3A_224 {strides = array<i32>} : memref<8x16xi32, #tpu.memory_space<vmem>>, vector<1x16xi32>,
      %get3A_225 = arith.constant 64 : index
      %get3A_226 = tpu.vector_load %arg12[%get3A_225] {strides = array<i32>} : memref<128xi32, #tpu.memory_space<vmem>>, vector<16xi32>,
      %get3A_227 = vector.shape_cast %get3A_226 : vector<16xi32> to vector<16xi32>
      %swap3A_228 = arith.constant 4 : i32
      %swap3A_229 = arith.index_cast %swap3A_228 : i32 to index
      %swap3A_230 = arith.constant 0 : index
      %swap3A_231 = tpu.vector_load %arg13[%swap3A_229, %swap3A_230] {strides = array<i32>} : memref<8x16xi32, #tpu.memory_space<vmem>>, vector<1x16xi32>,
      %swap3A_232 = vector.shape_cast %swap3A_231 : vector<1x16xi32> to vector<16xi32>
      %swap3A_233 = vector.shape_cast %get3A_227 : vector<16xi32> to vector<1x16xi32>
      tpu.vector_store %arg13[%swap3A_229, %swap3A_230], %swap3A_233 {strides = array<i32>} : memref<8x16xi32, #tpu.memory_space<vmem>>, vector<1x16xi32>,
      %get3A_234 = arith.constant 80 : index
      %get3A_235 = tpu.vector_load %arg12[%get3A_234] {strides = array<i32>} : memref<128xi32, #tpu.memory_space<vmem>>, vector<16xi32>,
      %get3A_236 = vector.shape_cast %get3A_235 : vector<16xi32> to vector<16xi32>
      %swap3A_237 = arith.constant 5 : i32
      %swap3A_238 = arith.index_cast %swap3A_237 : i32 to index
      %swap3A_239 = arith.constant 0 : index
      %swap3A_240 = tpu.vector_load %arg13[%swap3A_238, %swap3A_239] {strides = array<i32>} : memref<8x16xi32, #tpu.memory_space<vmem>>, vector<1x16xi32>,
      %swap3A_241 = vector.shape_cast %swap3A_240 : vector<1x16xi32> to vector<16xi32>
      %swap3A_242 = vector.shape_cast %get3A_236 : vector<16xi32> to vector<1x16xi32>
      tpu.vector_store %arg13[%swap3A_238, %swap3A_239], %swap3A_242 {strides = array<i32>} : memref<8x16xi32, #tpu.memory_space<vmem>>, vector<1x16xi32>,
      %get3A_243 = arith.constant 96 : index
      %get3A_244 = tpu.vector_load %arg12[%get3A_243] {strides = array<i32>} : memref<128xi32, #tpu.memory_space<vmem>>, vector<16xi32>,
      %get3A_245 = vector.shape_cast %get3A_244 : vector<16xi32> to vector<16xi32>
      %swap3A_246 = arith.constant 6 : i32
      %swap3A_247 = arith.index_cast %swap3A_246 : i32 to index
      %swap3A_248 = arith.constant 0 : index
      %swap3A_249 = tpu.vector_load %arg13[%swap3A_247, %swap3A_248] {strides = array<i32>} : memref<8x16xi32, #tpu.memory_space<vmem>>, vector<1x16xi32>,
      %swap3A_250 = vector.shape_cast %swap3A_249 : vector<1x16xi32> to vector<16xi32>
      %swap3A_251 = vector.shape_cast %get3A_245 : vector<16xi32> to vector<1x16xi32>
      tpu.vector_store %arg13[%swap3A_247, %swap3A_248], %swap3A_251 {strides = array<i32>} : memref<8x16xi32, #tpu.memory_space<vmem>>, vector<1x16xi32>,
      %get3A_252 = arith.constant 112 : index
      %get3A_253 = tpu.vector_load %arg12[%get3A_252] {strides = array<i32>} : memref<128xi32, #tpu.memory_space<vmem>>, vector<16xi32>,
      %get3A_254 = vector.shape_cast %get3A_253 : vector<16xi32> to vector<16xi32>
      %swap3A_255 = arith.constant 7 : i32
      %swap3A_256 = arith.index_cast %swap3A_255 : i32 to index
      %swap3A_257 = arith.constant 0 : index
      %swap3A_258 = tpu.vector_load %arg13[%swap3A_256, %swap3A_257] {strides = array<i32>} : memref<8x16xi32, #tpu.memory_space<vmem>>, vector<1x16xi32>,
      %swap3A_259 = vector.shape_cast %swap3A_258 : vector<1x16xi32> to vector<16xi32>
      %swap3A_260 = vector.shape_cast %get3A_254 : vector<16xi32> to vector<1x16xi32>
      tpu.vector_store %arg13[%swap3A_256, %swap3A_257], %swap3A_260 {strides = array<i32>} : memref<8x16xi32, #tpu.memory_space<vmem>>, vector<1x16xi32>,
      %run_scoped3A_261 = arith.constant 0 : i32
      "tpu.region"() ({
        %run_scoped3A_276 = tpu.sem_alloc : memref<!tpu.dma_semaphore, #tpu.memory_space<semaphore_mem>>
        %dma_start3A_277 = arith.constant 0 : i32
        %dma_start3A_278 = arith.constant 0 : i32
        %dma_start3A_279 = tpu.memref_slice %arg14[%dma_start3A_277, %dma_start3A_278] : memref<128x128xf32, #tpu.memory_space<vmem>> -> memref<16x128xf32, #tpu.memory_space<vmem>>
        %dma_start3A_280 = arith.constant 0 : i32
        %dma_start3A_281 = tpu.memref_slice %arg13[%run_scoped3A_261, %dma_start3A_280] : memref<8x16xi32, #tpu.memory_space<vmem>> -> memref<1x16xi32, #tpu.memory_space<vmem>>
        %dma_start3A_282 = tpu.memref_squeeze %dma_start3A_281 : memref<1x16xi32, #tpu.memory_space<vmem>> -> memref<16xi32, #tpu.memory_space<vmem>>
        %dma_start3A_283 = arith.constant 0 : i32
        %dma_start3A_284 = arith.constant 0 : i32
        %dma_start3A_285 = tpu.memref_slice %arg9[%dma_start3A_283, %dma_start3A_284] : memref<10240x128xf32, #tpu.memory_space<vmem_shared>> -> memref<10240x128xf32, #tpu.memory_space<vmem_shared>>
        tpu.enqueue_indirect_dma source(%dma_start3A_279 : memref<16x128xf32, #tpu.memory_space<vmem>>) target(%dma_start3A_285 : memref<10240x128xf32, #tpu.memory_space<vmem_shared>>) offsets(%dma_start3A_282 : memref<16xi32, #tpu.memory_space<vmem>>) semaphore(%run_scoped3A_276 : memref<!tpu.dma_semaphore, #tpu.memory_space<semaphore_mem>>) {add = true}
        %dma_wait3A_286 = arith.constant 0 : i32
        %dma_wait3A_287 = arith.constant 0 : i32
        %dma_wait3A_288 = tpu.memref_slice %arg14[%dma_wait3A_286, %dma_wait3A_287] : memref<128x128xf32, #tpu.memory_space<vmem>> -> memref<16x128xf32, #tpu.memory_space<vmem>>
        %dma_wait3A_289 = arith.constant 0 : i32
        %dma_wait3A_290 = tpu.memref_slice %arg13[%run_scoped3A_261, %dma_wait3A_289] : memref<8x16xi32, #tpu.memory_space<vmem>> -> memref<1x16xi32, #tpu.memory_space<vmem>>
        %dma_wait3A_291 = tpu.memref_squeeze %dma_wait3A_290 : memref<1x16xi32, #tpu.memory_space<vmem>> -> memref<16xi32, #tpu.memory_space<vmem>>
        %dma_wait3A_292 = arith.constant 0 : i32
        %dma_wait3A_293 = arith.constant 0 : i32
        %dma_wait3A_294 = tpu.memref_slice %arg9[%dma_wait3A_292, %dma_wait3A_293] : memref<10240x128xf32, #tpu.memory_space<vmem_shared>> -> memref<10240x128xf32, #tpu.memory_space<vmem_shared>>
        tpu.wait_indirect_dma semaphore(%run_scoped3A_276 : memref<!tpu.dma_semaphore, #tpu.memory_space<semaphore_mem>>) src(%dma_wait3A_288 : memref<16x128xf32, #tpu.memory_space<vmem>>) dst(%dma_wait3A_294 : memref<10240x128xf32, #tpu.memory_space<vmem_shared>>)
        tpu.yield
      }) : () -> ()
      %run_scoped3A_262 = arith.constant 1 : i32
      "tpu.region"() ({
        %run_scoped3A_276 = tpu.sem_alloc : memref<!tpu.dma_semaphore, #tpu.memory_space<semaphore_mem>>
        %dma_start3A_277 = arith.constant 16 : i32
        %dma_start3A_278 = arith.constant 0 : i32
        %dma_start3A_279 = tpu.memref_slice %arg14[%dma_start3A_277, %dma_start3A_278] : memref<128x128xf32, #tpu.memory_space<vmem>> -> memref<16x128xf32, #tpu.memory_space<vmem>>
        %dma_start3A_280 = arith.constant 0 : i32
        %dma_start3A_281 = tpu.memref_slice %arg13[%run_scoped3A_262, %dma_start3A_280] : memref<8x16xi32, #tpu.memory_space<vmem>> -> memref<1x16xi32, #tpu.memory_space<vmem>>
        %dma_start3A_282 = tpu.memref_squeeze %dma_start3A_281 : memref<1x16xi32, #tpu.memory_space<vmem>> -> memref<16xi32, #tpu.memory_space<vmem>>
        %dma_start3A_283 = arith.constant 0 : i32
        %dma_start3A_284 = arith.constant 0 : i32
        %dma_start3A_285 = tpu.memref_slice %arg9[%dma_start3A_283, %dma_start3A_284] : memref<10240x128xf32, #tpu.memory_space<vmem_shared>> -> memref<10240x128xf32, #tpu.memory_space<vmem_shared>>
        tpu.enqueue_indirect_dma source(%dma_start3A_279 : memref<16x128xf32, #tpu.memory_space<vmem>>) target(%dma_start3A_285 : memref<10240x128xf32, #tpu.memory_space<vmem_shared>>) offsets(%dma_start3A_282 : memref<16xi32, #tpu.memory_space<vmem>>) semaphore(%run_scoped3A_276 : memref<!tpu.dma_semaphore, #tpu.memory_space<semaphore_mem>>) {add = true}
        %dma_wait3A_286 = arith.constant 16 : i32
        %dma_wait3A_287 = arith.constant 0 : i32
        %dma_wait3A_288 = tpu.memref_slice %arg14[%dma_wait3A_286, %dma_wait3A_287] : memref<128x128xf32, #tpu.memory_space<vmem>> -> memref<16x128xf32, #tpu.memory_space<vmem>>
        %dma_wait3A_289 = arith.constant 0 : i32
        %dma_wait3A_290 = tpu.memref_slice %arg13[%run_scoped3A_262, %dma_wait3A_289] : memref<8x16xi32, #tpu.memory_space<vmem>> -> memref<1x16xi32, #tpu.memory_space<vmem>>
        %dma_wait3A_291 = tpu.memref_squeeze %dma_wait3A_290 : memref<1x16xi32, #tpu.memory_space<vmem>> -> memref<16xi32, #tpu.memory_space<vmem>>
        %dma_wait3A_292 = arith.constant 0 : i32
        %dma_wait3A_293 = arith.constant 0 : i32
        %dma_wait3A_294 = tpu.memref_slice %arg9[%dma_wait3A_292, %dma_wait3A_293] : memref<10240x128xf32, #tpu.memory_space<vmem_shared>> -> memref<10240x128xf32, #tpu.memory_space<vmem_shared>>
        tpu.wait_indirect_dma semaphore(%run_scoped3A_276 : memref<!tpu.dma_semaphore, #tpu.memory_space<semaphore_mem>>) src(%dma_wait3A_288 : memref<16x128xf32, #tpu.memory_space<vmem>>) dst(%dma_wait3A_294 : memref<10240x128xf32, #tpu.memory_space<vmem_shared>>)
        tpu.yield
      }) : () -> ()
      %run_scoped3A_263 = arith.constant 2 : i32
      "tpu.region"() ({
        %run_scoped3A_276 = tpu.sem_alloc : memref<!tpu.dma_semaphore, #tpu.memory_space<semaphore_mem>>
        %dma_start3A_277 = arith.constant 32 : i32
        %dma_start3A_278 = arith.constant 0 : i32
        %dma_start3A_279 = tpu.memref_slice %arg14[%dma_start3A_277, %dma_start3A_278] : memref<128x128xf32, #tpu.memory_space<vmem>> -> memref<16x128xf32, #tpu.memory_space<vmem>>
        %dma_start3A_280 = arith.constant 0 : i32
        %dma_start3A_281 = tpu.memref_slice %arg13[%run_scoped3A_263, %dma_start3A_280] : memref<8x16xi32, #tpu.memory_space<vmem>> -> memref<1x16xi32, #tpu.memory_space<vmem>>
        %dma_start3A_282 = tpu.memref_squeeze %dma_start3A_281 : memref<1x16xi32, #tpu.memory_space<vmem>> -> memref<16xi32, #tpu.memory_space<vmem>>
        %dma_start3A_283 = arith.constant 0 : i32
        %dma_start3A_284 = arith.constant 0 : i32
        %dma_start3A_285 = tpu.memref_slice %arg9[%dma_start3A_283, %dma_start3A_284] : memref<10240x128xf32, #tpu.memory_space<vmem_shared>> -> memref<10240x128xf32, #tpu.memory_space<vmem_shared>>
        tpu.enqueue_indirect_dma source(%dma_start3A_279 : memref<16x128xf32, #tpu.memory_space<vmem>>) target(%dma_start3A_285 : memref<10240x128xf32, #tpu.memory_space<vmem_shared>>) offsets(%dma_start3A_282 : memref<16xi32, #tpu.memory_space<vmem>>) semaphore(%run_scoped3A_276 : memref<!tpu.dma_semaphore, #tpu.memory_space<semaphore_mem>>) {add = true}
        %dma_wait3A_286 = arith.constant 32 : i32
        %dma_wait3A_287 = arith.constant 0 : i32
        %dma_wait3A_288 = tpu.memref_slice %arg14[%dma_wait3A_286, %dma_wait3A_287] : memref<128x128xf32, #tpu.memory_space<vmem>> -> memref<16x128xf32, #tpu.memory_space<vmem>>
        %dma_wait3A_289 = arith.constant 0 : i32
        %dma_wait3A_290 = tpu.memref_slice %arg13[%run_scoped3A_263, %dma_wait3A_289] : memref<8x16xi32, #tpu.memory_space<vmem>> -> memref<1x16xi32, #tpu.memory_space<vmem>>
        %dma_wait3A_291 = tpu.memref_squeeze %dma_wait3A_290 : memref<1x16xi32, #tpu.memory_space<vmem>> -> memref<16xi32, #tpu.memory_space<vmem>>
        %dma_wait3A_292 = arith.constant 0 : i32
        %dma_wait3A_293 = arith.constant 0 : i32
        %dma_wait3A_294 = tpu.memref_slice %arg9[%dma_wait3A_292, %dma_wait3A_293] : memref<10240x128xf32, #tpu.memory_space<vmem_shared>> -> memref<10240x128xf32, #tpu.memory_space<vmem_shared>>
        tpu.wait_indirect_dma semaphore(%run_scoped3A_276 : memref<!tpu.dma_semaphore, #tpu.memory_space<semaphore_mem>>) src(%dma_wait3A_288 : memref<16x128xf32, #tpu.memory_space<vmem>>) dst(%dma_wait3A_294 : memref<10240x128xf32, #tpu.memory_space<vmem_shared>>)
        tpu.yield
      }) : () -> ()
      %run_scoped3A_264 = arith.constant 3 : i32
      "tpu.region"() ({
        %run_scoped3A_276 = tpu.sem_alloc : memref<!tpu.dma_semaphore, #tpu.memory_space<semaphore_mem>>
        %dma_start3A_277 = arith.constant 48 : i32
        %dma_start3A_278 = arith.constant 0 : i32
        %dma_start3A_279 = tpu.memref_slice %arg14[%dma_start3A_277, %dma_start3A_278] : memref<128x128xf32, #tpu.memory_space<vmem>> -> memref<16x128xf32, #tpu.memory_space<vmem>>
        %dma_start3A_280 = arith.constant 0 : i32
        %dma_start3A_281 = tpu.memref_slice %arg13[%run_scoped3A_264, %dma_start3A_280] : memref<8x16xi32, #tpu.memory_space<vmem>> -> memref<1x16xi32, #tpu.memory_space<vmem>>
        %dma_start3A_282 = tpu.memref_squeeze %dma_start3A_281 : memref<1x16xi32, #tpu.memory_space<vmem>> -> memref<16xi32, #tpu.memory_space<vmem>>
        %dma_start3A_283 = arith.constant 0 : i32
        %dma_start3A_284 = arith.constant 0 : i32
        %dma_start3A_285 = tpu.memref_slice %arg9[%dma_start3A_283, %dma_start3A_284] : memref<10240x128xf32, #tpu.memory_space<vmem_shared>> -> memref<10240x128xf32, #tpu.memory_space<vmem_shared>>
        tpu.enqueue_indirect_dma source(%dma_start3A_279 : memref<16x128xf32, #tpu.memory_space<vmem>>) target(%dma_start3A_285 : memref<10240x128xf32, #tpu.memory_space<vmem_shared>>) offsets(%dma_start3A_282 : memref<16xi32, #tpu.memory_space<vmem>>) semaphore(%run_scoped3A_276 : memref<!tpu.dma_semaphore, #tpu.memory_space<semaphore_mem>>) {add = true}
        %dma_wait3A_286 = arith.constant 48 : i32
        %dma_wait3A_287 = arith.constant 0 : i32
        %dma_wait3A_288 = tpu.memref_slice %arg14[%dma_wait3A_286, %dma_wait3A_287] : memref<128x128xf32, #tpu.memory_space<vmem>> -> memref<16x128xf32, #tpu.memory_space<vmem>>
        %dma_wait3A_289 = arith.constant 0 : i32
        %dma_wait3A_290 = tpu.memref_slice %arg13[%run_scoped3A_264, %dma_wait3A_289] : memref<8x16xi32, #tpu.memory_space<vmem>> -> memref<1x16xi32, #tpu.memory_space<vmem>>
        %dma_wait3A_291 = tpu.memref_squeeze %dma_wait3A_290 : memref<1x16xi32, #tpu.memory_space<vmem>> -> memref<16xi32, #tpu.memory_space<vmem>>
        %dma_wait3A_292 = arith.constant 0 : i32
        %dma_wait3A_293 = arith.constant 0 : i32
        %dma_wait3A_294 = tpu.memref_slice %arg9[%dma_wait3A_292, %dma_wait3A_293] : memref<10240x128xf32, #tpu.memory_space<vmem_shared>> -> memref<10240x128xf32, #tpu.memory_space<vmem_shared>>
        tpu.wait_indirect_dma semaphore(%run_scoped3A_276 : memref<!tpu.dma_semaphore, #tpu.memory_space<semaphore_mem>>) src(%dma_wait3A_288 : memref<16x128xf32, #tpu.memory_space<vmem>>) dst(%dma_wait3A_294 : memref<10240x128xf32, #tpu.memory_space<vmem_shared>>)
        tpu.yield
      }) : () -> ()
      %run_scoped3A_265 = arith.constant 4 : i32
      "tpu.region"() ({
        %run_scoped3A_276 = tpu.sem_alloc : memref<!tpu.dma_semaphore, #tpu.memory_space<semaphore_mem>>
        %dma_start3A_277 = arith.constant 64 : i32
        %dma_start3A_278 = arith.constant 0 : i32
        %dma_start3A_279 = tpu.memref_slice %arg14[%dma_start3A_277, %dma_start3A_278] : memref<128x128xf32, #tpu.memory_space<vmem>> -> memref<16x128xf32, #tpu.memory_space<vmem>>
        %dma_start3A_280 = arith.constant 0 : i32
        %dma_start3A_281 = tpu.memref_slice %arg13[%run_scoped3A_265, %dma_start3A_280] : memref<8x16xi32, #tpu.memory_space<vmem>> -> memref<1x16xi32, #tpu.memory_space<vmem>>
        %dma_start3A_282 = tpu.memref_squeeze %dma_start3A_281 : memref<1x16xi32, #tpu.memory_space<vmem>> -> memref<16xi32, #tpu.memory_space<vmem>>
        %dma_start3A_283 = arith.constant 0 : i32
        %dma_start3A_284 = arith.constant 0 : i32
        %dma_start3A_285 = tpu.memref_slice %arg9[%dma_start3A_283, %dma_start3A_284] : memref<10240x128xf32, #tpu.memory_space<vmem_shared>> -> memref<10240x128xf32, #tpu.memory_space<vmem_shared>>
        tpu.enqueue_indirect_dma source(%dma_start3A_279 : memref<16x128xf32, #tpu.memory_space<vmem>>) target(%dma_start3A_285 : memref<10240x128xf32, #tpu.memory_space<vmem_shared>>) offsets(%dma_start3A_282 : memref<16xi32, #tpu.memory_space<vmem>>) semaphore(%run_scoped3A_276 : memref<!tpu.dma_semaphore, #tpu.memory_space<semaphore_mem>>) {add = true}
        %dma_wait3A_286 = arith.constant 64 : i32
        %dma_wait3A_287 = arith.constant 0 : i32
        %dma_wait3A_288 = tpu.memref_slice %arg14[%dma_wait3A_286, %dma_wait3A_287] : memref<128x128xf32, #tpu.memory_space<vmem>> -> memref<16x128xf32, #tpu.memory_space<vmem>>
        %dma_wait3A_289 = arith.constant 0 : i32
        %dma_wait3A_290 = tpu.memref_slice %arg13[%run_scoped3A_265, %dma_wait3A_289] : memref<8x16xi32, #tpu.memory_space<vmem>> -> memref<1x16xi32, #tpu.memory_space<vmem>>
        %dma_wait3A_291 = tpu.memref_squeeze %dma_wait3A_290 : memref<1x16xi32, #tpu.memory_space<vmem>> -> memref<16xi32, #tpu.memory_space<vmem>>
        %dma_wait3A_292 = arith.constant 0 : i32
        %dma_wait3A_293 = arith.constant 0 : i32
        %dma_wait3A_294 = tpu.memref_slice %arg9[%dma_wait3A_292, %dma_wait3A_293] : memref<10240x128xf32, #tpu.memory_space<vmem_shared>> -> memref<10240x128xf32, #tpu.memory_space<vmem_shared>>
        tpu.wait_indirect_dma semaphore(%run_scoped3A_276 : memref<!tpu.dma_semaphore, #tpu.memory_space<semaphore_mem>>) src(%dma_wait3A_288 : memref<16x128xf32, #tpu.memory_space<vmem>>) dst(%dma_wait3A_294 : memref<10240x128xf32, #tpu.memory_space<vmem_shared>>)
        tpu.yield
      }) : () -> ()
      %run_scoped3A_266 = arith.constant 5 : i32
      "tpu.region"() ({
        %run_scoped3A_276 = tpu.sem_alloc : memref<!tpu.dma_semaphore, #tpu.memory_space<semaphore_mem>>
        %dma_start3A_277 = arith.constant 80 : i32
        %dma_start3A_278 = arith.constant 0 : i32
        %dma_start3A_279 = tpu.memref_slice %arg14[%dma_start3A_277, %dma_start3A_278] : memref<128x128xf32, #tpu.memory_space<vmem>> -> memref<16x128xf32, #tpu.memory_space<vmem>>
        %dma_start3A_280 = arith.constant 0 : i32
        %dma_start3A_281 = tpu.memref_slice %arg13[%run_scoped3A_266, %dma_start3A_280] : memref<8x16xi32, #tpu.memory_space<vmem>> -> memref<1x16xi32, #tpu.memory_space<vmem>>
        %dma_start3A_282 = tpu.memref_squeeze %dma_start3A_281 : memref<1x16xi32, #tpu.memory_space<vmem>> -> memref<16xi32, #tpu.memory_space<vmem>>
        %dma_start3A_283 = arith.constant 0 : i32
        %dma_start3A_284 = arith.constant 0 : i32
        %dma_start3A_285 = tpu.memref_slice %arg9[%dma_start3A_283, %dma_start3A_284] : memref<10240x128xf32, #tpu.memory_space<vmem_shared>> -> memref<10240x128xf32, #tpu.memory_space<vmem_shared>>
        tpu.enqueue_indirect_dma source(%dma_start3A_279 : memref<16x128xf32, #tpu.memory_space<vmem>>) target(%dma_start3A_285 : memref<10240x128xf32, #tpu.memory_space<vmem_shared>>) offsets(%dma_start3A_282 : memref<16xi32, #tpu.memory_space<vmem>>) semaphore(%run_scoped3A_276 : memref<!tpu.dma_semaphore, #tpu.memory_space<semaphore_mem>>) {add = true}
        %dma_wait3A_286 = arith.constant 80 : i32
        %dma_wait3A_287 = arith.constant 0 : i32
        %dma_wait3A_288 = tpu.memref_slice %arg14[%dma_wait3A_286, %dma_wait3A_287] : memref<128x128xf32, #tpu.memory_space<vmem>> -> memref<16x128xf32, #tpu.memory_space<vmem>>
        %dma_wait3A_289 = arith.constant 0 : i32
        %dma_wait3A_290 = tpu.memref_slice %arg13[%run_scoped3A_266, %dma_wait3A_289] : memref<8x16xi32, #tpu.memory_space<vmem>> -> memref<1x16xi32, #tpu.memory_space<vmem>>
        %dma_wait3A_291 = tpu.memref_squeeze %dma_wait3A_290 : memref<1x16xi32, #tpu.memory_space<vmem>> -> memref<16xi32, #tpu.memory_space<vmem>>
        %dma_wait3A_292 = arith.constant 0 : i32
        %dma_wait3A_293 = arith.constant 0 : i32
        %dma_wait3A_294 = tpu.memref_slice %arg9[%dma_wait3A_292, %dma_wait3A_293] : memref<10240x128xf32, #tpu.memory_space<vmem_shared>> -> memref<10240x128xf32, #tpu.memory_space<vmem_shared>>
        tpu.wait_indirect_dma semaphore(%run_scoped3A_276 : memref<!tpu.dma_semaphore, #tpu.memory_space<semaphore_mem>>) src(%dma_wait3A_288 : memref<16x128xf32, #tpu.memory_space<vmem>>) dst(%dma_wait3A_294 : memref<10240x128xf32, #tpu.memory_space<vmem_shared>>)
        tpu.yield
      }) : () -> ()
      %run_scoped3A_267 = arith.constant 6 : i32
      "tpu.region"() ({
        %run_scoped3A_276 = tpu.sem_alloc : memref<!tpu.dma_semaphore, #tpu.memory_space<semaphore_mem>>
        %dma_start3A_277 = arith.constant 96 : i32
        %dma_start3A_278 = arith.constant 0 : i32
        %dma_start3A_279 = tpu.memref_slice %arg14[%dma_start3A_277, %dma_start3A_278] : memref<128x128xf32, #tpu.memory_space<vmem>> -> memref<16x128xf32, #tpu.memory_space<vmem>>
        %dma_start3A_280 = arith.constant 0 : i32
        %dma_start3A_281 = tpu.memref_slice %arg13[%run_scoped3A_267, %dma_start3A_280] : memref<8x16xi32, #tpu.memory_space<vmem>> -> memref<1x16xi32, #tpu.memory_space<vmem>>
        %dma_start3A_282 = tpu.memref_squeeze %dma_start3A_281 : memref<1x16xi32, #tpu.memory_space<vmem>> -> memref<16xi32, #tpu.memory_space<vmem>>
        %dma_start3A_283 = arith.constant 0 : i32
        %dma_start3A_284 = arith.constant 0 : i32
        %dma_start3A_285 = tpu.memref_slice %arg9[%dma_start3A_283, %dma_start3A_284] : memref<10240x128xf32, #tpu.memory_space<vmem_shared>> -> memref<10240x128xf32, #tpu.memory_space<vmem_shared>>
        tpu.enqueue_indirect_dma source(%dma_start3A_279 : memref<16x128xf32, #tpu.memory_space<vmem>>) target(%dma_start3A_285 : memref<10240x128xf32, #tpu.memory_space<vmem_shared>>) offsets(%dma_start3A_282 : memref<16xi32, #tpu.memory_space<vmem>>) semaphore(%run_scoped3A_276 : memref<!tpu.dma_semaphore, #tpu.memory_space<semaphore_mem>>) {add = true}
        %dma_wait3A_286 = arith.constant 96 : i32
        %dma_wait3A_287 = arith.constant 0 : i32
        %dma_wait3A_288 = tpu.memref_slice %arg14[%dma_wait3A_286, %dma_wait3A_287] : memref<128x128xf32, #tpu.memory_space<vmem>> -> memref<16x128xf32, #tpu.memory_space<vmem>>
        %dma_wait3A_289 = arith.constant 0 : i32
        %dma_wait3A_290 = tpu.memref_slice %arg13[%run_scoped3A_267, %dma_wait3A_289] : memref<8x16xi32, #tpu.memory_space<vmem>> -> memref<1x16xi32, #tpu.memory_space<vmem>>
        %dma_wait3A_291 = tpu.memref_squeeze %dma_wait3A_290 : memref<1x16xi32, #tpu.memory_space<vmem>> -> memref<16xi32, #tpu.memory_space<vmem>>
        %dma_wait3A_292 = arith.constant 0 : i32
        %dma_wait3A_293 = arith.constant 0 : i32
        %dma_wait3A_294 = tpu.memref_slice %arg9[%dma_wait3A_292, %dma_wait3A_293] : memref<10240x128xf32, #tpu.memory_space<vmem_shared>> -> memref<10240x128xf32, #tpu.memory_space<vmem_shared>>
        tpu.wait_indirect_dma semaphore(%run_scoped3A_276 : memref<!tpu.dma_semaphore, #tpu.memory_space<semaphore_mem>>) src(%dma_wait3A_288 : memref<16x128xf32, #tpu.memory_space<vmem>>) dst(%dma_wait3A_294 : memref<10240x128xf32, #tpu.memory_space<vmem_shared>>)
        tpu.yield
      }) : () -> ()
      %run_scoped3A_268 = arith.constant 7 : i32
      "tpu.region"() ({
        %run_scoped3A_276 = tpu.sem_alloc : memref<!tpu.dma_semaphore, #tpu.memory_space<semaphore_mem>>
        %dma_start3A_277 = arith.constant 112 : i32
        %dma_start3A_278 = arith.constant 0 : i32
        %dma_start3A_279 = tpu.memref_slice %arg14[%dma_start3A_277, %dma_start3A_278] : memref<128x128xf32, #tpu.memory_space<vmem>> -> memref<16x128xf32, #tpu.memory_space<vmem>>
        %dma_start3A_280 = arith.constant 0 : i32
        %dma_start3A_281 = tpu.memref_slice %arg13[%run_scoped3A_268, %dma_start3A_280] : memref<8x16xi32, #tpu.memory_space<vmem>> -> memref<1x16xi32, #tpu.memory_space<vmem>>
        %dma_start3A_282 = tpu.memref_squeeze %dma_start3A_281 : memref<1x16xi32, #tpu.memory_space<vmem>> -> memref<16xi32, #tpu.memory_space<vmem>>
        %dma_start3A_283 = arith.constant 0 : i32
        %dma_start3A_284 = arith.constant 0 : i32
        %dma_start3A_285 = tpu.memref_slice %arg9[%dma_start3A_283, %dma_start3A_284] : memref<10240x128xf32, #tpu.memory_space<vmem_shared>> -> memref<10240x128xf32, #tpu.memory_space<vmem_shared>>
        tpu.enqueue_indirect_dma source(%dma_start3A_279 : memref<16x128xf32, #tpu.memory_space<vmem>>) target(%dma_start3A_285 : memref<10240x128xf32, #tpu.memory_space<vmem_shared>>) offsets(%dma_start3A_282 : memref<16xi32, #tpu.memory_space<vmem>>) semaphore(%run_scoped3A_276 : memref<!tpu.dma_semaphore, #tpu.memory_space<semaphore_mem>>) {add = true}
        %dma_wait3A_286 = arith.constant 112 : i32
        %dma_wait3A_287 = arith.constant 0 : i32
        %dma_wait3A_288 = tpu.memref_slice %arg14[%dma_wait3A_286, %dma_wait3A_287] : memref<128x128xf32, #tpu.memory_space<vmem>> -> memref<16x128xf32, #tpu.memory_space<vmem>>
        %dma_wait3A_289 = arith.constant 0 : i32
        %dma_wait3A_290 = tpu.memref_slice %arg13[%run_scoped3A_268, %dma_wait3A_289] : memref<8x16xi32, #tpu.memory_space<vmem>> -> memref<1x16xi32, #tpu.memory_space<vmem>>
        %dma_wait3A_291 = tpu.memref_squeeze %dma_wait3A_290 : memref<1x16xi32, #tpu.memory_space<vmem>> -> memref<16xi32, #tpu.memory_space<vmem>>
        %dma_wait3A_292 = arith.constant 0 : i32
        %dma_wait3A_293 = arith.constant 0 : i32
        %dma_wait3A_294 = tpu.memref_slice %arg9[%dma_wait3A_292, %dma_wait3A_293] : memref<10240x128xf32, #tpu.memory_space<vmem_shared>> -> memref<10240x128xf32, #tpu.memory_space<vmem_shared>>
        tpu.wait_indirect_dma semaphore(%run_scoped3A_276 : memref<!tpu.dma_semaphore, #tpu.memory_space<semaphore_mem>>) src(%dma_wait3A_288 : memref<16x128xf32, #tpu.memory_space<vmem>>) dst(%dma_wait3A_294 : memref<10240x128xf32, #tpu.memory_space<vmem_shared>>)
        tpu.yield
      }) : () -> ()
      %add3A_269 = arith.constant 2 : i32
      %add3A_270 = arith.addi %mul3A_94, %add3A_269 : i32
      %lt3A_271 = arith.constant 40 : i32
      %lt3A_272 = arith.cmpi slt, %add3A_270, %lt3A_271 : i32
      %convert_element_type3A_273 = arith.extui %lt3A_272 : i1 to i32
      %cond3A_274 = arith.constant 0 : i32
      %cond3A_275 = arith.cmpi ne, %convert_element_type3A_273, %cond3A_274 : i32
      scf.if %cond3A_275 {
        %add3A_276 = arith.constant 2 : i32
        %add3A_277 = arith.addi %mul3A_94, %add3A_276 : i32
        %mul3A_278 = arith.constant 128 : i32
        %mul3A_279 = arith.muli %add3A_277, %mul3A_278 : i32
        %add3A_280 = arith.addi %add3A_78, %mul3A_279 : i32
        %dma_wait3A_281 = tpu.memref_slice %arg4[%add3A_280] : memref<163840xi32, #tpu.memory_space<hbm>> -> memref<128xi32, #tpu.memory_space<hbm>>
        %dma_wait3A_282 = tpu.memref_slice %arg4[%add3A_280] : memref<163840xi32, #tpu.memory_space<hbm>> -> memref<128xi32, #tpu.memory_space<hbm>>
        tpu.wait_dma2 semaphore(%arg17 : memref<!tpu.dma_semaphore, #tpu.memory_space<semaphore_mem>>) src(%dma_wait3A_282 : memref<128xi32, #tpu.memory_space<hbm>>) dst(%arg11 : memref<128xi32, #tpu.memory_space<vmem>>)
      } else {
      }
    }
    %scan3A_84 = arith.constant 20 : i32
    %barrier3A_85 = arith.constant 0 : index
    tpu.barrier barrier_id(%barrier3A_85)
    %scan3A_86 = arith.constant 0 : i32
    %scan3A_87 = arith.constant 0 : i32
    %scan3A_88 = arith.constant 5 : i32
    %scan3A_89 = arith.addi %scan3A_87, %scan3A_88 : i32
    %scan3A_90 = arith.constant 1 : i32
    scf.for %scan3A_92 = %scan3A_87 to %scan3A_89 step %scan3A_90  : i32 {
      %mul3A_93 = arith.constant 640 : i32
      %mul3A_94 = arith.muli %arg1, %mul3A_93 : i32
      %mul3A_95 = arith.constant 128 : i32
      %mul3A_96 = arith.muli %scan3A_92, %mul3A_95 : i32
      %add3A_97 = arith.addi %mul3A_94, %mul3A_96 : i32
      "tpu.region"() ({
        %run_scoped3A = tpu.sem_alloc : memref<!tpu.dma_semaphore, #tpu.memory_space<semaphore_mem>>
        %dma_start3A_101 = arith.constant 0 : i32
        %dma_start3A_102 = tpu.memref_slice %arg9[%add3A_97, %dma_start3A_101] : memref<10240x128xf32, #tpu.memory_space<vmem_shared>> -> memref<128x128xf32, #tpu.memory_space<vmem_shared>>
        %dma_start3A_103 = arith.constant 0 : i32
        %dma_start3A_104 = tpu.memref_slice %arg9[%add3A_97, %dma_start3A_103] : memref<10240x128xf32, #tpu.memory_space<vmem_shared>> -> memref<128x128xf32, #tpu.memory_space<vmem_shared>>
        tpu.enqueue_dma source(%dma_start3A_104 : memref<128x128xf32, #tpu.memory_space<vmem_shared>>) target(%arg15 : memref<128x128xf32, #tpu.memory_space<vmem>>) target_semaphore(%run_scoped3A : memref<!tpu.dma_semaphore, #tpu.memory_space<semaphore_mem>>)
        %dma_wait3A = arith.constant 0 : i32
        %dma_wait3A_105 = tpu.memref_slice %arg9[%add3A_97, %dma_wait3A] : memref<10240x128xf32, #tpu.memory_space<vmem_shared>> -> memref<128x128xf32, #tpu.memory_space<vmem_shared>>
        %dma_wait3A_106 = arith.constant 0 : i32
        %dma_wait3A_107 = tpu.memref_slice %arg9[%add3A_97, %dma_wait3A_106] : memref<10240x128xf32, #tpu.memory_space<vmem_shared>> -> memref<128x128xf32, #tpu.memory_space<vmem_shared>>
        tpu.wait_dma2 semaphore(%run_scoped3A : memref<!tpu.dma_semaphore, #tpu.memory_space<semaphore_mem>>) src(%dma_wait3A_107 : memref<128x128xf32, #tpu.memory_space<vmem_shared>>) dst(%arg15 : memref<128x128xf32, #tpu.memory_space<vmem>>)
        tpu.yield
      }) : () -> ()
      %mul3A_98 = arith.constant 128 : i32
      %mul3A_99 = arith.muli %scan3A_92, %mul3A_98 : i32
      %add3A_100 = arith.addi %add3A_25, %mul3A_99 : i32
      "tpu.region"() ({
        %run_scoped3A = tpu.sem_alloc : memref<!tpu.dma_semaphore, #tpu.memory_space<semaphore_mem>>
        %dma_start3A_101 = arith.constant 0 : i32
        %dma_start3A_102 = tpu.memref_slice %arg8[%add3A_100, %dma_start3A_101] : memref<20480x128xf32, #tpu.memory_space<hbm>> -> memref<128x128xf32, #tpu.memory_space<hbm>>
        %dma_start3A_103 = arith.constant 0 : i32
        %dma_start3A_104 = tpu.memref_slice %arg8[%add3A_100, %dma_start3A_103] : memref<20480x128xf32, #tpu.memory_space<hbm>> -> memref<128x128xf32, #tpu.memory_space<hbm>>
        tpu.enqueue_dma source(%arg15 : memref<128x128xf32, #tpu.memory_space<vmem>>) target(%dma_start3A_104 : memref<128x128xf32, #tpu.memory_space<hbm>>) target_semaphore(%run_scoped3A : memref<!tpu.dma_semaphore, #tpu.memory_space<semaphore_mem>>)
        %dma_wait3A = arith.constant 0 : i32
        %dma_wait3A_105 = tpu.memref_slice %arg8[%add3A_100, %dma_wait3A] : memref<20480x128xf32, #tpu.memory_space<hbm>> -> memref<128x128xf32, #tpu.memory_space<hbm>>
        %dma_wait3A_106 = arith.constant 0 : i32
        %dma_wait3A_107 = tpu.memref_slice %arg8[%add3A_100, %dma_wait3A_106] : memref<20480x128xf32, #tpu.memory_space<hbm>> -> memref<128x128xf32, #tpu.memory_space<hbm>>
        tpu.wait_dma2 semaphore(%run_scoped3A : memref<!tpu.dma_semaphore, #tpu.memory_space<semaphore_mem>>) src(%arg15 : memref<128x128xf32, #tpu.memory_space<vmem>>) dst(%dma_wait3A_107 : memref<128x128xf32, #tpu.memory_space<hbm>>)
        tpu.yield
      }) : () -> ()
    }
    %scan3A_91 = arith.constant 5 : i32
    return
  }
}

module attributes {stable_mosaic.version = 14 : i64} {
  func.func @_dense_body(%arg0: i32, %arg1: memref<1000x128xf32, #tpu.memory_space<vmem>>, %arg2: memref<1000x128xf32, #tpu.memory_space<vmem>>, %arg3: memref<1000x128xf32, #tpu.memory_space<vmem>>, %arg4: memref<1000x128xf32, #tpu.memory_space<vmem>>, %arg5: memref<1000x256xf32, #tpu.memory_space<vmem>>, %arg6: memref<256x256xf32, #tpu.memory_space<vmem>>, %arg7: memref<256x256xf32, #tpu.memory_space<vmem>>, %arg8: memref<8x256xf32, #tpu.memory_space<vmem>>, %arg9: memref<1000x256xf32, #tpu.memory_space<vmem>>) attributes {dimension_semantics = [#tpu.dimension_semantics<arbitrary>], iteration_bounds = array<i64: 10>, scalar_prefetch = 0 : i64, scratch_operands = 0 : i64, tpu.core_type = #tpu.core_type<tc>, window_params = [{transform_indices = @transform_0, window_bounds = array<i64: 1000, 128>}, {transform_indices = @transform_1, window_bounds = array<i64: 1000, 128>}, {transform_indices = @transform_2, window_bounds = array<i64: 1000, 128>}, {transform_indices = @transform_3, window_bounds = array<i64: 1000, 128>}, {transform_indices = @transform_4, window_bounds = array<i64: 1000, 256>}, {pipeline_mode = #tpu.pipeline_mode<synchronous>, transform_indices = @transform_5, window_bounds = array<i64: 256, 256>}, {pipeline_mode = #tpu.pipeline_mode<synchronous>, transform_indices = @transform_6, window_bounds = array<i64: 256, 256>}, {pipeline_mode = #tpu.pipeline_mode<synchronous>, transform_indices = @transform_7, window_bounds = array<i64: 8, 256>}, {transform_indices = @transform_8, window_bounds = array<i64: 1000, 256>}]} {
    %get3A = arith.constant 0 : index
    %get3A_0 = arith.constant 0 : index
    %get3A_1 = vector.load %arg3[%get3A, %get3A_0] : memref<1000x128xf32, #tpu.memory_space<vmem>>, vector<1000x1xf32>
    %get3A_2 = arith.constant 0 : index
    %get3A_3 = arith.constant 0 : index
    %get3A_4 = vector.load %arg4[%get3A_2, %get3A_3] : memref<1000x128xf32, #tpu.memory_space<vmem>>, vector<1000x1xf32>
    %add3A = arith.addf %get3A_1, %get3A_4 : vector<1000x1xf32>
    %max3A = arith.constant 1.000000e+00 : f32
    %max3A_5 = vector.broadcast %max3A : f32 to vector<1000x1xf32>
    %max3A_6 = arith.maximumf %add3A, %max3A_5 : vector<1000x1xf32>
    %get3A_7 = arith.constant 0 : index
    %get3A_8 = arith.constant 0 : index
    %get3A_9 = vector.load %arg1[%get3A_7, %get3A_8] : memref<1000x128xf32, #tpu.memory_space<vmem>>, vector<1000x128xf32>
    %get3A_10 = arith.constant 0 : index
    %get3A_11 = arith.constant 0 : index
    %get3A_12 = vector.load %arg2[%get3A_10, %get3A_11] : memref<1000x128xf32, #tpu.memory_space<vmem>>, vector<1000x128xf32>
    %concatenate3A = tpu.concatenate %get3A_9, %get3A_12 in 1 : vector<1000x128xf32>, vector<1000x128xf32> -> vector<1000x256xf32>
    %div3A = vector.broadcast %max3A_6 : vector<1000x1xf32> to vector<1000x256xf32>
    %div3A_13 = arith.divf %concatenate3A, %div3A : vector<1000x256xf32>
    %get3A_14 = arith.constant 0 : index
    %get3A_15 = arith.constant 0 : index
    %get3A_16 = vector.load %arg6[%get3A_14, %get3A_15] : memref<256x256xf32, #tpu.memory_space<vmem>>, vector<256x256xf32>
    %dot_general3A = arith.constant dense<0.000000e+00> : vector<1000x256xf32>
    %dot_general3A_17 = tpu.matmul %div3A_13, %get3A_16, %dot_general3A {dimension_numbers = #tpu.dot_dimension_numbers<[1], [0], [0], [1], [0, 0, 1, 1], [], []>, transpose_lhs_hint = false} : vector<1000x256xf32>, vector<256x256xf32>, vector<1000x256xf32> -> vector<1000x256xf32>
    %get3A_18 = arith.constant 0 : index
    %get3A_19 = arith.constant 0 : index
    %get3A_20 = vector.load %arg5[%get3A_18, %get3A_19] : memref<1000x256xf32, #tpu.memory_space<vmem>>, vector<1000x256xf32>
    %get3A_21 = arith.constant 0 : index
    %get3A_22 = arith.constant 0 : index
    %get3A_23 = vector.load %arg7[%get3A_21, %get3A_22] : memref<256x256xf32, #tpu.memory_space<vmem>>, vector<256x256xf32>
    %dot_general3A_24 = arith.constant dense<0.000000e+00> : vector<1000x256xf32>
    %dot_general3A_25 = tpu.matmul %get3A_20, %get3A_23, %dot_general3A_24 {dimension_numbers = #tpu.dot_dimension_numbers<[1], [0], [0], [1], [0, 0, 1, 1], [], []>, transpose_lhs_hint = false} : vector<1000x256xf32>, vector<256x256xf32>, vector<1000x256xf32> -> vector<1000x256xf32>
    %add3A_26 = arith.addf %dot_general3A_17, %dot_general3A_25 : vector<1000x256xf32>
    %get3A_27 = arith.constant 0 : index
    %get3A_28 = arith.constant 0 : index
    %get3A_29 = vector.load %arg8[%get3A_27, %get3A_28] : memref<8x256xf32, #tpu.memory_space<vmem>>, vector<1x256xf32>
    %add3A_30 = vector.broadcast %get3A_29 : vector<1x256xf32> to vector<1000x256xf32>
    %add3A_31 = arith.addf %add3A_26, %add3A_30 : vector<1000x256xf32>
    %max3A_32 = arith.constant 0.000000e+00 : f32
    %max3A_33 = vector.broadcast %max3A_32 : f32 to vector<1000x256xf32>
    %max3A_34 = arith.maximumf %add3A_31, %max3A_33 : vector<1000x256xf32>
    %swap3A = arith.constant 0 : index
    %swap3A_35 = arith.constant 0 : index
    %swap3A_36 = vector.load %arg9[%swap3A, %swap3A_35] : memref<1000x256xf32, #tpu.memory_space<vmem>>, vector<1000x256xf32>
    tpu.vector_store %arg9[%swap3A, %swap3A_35], %max3A_34 {strides = array<i32>} : memref<1000x256xf32, #tpu.memory_space<vmem>>, vector<1000x256xf32>,
    return
  }
  func.func @transform_0(%arg0: i32) -> (i32, i32) {
    %c0_i32 = arith.constant 0 : i32
    %c0_i32_0 = arith.constant 0 : i32
    return %arg0, %c0_i32 : i32, i32
  }
  func.func @transform_1(%arg0: i32) -> (i32, i32) {
    %c0_i32 = arith.constant 0 : i32
    %c0_i32_0 = arith.constant 0 : i32
    return %arg0, %c0_i32 : i32, i32
  }
  func.func @transform_2(%arg0: i32) -> (i32, i32) {
    %c0_i32 = arith.constant 0 : i32
    %c0_i32_0 = arith.constant 0 : i32
    return %arg0, %c0_i32 : i32, i32
  }
  func.func @transform_3(%arg0: i32) -> (i32, i32) {
    %c0_i32 = arith.constant 0 : i32
    %c0_i32_0 = arith.constant 0 : i32
    return %arg0, %c0_i32 : i32, i32
  }
  func.func @transform_4(%arg0: i32) -> (i32, i32) {
    %c0_i32 = arith.constant 0 : i32
    %c0_i32_0 = arith.constant 0 : i32
    return %arg0, %c0_i32 : i32, i32
  }
  func.func @transform_5(%arg0: i32) -> (i32, i32) {
    %c0_i32 = arith.constant 0 : i32
    %c0_i32_0 = arith.constant 0 : i32
    %c0_i32_1 = arith.constant 0 : i32
    return %c0_i32, %c0_i32_0 : i32, i32
  }
  func.func @transform_6(%arg0: i32) -> (i32, i32) {
    %c0_i32 = arith.constant 0 : i32
    %c0_i32_0 = arith.constant 0 : i32
    %c0_i32_1 = arith.constant 0 : i32
    return %c0_i32, %c0_i32_0 : i32, i32
  }
  func.func @transform_7(%arg0: i32) -> (i32, i32) {
    %c0_i32 = arith.constant 0 : i32
    %c0_i32_0 = arith.constant 0 : i32
    %c0_i32_1 = arith.constant 0 : i32
    return %c0_i32, %c0_i32_0 : i32, i32
  }
  func.func @transform_8(%arg0: i32) -> (i32, i32) {
    %c0_i32 = arith.constant 0 : i32
    %c0_i32_0 = arith.constant 0 : i32
    return %arg0, %c0_i32 : i32, i32
  }
}

</mosaic_0001>

<sc_bundles>
// kernel: kernel.4.cloned.1.call-start
scs
__scs_entry_jumppad:
0x0: {  	(pc) =	sbr.rel $0x88, $3  }
0x1: {  	(tag) =	ssettag $0x0;
	lr =	simm.s32 $0x1  }
0x2: {  	[smem:$0x3F9C] =	sst lr;
	_ =	strace $0xD0000000  }
0x3: {  	_ = 	snop  }
0x4: {  	_ = 	snop  }
0x5: {  	_ = 	snop  }
0x6: {  	_ = 	snop  }
0x7: {  	_ = 	snop  }
__scs_overlays_trampoline_lowered:
0x8: {  	[smem:$0x3FAB] =	sst s0  }
0x9: {  	[smem:$0x3FAC] =	sst s1  }
0xa: {  	[smem:$0x3FAD] =	sst s2  }
0xb: {  	[smem:$0x3FAE] =	sst s3  }
0xc: {  	[smem:$0x3FAF] =	sst s4  }
0xd: {  	[smem:$0x3FB0] =	sst s5  }
0xe: {  	[smem:$0x3FB1] =	sst s6  }
0xf: {  	[smem:$0x3FB2] =	sst s7  }
0x10: {  	[smem:$0x3FB3] =	sst s8  }
0x11: {  	[smem:$0x3FB4] =	sst s9;
	s0 =	simm.s32 @!p0 $0x0  }
0x12: {  	s1 =	sld [smem:$0x3F9A];
	s0 =	simm.s32 @p0 $0x1  }
0x13: {  	[smem:$0x3FB5] =	sst s0;
	s0 =	simm.s32 @!p1 $0x0  }
0x14: {  	s2 =	sld [smem:$0x3F99];
	s0 =	simm.s32 @p1 $0x1  }
0x15: {  	[smem:$0x3FB6] =	sst s0;
	s0 =	simm.s32 @!p2 $0x0  }
0x16: {  	s3 =	sld [smem:$0x3FDB];
	s0 =	simm.s32 @p2 $0x1  }
0x17: {  	s4 =	simm.s32 $0x1BF5;
	[smem:$0x3FB8] =	sst s0  }
0x18: {  	s0 =	sld [smem:$0x3F9B];
	_ =	swait.ge [sflag:s4], $0x0  }
0x19: {  	s7 =	sld [smem:$0x3F9C]  }
0x1a: {  	s8 =	sadd.s32 $0xFFFFE003, lr  }
0x1b: {  	s9 =	sadd.s32 $0xFFFFFEF7, lr;
	s5 =	simm.s32 $0xFFFFFFFF;
	p2 =	slt.u32 s8, $0xFFFFF086  }
0x1c: {  	p1 =	slt.u32 s9, $0xF7A;
	s5 =	simm.s32 @!p2 $0x0  }
0x1d: {  	s5 =	simm.s32 @p1 $0x1;
	p0 =	seq.s32 s7, s2  }
0x1e: {  	s7 =	smul.u32 @!p0 $0xF7A, s2;
	p2 =	seq.s32 @!p0 s5, $0x0  }
0x1f: {  	s9 =	smul.u32 $0xF7A, s1;
	s8 =	simm.s32 @!p0 $0x1BF5;
	p2 =	por !p2, p0  }
0x20: {  	[sflag:s8] =	ssyncset.s32 @!p0 $0xFFFFF086;
	s6 =	sadd.s32 @!p0 s3, s7;
	s7 =	simm.s32 @!p0 $0x108  }
0x21: {  	s3 =	sadd.s32 s3, s9;
	s6 =	sadd.s32 @!p0 $0x88, s6;
	s7 =	simm.s32 @p2 $0x1082  }
0x22: {  	[simem:s7], [sflag:s8] =	dma.local @!p0 [hbm:s6], $0xF7A  }
0x23: {  	s9 =	sor.u32 $0xD0000000, s2;
	s6 =	simm.s32 $0x108;
	_ =	swait.ge @!p0 [sflag:s8], $0x0  }
0x24: {  	s3 =	sadd.s32 $0x88, s3;
	s6 =	simm.s32 @!p1 $0x1082;
	[sflag:s4] =	ssyncset.s32 $0xFFFFF086  }
0x25: {  	[simem:s6], [sflag:s4] =	dma.local [hbm:s3], $0xF7A  }
0x26: {  	[smem:$0x3F9C] =	sst s1;
	(tag) =	ssettag s2;
	_ =	strace s9  }
0x27: {  	s1 =	sld [smem:$0x3FAC]  }
0x28: {  	s2 =	sld [smem:$0x3FAD]  }
0x29: {  	s4 =	sld [smem:$0x3FAF]  }
0x2a: {  	p0 =	seq.s32 s5, $0x0;
	s5 =	sld [smem:$0x3FB0]  }
0x2b: {  	s6 =	sld [smem:$0x3FB1]  }
0x2c: {  	s7 =	sld [smem:$0x3FB2]  }
0x2d: {  	s3 =	simm.s32 $0x108;
	s8 =	sld [smem:$0x3FB3]  }
0x2e: {  	s3 =	simm.s32 @!p0 $0x1082;
	s9 =	sld [smem:$0x3FB4]  }
0x2f: {  	lr =	sadd.s32 s0, s3;
	s0 =	sld [smem:$0x3FAB]  }
0x30: {  	s3 =	sld [smem:$0x3FAE]  }
0x31: {  	[smem:$0x3FB7] =	sst s10  }
0x32: {  	s10 =	sld [smem:$0x3FB5];
	_ =	sdelay $0x3  }
0x33: {  	p0 =	seq.s32 s10, $0x1;
	s10 =	sld [smem:$0x3FB7];
	_ =	sdelay $0x3  }
0x34: {  	[smem:$0x3FB7] =	sst s10  }
0x35: {  	s10 =	sld [smem:$0x3FB6];
	_ =	sdelay $0x3  }
0x36: {  	p1 =	seq.s32 s10, $0x1;
	s10 =	sld [smem:$0x3FB7];
	_ =	sdelay $0x3  }
0x37: {  	[smem:$0x3FB7] =	sst s10  }
0x38: {  	s10 =	sld [smem:$0x3FB8]  }
0x39: {  	_ = 	snop;
	(pc) =	sbr.ind lr, $3  }
0x3a: {  	_ = 	snop  }
0x3b: {  	_ = 	snop  }
0x3c: {  	p2 =	seq.s32 s10, $0x1;
	s10 =	sld [smem:$0x3FB7]  }
0x3d: {  	_ =	shalt  }
0x3e: {  	_ =	shalt  }
0x3f: {  	_ =	shalt  }
0x40: {  	_ =	shalt  }
0x41: {  	_ =	shalt  }
0x42: {  	_ =	shalt  }
0x43: {  	_ =	shalt  }
0x44: {  	_ =	shalt  }
0x45: {  	_ =	shalt  }
0x46: {  	_ =	shalt  }
0x47: {  	_ =	shalt  }
0x48: {  	_ =	shalt  }
0x49: {  	_ =	shalt  }
0x4a: {  	_ =	shalt  }
0x4b: {  	_ =	shalt  }
0x4c: {  	_ =	shalt  }
0x4d: {  	_ =	shalt  }
0x4e: {  	_ =	shalt  }
0x4f: {  	_ =	shalt  }
0x50: {  	_ =	shalt  }
0x51: {  	_ =	shalt  }
0x52: {  	_ =	shalt  }
0x53: {  	_ =	shalt  }
0x54: {  	_ =	shalt  }
0x55: {  	_ =	shalt  }
0x56: {  	_ =	shalt  }
0x57: {  	_ =	shalt  }
0x58: {  	_ =	shalt  }
0x59: {  	_ =	shalt  }
0x5a: {  	_ =	shalt  }
0x5b: {  	_ =	shalt  }
0x5c: {  	_ =	shalt  }
0x5d: {  	_ =	shalt  }
0x5e: {  	_ =	shalt  }
0x5f: {  	_ =	shalt  }
0x60: {  	_ =	shalt  }
0x61: {  	_ =	shalt  }
0x62: {  	_ =	shalt  }
0x63: {  	_ =	shalt  }
0x64: {  	_ =	shalt  }
0x65: {  	_ =	shalt  }
0x66: {  	_ =	shalt  }
0x67: {  	_ =	shalt  }
0x68: {  	_ =	shalt  }
0x69: {  	_ =	shalt  }
0x6a: {  	_ =	shalt  }
0x6b: {  	_ =	shalt  }
0x6c: {  	_ =	shalt  }
0x6d: {  	_ =	shalt  }
0x6e: {  	_ =	shalt  }
0x6f: {  	_ =	shalt  }
0x70: {  	_ =	shalt  }
0x71: {  	_ =	shalt  }
0x72: {  	_ =	shalt  }
0x73: {  	_ =	shalt  }
0x74: {  	_ =	shalt  }
0x75: {  	_ =	shalt  }
0x76: {  	_ =	shalt  }
0x77: {  	_ =	shalt  }
0x78: {  	_ =	shalt  }
0x79: {  	_ =	shalt  }
0x7a: {  	_ =	shalt  }
0x7b: {  	_ =	shalt  }
0x7c: {  	_ =	shalt  }
0x7d: {  	_ =	shalt  }
0x7e: {  	_ =	shalt  }
0x7f: {  	_ =	shalt  }
0x80: {  	_ =	shalt  }
0x81: {  	_ =	shalt  }
0x82: {  	_ =	shalt  }
0x83: {  	_ =	shalt  }
0x84: {  	_ =	shalt  }
0x85: {  	_ =	shalt  }
0x86: {  	_ =	shalt  }
0x87: {  	_ =	shalt  }
.Lfunc_end0:
.L_simem_size_0:
called_computation_lowered:
.L_overlay_start_0:
0x88: {  	s2 =	sld [smem:$0x3FD9]  }
0x89: {  	s3 =	sld [smem:$0x3FFE];
	_ =	sdelay $0x1  }
0x8a: {  	s1 =	srdreg.scid  }
0x8b: {  	s0 =	sand.u32 $0x1, s1  }
0x8c: {  	s17 =	sshll.u32 s0, $0xA;
	s2 =	sadd.s32 s3, s2  }
0x8d: {  	s2 =	sadd.s32 s2, s17  }
0x8e: {  	[smem:$0x3FC3] =	sst s2  }
0x8f: {  	_ = 	snop  }
0x90: {  	s2 =	sld [smem:$0x3FD0];
	(tm) =	ssettm $0x1  }
0x91: {  	s18 =	sld [smem:$0x3FFB];
	_ =	sdelay $0x3  }
0x92: {  	_ =	strace s18  }
0x93: {  	s3 =	sld [smem:$0x3FFC];
	_ =	sdelay $0x3  }
0x94: {  	_ =	strace s3  }
0x95: {  	s3 =	sld [smem:$0x3FFD];
	_ =	sdelay $0x3  }
0x96: {  	_ =	strace s3  }
0x97: {  	_ =	strace $0x8FFFFFFF  }
0x98: {  	s19 =	sld [smem:$0x3FDB];
	_ =	sdelay $0x1  }
0x99: {  	s4 =	simm.s32 $_scs_section_size  }
0x9a: {  	s5 =	simm.s32 $_size__tile_overlayer_lowered;
	s6 =	simm.s32 $_tile_overlayer_lowered  }
0x9b: {  	s22 =	simm.s32 $0x1BFF;
	s21 =	sshll.u32 s6, $0x1;
	s3 =	sadd.s32 s4, s19  }
0x9c: {  	s7 =	simm.s32 $0x0;
	s20 =	sshll.u32 s5, $0x1;
	s5 =	sadd.s32 s21, s3  }
0x9d: {  	[timem:s7], [sflag:s22] =	dma.local [hbm:s5], s20  }
0x9e: {  	_ =	swait.ge [sflag:s22], s20  }
0x9f: {  	s4 =	ssub.s32 $0x0, s20;
	[sflag:s22] =	ssyncset.done $0x0  }
0xa0: {  	[sflag:s22] =	ssyncadd.s32 s4;
	_ =	sdelay $0x1  }
0xa1: {  	s23 =	simm.s32 $0x1B8B  }
0xa2: {  	_ =	swait.ge [sflag:s23], $0x1  }
0xa3: {  	[sflag:s23] =	ssyncset.done $0x0  }
0xa4: {  	s25 =	simm.s32 $0x1B8E;
	s24 =	sld [smem:$0x3FFE];
	[sflag:s23] =	ssyncadd.s32 $0xFFFFFFFF  }
0xa5: {  	s26 =	simm.s32 $execute0_lowered;
	[smem:$0x3FD2] =	sst s25  }
0xa6: {  	s5 =	sshll.u32 s26, $0x1;
	_ =	strace $0x80000046;
	[dreg:$0x1] =	wrdreg $0xFFFFFFFF  }
0xa7: {  	s28 =	simm.s32 $_size_execute0_lowered;
	s3 =	sadd.s32 s3, s5;
	[dreg:$0x0] =	wrdreg $0x0  }
0xa8: {  	s5 =	sshll.u32 s28, $0x1;
	[dreg:$0x2] =	wrdreg s3  }
0xa9: {  	[dreg:$0x3] =	wrdreg s5  }
0xaa: {  	[dreg:$0x4] =	wrdreg $0xC0  }
0xab: {  	_ =	task [dreg:s7], $0x5FFFF  }
0xac: {  	[dreg:$0x1] =	wrdreg $0xFFFFFFFF  }
0xad: {  	[dreg:$0x0] =	wrdreg $0x60  }
0xae: {  	[dreg:$0x2] =	wrdreg s2  }
0xaf: {  	[dreg:$0x3] =	wrdreg s24  }
0xb0: {  	[dreg:$0x4] =	wrdreg $0x0  }
0xb1: {  	[dreg:$0x5] =	wrdreg $0x9  }
0xb2: {  	_ =	task.clear_ibuf [dreg:s7], $0x6FFFF;
	_ =	strace $0x90000046  }
0xb3: {  	s29 =	simm.s32 $0x9;
	_ =	strace $0x80000048  }
0xb4: {  	_ =	swait.ge [sflag:s29], $0x1  }
0xb5: {  	[sflag:s29] =	ssyncadd.s32 $0xFFFFFFFF  }
0xb6: {  	_ =	strace $0x90000048  }
0xb7: {  	_ =	sfence  }
0xb8: {  	s30 =	sld [smem:$0x0];
	_ =	sdelay $0x2  }
0xb9: {  	s31 =	sshll.u32 s1, $0xD;
	s1 =	sshrl.u32 s1, $0x2  }
0xba: {  	s3 =	sand.u32 $0x4000, s31;
	s1 =	sadd.s32 s1, s30  }
0xbb: {  	s0 =	sor.u32 s3, s0;
	s1 =	sshll.u32 s1, $0x11  }
0xbc: {  	s0 =	sor.u32 s1, s0  }
0xbd: {  	s0 =	sadd.s32 $0x8F2B, s0  }
0xbe: {  	[sflag:s0] =	ssyncadd.remote.s32 $0x1  }
0xbf: {  	_ =	sfence.sel $0xFFFF  }
0xc0: {  	[dreg:$0x0] =	wrdreg $0xFFFFFFFF;
	(pc) =	sbr.abs _section_cstart, $3  }
0xc1: {  	[dreg:$0x1] =	wrdreg $0xFFFFFFFF  }
0xc2: {  	_ =	task.clear_ibuf [dreg:s7], $0x2FFFF;
	_ =	strace $0x9FFFFFFF  }
0xc3: {  	(tm) =	ssettm $0x7FFFFFFF  }
tec
execute0_lowered:
.L_overlay_start_1:
0x0: {  	(tag) =	ssettag $0x1  }
0x1: {  	s1 =	rddreg [dreg:$0x0]  }
0x2: {  	s0 =	srdreg.scid;
	s2 =	rddreg [dreg:$0x1]  }
0x3: {  	s13 =	stileid.u32;
	s3 =	rddreg [dreg:$0x2];
	s21 =	simm.s32 $0x0  }
0x4: {  	s28 =	simm.s32 $0x15700;
	s29 =	simm.s32 $0x2;
	s5 =	smul.u32 $0x2800, s13  }
0x5: {  	s0 =	sand.u32 $0x1, s0;
	[smem:$0x7FF] =	sst s21;
	s14 =	smul.u32 $0x280, s13  }
0x6: {  	s6 =	sadd.s32 $0xE00, s2;
	s8 =	sadd.s32 $0x10600, s2;
	s11 =	smul.u32 $0x50000, s13  }
0x7: {  	s12 =	sadd.s32 $0xFE00, s2;
	s9 =	sadd.s32 $0x60E00, s2;
	s4 =	smul.u32 $0x28000, s0  }
0x8: {  	_ =	strace $0x80000047;
	s7 =	smul.u32 $0x2800, s0;
	[dreg:$0x4] =	wrdreg s8  }
0x9: {  	[dreg:$0x5] =	wrdreg s12;
	s10 =	ssub.s32 $0x2, s0;
	s0 =	smul.u32 $0x1400, s0  }
0xa: {  	s8 =	simm.s32 $0x17100;
	s12 =	sshrl.u32 s10, $0x1;
	s15 =	sshrl.u32 s11, $0x2  }
0xb: {  	s16 =	sshrl.u32 s5, $0x3;
	s11 =	simm.s32 $0x19100;
	s4 =	sadd.s32 s5, s4  }
0xc: {  	s10 =	ssub.s32 s10, s12;
	s7 =	sadd.s32 s14, s7;
	s14 =	sadd.s32 s6, s16  }
0xd: {  	s20 =	sadd.s32 s15, s3;
	s0 =	sadd.s32 s0, s5;
	[dreg:$0x7] =	wrdreg s14  }
0xe: {  	s4 =	sshrl.u32 s4, $0x3;
	s12 =	sadd.s32 $0x4000, s20;
	[dreg:$0x6] =	wrdreg s20  }
0xf: {  	s5 =	sshrl.u32 s0, $0x3;
	s30 =	sadd.s32 $0x8000, s20;
	[dreg:$0x1b] =	wrdreg s12  }
0x10: {  	s7 =	sshll.u32 s7, $0x4;
	s31 =	sadd.s32 $0x10000, s20;
	[dreg:$0x1c] =	wrdreg s30  }
0x11: {  	s4 =	sadd.s32 s4, s2;
	s5 =	sadd.s32 s6, s5;
	[dreg:$0x1e] =	wrdreg s31  }
0x12: {  	s17 =	sadd.s32 s9, s7;
	s18 =	sadd.s32 $0x800, s7;
	[dreg:$0x8] =	wrdreg s5  }
0x13: {  	s22 =	sadd.s32 $0x1000, s7;
	[dreg:$0x9] =	wrdreg s17;
	s19 =	sadd.s32 s9, s18  }
0x14: {  	s23 =	sadd.s32 $0x1800, s7;
	s24 =	sadd.s32 s9, s22;
	[dreg:$0xa] =	wrdreg s19  }
0x15: {  	s26 =	sadd.s32 $0x2000, s7;
	s25 =	sadd.s32 s9, s23;
	[dreg:$0xb] =	wrdreg s24  }
0x16: {  	s2 =	sadd.s32 $0x10E00, s2;
	s9 =	sadd.s32 s9, s26;
	[dreg:$0xc] =	wrdreg s25  }
0x17: {  	s7 =	sadd.s32 s2, s7;
	s5 =	sadd.s32 s2, s18;
	[dreg:$0xd] =	wrdreg s9  }
0x18: {  	s15 =	sadd.s32 s2, s22;
	s16 =	sadd.s32 s2, s23;
	[dreg:$0xe] =	wrdreg s7  }
0x19: {  	s17 =	smul.u32 $0x500, s13;
	s2 =	sadd.s32 s2, s26;
	[dreg:$0xf] =	wrdreg s5  }
0x1a: {  	s18 =	sor.u32 $0x100, s0;
	s0 =	sor.u32 $0x80, s0;
	[dreg:$0x10] =	wrdreg s15  }
0x1b: {  	s22 =	sadd.s32 $0x6080, s4;
	s23 =	smax.u32 s10, $0x1;
	[dreg:$0x11] =	wrdreg s16  }
0x1c: {  	s26 =	sadd.s32 $0x280, s14;
	s13 =	simm.s32 $0x19900;
	[dreg:$0x12] =	wrdreg s2  }
0x1d: {  	s14 =	simm.s32 $0x1;
	s10 =	simm.s32 $0x15780;
	[dreg:$0x16] =	wrdreg s22  }
0x1e: {  	s2 =	sshrl.u32 s18, $0x3;
	s0 =	sshrl.u32 s0, $0x3;
	[dreg:$0x17] =	wrdreg s23  }
0x1f: {  	s19 =	sadd.s32 $0x5E00, s4;
	[dreg:$0x1a] =	wrdreg s26;
	s15 =	simm.s32 $0x10  }
0x20: {  	s16 =	simm.s32 $0x15500;
	s18 =	simm.s32 $0x16100;
	s22 =	simm.s32 $0x16900  }
0x21: {  	s23 =	simm.s32 $0x15680;
	s9 =	simm.s32 $0x15800;
	s7 =	simm.s32 $0x18900  }
0x22: {  	s26 =	simm.s32 $0x15880;
	s4 =	simm.s32 $0x0;
	s5 =	sadd.s32 s17, s6  }
0x23: {  	s2 =	sadd.s32 s2, s6;
	s0 =	sadd.s32 s0, s6;
	[dreg:$0x15] =	wrdreg s19  }
.Ltmp0:
0x24: {  	s6 =	simm.s32 $0x3;
	[dreg:$0x13] =	wrdreg s2;
	(pc) =	sbr.rel .LBB2_1-.Ltmp0, $4  }
0x25: {  	s17 =	simm.s32 $0x15580;
	[dreg:$0x14] =	wrdreg s0;
	s24 =	sadd.s32 $0x20, s5  }
0x26: {  	s19 =	simm.s32 $0x15600;
	s25 =	sadd.s32 $0x2A0, s5;
	[dreg:$0x18] =	wrdreg s24  }
0x27: {  	s2 =	sadd.s32 $0xC000, s20;
	s5 =	simm.s32 $0x17900;
	[dreg:$0x19] =	wrdreg s25  }
0x28: {  	s25 =	simm.s32 $0x15900;
	s24 =	simm.s32 $0x18100;
	[dreg:$0x1d] =	wrdreg s2  }
.LBB2_8:
0x29: {  	[bflag:$0x0] =	sbarrier.arrive $0xFFFF  }
0x2a: {  	s20 =	rddreg [dreg:$0x6]  }
0x2b: {  	[tilespmem:s13], [sflag:$0x3] =	stream.linear.gather [spmem:s20], $0x4000, $0x38;
	[tilespmem:$0x1D900] =	vst v63  }
0x2c: {  	_ =	swait.ge [sflag:s6], $0x4000  }
0x2d: {  	[sflag:s6] =	ssyncset.done $0x0  }
0x2e: {  	s2 =	rddreg [dreg:$0xe];
	[sflag:s6] =	ssyncadd.s32 $0xFFFFC000  }
0x2f: {  	[hbm4b:s2+s21] =	stream.linear.scatter [tilespmem:s13], [sflag:$0x3], $0x4000, $0x38;
	[tilespmem:$0x1D900] =	vst v63  }
0x30: {  	_ =	swait.ge [sflag:s6], $0x4000  }
0x31: {  	[sflag:s6] =	ssyncset.done $0x0  }
0x32: {  	s12 =	rddreg [dreg:$0x1b];
	[sflag:s6] =	ssyncadd.s32 $0xFFFFC000  }
0x33: {  	[tilespmem:s13], [sflag:$0x3] =	stream.linear.gather [spmem:s12], $0x4000, $0x38;
	[tilespmem:$0x1D900] =	vst v63  }
0x34: {  	_ =	swait.ge [sflag:s6], $0x4000  }
0x35: {  	[sflag:s6] =	ssyncset.done $0x0  }
0x36: {  	s4 =	rddreg [dreg:$0xf];
	[sflag:s6] =	ssyncadd.s32 $0xFFFFC000  }
0x37: {  	[hbm4b:s4+s21] =	stream.linear.scatter [tilespmem:s13], [sflag:$0x3], $0x4000, $0x38;
	[tilespmem:$0x1D900] =	vst v63  }
0x38: {  	_ =	swait.ge [sflag:s6], $0x4000  }
0x39: {  	[sflag:s6] =	ssyncset.done $0x0  }
0x3a: {  	s30 =	rddreg [dreg:$0x1c];
	[sflag:s6] =	ssyncadd.s32 $0xFFFFC000  }
0x3b: {  	[tilespmem:s13], [sflag:$0x3] =	stream.linear.gather [spmem:s30], $0x4000, $0x38;
	[tilespmem:$0x1D900] =	vst v63  }
0x3c: {  	_ =	swait.ge [sflag:s6], $0x4000  }
0x3d: {  	[sflag:s6] =	ssyncset.done $0x0  }
0x3e: {  	s0 =	rddreg [dreg:$0x10];
	[sflag:s6] =	ssyncadd.s32 $0xFFFFC000  }
0x3f: {  	[hbm4b:s0+s21] =	stream.linear.scatter [tilespmem:s13], [sflag:$0x3], $0x4000, $0x38;
	[tilespmem:$0x1D900] =	vst v63  }
0x40: {  	_ =	swait.ge [sflag:s6], $0x4000  }
0x41: {  	[sflag:s6] =	ssyncset.done $0x0  }
0x42: {  	s31 =	rddreg [dreg:$0x1d];
	[sflag:s6] =	ssyncadd.s32 $0xFFFFC000  }
0x43: {  	[tilespmem:s13], [sflag:$0x3] =	stream.linear.gather [spmem:s31], $0x4000, $0x38;
	[tilespmem:$0x1D900] =	vst v63  }
0x44: {  	_ =	swait.ge [sflag:s6], $0x4000  }
0x45: {  	[sflag:s6] =	ssyncset.done $0x0  }
0x46: {  	s4 =	rddreg [dreg:$0x11];
	[sflag:s6] =	ssyncadd.s32 $0xFFFFC000  }
0x47: {  	[hbm4b:s4+s21] =	stream.linear.scatter [tilespmem:s13], [sflag:$0x3], $0x4000, $0x38;
	[tilespmem:$0x1D900] =	vst v63  }
0x48: {  	_ =	swait.ge [sflag:s6], $0x4000  }
0x49: {  	[sflag:s6] =	ssyncset.done $0x0  }
0x4a: {  	s0 =	rddreg [dreg:$0x1e];
	[sflag:s6] =	ssyncadd.s32 $0xFFFFC000  }
0x4b: {  	[tilespmem:s13], [sflag:$0x3] =	stream.linear.gather [spmem:s0], $0x4000, $0x38;
	[tilespmem:$0x1D900] =	vst v63  }
0x4c: {  	_ =	swait.ge [sflag:s6], $0x4000  }
0x4d: {  	[sflag:s6] =	ssyncset.done $0x0  }
0x4e: {  	s4 =	rddreg [dreg:$0x12];
	[sflag:s6] =	ssyncadd.s32 $0xFFFFC000  }
0x4f: {  	[hbm4b:s4+s21] =	stream.linear.scatter [tilespmem:s13], [sflag:$0x3], $0x4000, $0x38;
	[tilespmem:$0x1D900] =	vst v63  }
0x50: {  	_ =	swait.ge [sflag:s6], $0x4000  }
0x51: {  	s4 =	rddreg [dreg:$0x1f]  }
0x52: {  	s0 =	rddreg [dreg:$0x17];
	s4 =	sadd.s32 $0x1, s4  }
0x53: {  	p0 =	sne.s32 s4, s0  }
.Ltmp1:
0x54: {  	_ = 	snop;
	(pc) =	sbr.rel @!p0 .LBB2_9-.Ltmp1, $3  }
0x55: {  	_ =	sdelay $0x1  }
0x56: {  	[sflag:s6] =	ssyncset.done $0x0  }
0x57: {  	s2 =	smov.u32 s31;
	s31 =	rddreg [dreg:$0x1e];
	[sflag:s6] =	ssyncadd.s32 $0xFFFFC000  }
.LBB2_1:
0x58: {  	[dreg:$0x1f] =	wrdreg s4  }
0x59: {  	s0 =	rddreg [dreg:$0x4]  }
0x5a: {  	[tilespmem:s25], [sflag:$0x3] =	stream.linear.gather [hbm4b:s0+s21], $0x4000, $0x38;
	[tilespmem:$0x1D900] =	vst v63  }
0x5b: {  	_ =	swait.ge [sflag:s6], $0x4000  }
0x5c: {  	[sflag:s6] =	ssyncset.done $0x0  }
0x5d: {  	[sflag:s6] =	ssyncadd.s32 $0xFFFFC000  }
0x5e: {  	[spmem:s20] =	stream.linear.scatter [tilespmem:s25], [sflag:$0x3], $0x4000, $0x38;
	[tilespmem:$0x1D900] =	vst v63  }
0x5f: {  	_ =	swait.ge [sflag:s6], $0x4000  }
0x60: {  	[sflag:s6] =	ssyncset.done $0x0  }
0x61: {  	[sflag:s6] =	ssyncadd.s32 $0xFFFFC000  }
0x62: {  	[spmem:s12] =	stream.linear.scatter [tilespmem:s25], [sflag:$0x3], $0x4000, $0x38;
	[tilespmem:$0x1D900] =	vst v63  }
0x63: {  	_ =	swait.ge [sflag:s6], $0x4000  }
0x64: {  	[sflag:s6] =	ssyncset.done $0x0  }
0x65: {  	[sflag:s6] =	ssyncadd.s32 $0xFFFFC000  }
0x66: {  	[spmem:s30] =	stream.linear.scatter [tilespmem:s25], [sflag:$0x3], $0x4000, $0x38;
	[tilespmem:$0x1D900] =	vst v63  }
0x67: {  	_ =	swait.ge [sflag:s6], $0x4000  }
0x68: {  	[sflag:s6] =	ssyncset.done $0x0  }
0x69: {  	[sflag:s6] =	ssyncadd.s32 $0xFFFFC000  }
0x6a: {  	[spmem:s2] =	stream.linear.scatter [tilespmem:s25], [sflag:$0x3], $0x4000, $0x38;
	[tilespmem:$0x1D900] =	vst v63  }
0x6b: {  	_ =	swait.ge [sflag:s6], $0x4000  }
0x6c: {  	[sflag:s6] =	ssyncset.done $0x0  }
0x6d: {  	[sflag:s6] =	ssyncadd.s32 $0xFFFFC000  }
0x6e: {  	[spmem:s31] =	stream.linear.scatter [tilespmem:s25], [sflag:$0x3], $0x4000, $0x38;
	[tilespmem:$0x1D900] =	vst v63  }
0x6f: {  	_ =	swait.ge [sflag:s6], $0x4000  }
0x70: {  	[sflag:s6] =	ssyncset.done $0x0  }
0x71: {  	[sflag:s6] =	ssyncadd.s32 $0xFFFFC000  }
0x72: {  	[bflag:$0x0] =	sbarrier.arrive $0xFFFF  }
0x73: {  	s12 =	simm.s32 $0x14000;
	s31 =	rddreg [dreg:$0x15]  }
0x74: {  	[tilespmem:s12], [sflag:$0x3] =	stream.linear.gather [hbm4b:s31+s21], $0x1400, $0x38;
	[tilespmem:$0x1D900] =	vst v63  }
0x75: {  	_ =	swait.ge [sflag:s6], $0x1400  }
0x76: {  	[sflag:s6] =	ssyncset.done $0x0  }
0x77: {  	s4 =	simm.s32 $0x15400;
	s0 =	rddreg [dreg:$0x7];
	[sflag:s6] =	ssyncadd.s32 $0xFFFFEC00  }
0x78: {  	[tilespmem:s4], [sflag:$0x3] =	stream.linear.gather [hbm4b:s0+s21], $0x80, $0x38;
	[tilespmem:$0x1D900] =	vst v63  }
0x79: {  	_ =	swait.ge [sflag:s6], $0x80  }
0x7a: {  	[sflag:s6] =	ssyncset.done $0x0  }
0x7b: {  	s31 =	simm.s32 $0x80;
	s2 =	rddreg [dreg:$0x18];
	[sflag:s6] =	ssyncadd.s32 $0xFFFFFF80  }
0x7c: {  	[tilespmem:s25], [sflag:$0x1] =	stream.indirect.gather [hbm4b:s1+s31], $0x80, s12, s31, $0xb8;
	[tilespmem:$0x1D900] =	vst v63  }
0x7d: {  	s20 =	simm.s32 $0x15480;
	s0 =	sadd.s32 $0xFFFFFFF0, s2  }
0x7e: {  	[tilespmem:s20], [sflag:$0x3] =	stream.linear.gather [hbm4b:s0+s21], $0x80, $0x38;
	[tilespmem:$0x1D900] =	vst v63  }
0x7f: {  	_ =	swait.ge [sflag:s6], $0x80  }
0x80: {  	[sflag:s6] =	ssyncset.done $0x0  }
0x81: {  	s4 =	simm.s32 $0x14080;
	[sflag:s6] =	ssyncadd.s32 $0xFFFFFF80  }
0x82: {  	[tilespmem:s13], [sflag:$0x2] =	stream.indirect.gather [hbm4b:s1+s31], $0x80, s4, s31, $0xb8;
	[tilespmem:$0x1D900] =	vst v63  }
0x83: {  	_ =	swait.ge [sflag:s14], $0x4000  }
0x84: {  	[sflag:s14] =	ssyncset.done $0x0  }
0x85: {  	[sflag:s14] =	ssyncadd.s32 $0xFFFFC000  }
0x86: {  	v0 =	vld [tilespmem:$0x15470]  }
0x87: {  	v1 =	vld [tilespmem:$0x15450]  }
0x88: {  	v2 =	vld [tilespmem:$0x15460]  }
0x89: {  	v3 =	vld [tilespmem:$0x15430]  }
0x8a: {  	v4 =	vld [tilespmem:$0x15440]  }
0x8b: {  	v5 =	vld [tilespmem:$0x15400];
	[tilespmem:$0x15880] =	vst v0  }
0x8c: {  	v54 =	vld [tilespmem:$0x15420];
	[tilespmem:$0x15780] =	vst v1  }
0x8d: {  	v55 =	vld [tilespmem:$0x15410];
	[tilespmem:$0x15800] =	vst v2  }
0x8e: {  	[tilespmem:$0x15680] =	vst v3  }
0x8f: {  	[tilespmem:$0x15700] =	vst v4  }
0x90: {  	[tilespmem:$0x15500] =	vst v5  }
0x91: {  	[tilespmem:$0x15600] =	vst v54  }
0x92: {  	[tilespmem:$0x15580] =	vst v55  }
0x93: {  	[spmem:s3] =	stream.indirect.scatter.add.f32 [tilespmem:s25], [sflag:$0x3], $0x80, s16, s15, $0xb8;
	[tilespmem:$0x1D900] =	vst v63  }
0x94: {  	_ =	swait.ge [sflag:s6], $0x800  }
0x95: {  	[sflag:s6] =	ssyncset.done $0x0  }
0x96: {  	[sflag:s6] =	ssyncadd.s32 $0xFFFFF800  }
0x97: {  	[spmem:s3] =	stream.indirect.scatter.add.f32 [tilespmem:s18], [sflag:$0x3], $0x80, s17, s15, $0xb8;
	[tilespmem:$0x1D900] =	vst v63  }
0x98: {  	_ =	swait.ge [sflag:s6], $0x800  }
0x99: {  	[sflag:s6] =	ssyncset.done $0x0  }
0x9a: {  	[sflag:s6] =	ssyncadd.s32 $0xFFFFF800  }
0x9b: {  	[spmem:s3] =	stream.indirect.scatter.add.f32 [tilespmem:s22], [sflag:$0x3], $0x80, s19, s15, $0xb8;
	[tilespmem:$0x1D900] =	vst v63  }
0x9c: {  	_ =	swait.ge [sflag:s6], $0x800  }
0x9d: {  	[sflag:s6] =	ssyncset.done $0x0  }
0x9e: {  	[sflag:s6] =	ssyncadd.s32 $0xFFFFF800  }
0x9f: {  	[spmem:s3] =	stream.indirect.scatter.add.f32 [tilespmem:s8], [sflag:$0x3], $0x80, s23, s15, $0xb8;
	[tilespmem:$0x1D900] =	vst v63  }
0xa0: {  	_ =	swait.ge [sflag:s6], $0x800  }
0xa1: {  	[sflag:s6] =	ssyncset.done $0x0  }
0xa2: {  	[sflag:s6] =	ssyncadd.s32 $0xFFFFF800  }
0xa3: {  	[spmem:s3] =	stream.indirect.scatter.add.f32 [tilespmem:s5], [sflag:$0x3], $0x80, s28, s15, $0xb8;
	[tilespmem:$0x1D900] =	vst v63  }
0xa4: {  	_ =	swait.ge [sflag:s6], $0x800  }
0xa5: {  	[sflag:s6] =	ssyncset.done $0x0  }
0xa6: {  	[sflag:s6] =	ssyncadd.s32 $0xFFFFF800  }
0xa7: {  	[spmem:s3] =	stream.indirect.scatter.add.f32 [tilespmem:s24], [sflag:$0x3], $0x80, s10, s15, $0xb8;
	[tilespmem:$0x1D900] =	vst v63  }
0xa8: {  	_ =	swait.ge [sflag:s6], $0x800  }
0xa9: {  	[sflag:s6] =	ssyncset.done $0x0  }
0xaa: {  	[sflag:s6] =	ssyncadd.s32 $0xFFFFF800  }
0xab: {  	[spmem:s3] =	stream.indirect.scatter.add.f32 [tilespmem:s7], [sflag:$0x3], $0x80, s9, s15, $0xb8;
	[tilespmem:$0x1D900] =	vst v63  }
0xac: {  	_ =	swait.ge [sflag:s6], $0x800  }
0xad: {  	[sflag:s6] =	ssyncset.done $0x0  }
0xae: {  	[sflag:s6] =	ssyncadd.s32 $0xFFFFF800  }
0xaf: {  	[spmem:s3] =	stream.indirect.scatter.add.f32 [tilespmem:s11], [sflag:$0x3], $0x80, s26, s15, $0xb8;
	[tilespmem:$0x1D900] =	vst v63  }
0xb0: {  	_ =	swait.ge [sflag:s6], $0x800  }
0xb1: {  	p0 =	por $0x0, $0x0;
	[sflag:s6] =	ssyncset.done $0x0  }
0xb2: {  	s30 =	simm.s32 @!p0 $0x15400;
	s12 =	simm.s32 @!p0 $0x0;
	[sflag:s6] =	ssyncadd.s32 $0xFFFFF800  }
0xb3: {  	[tilespmem:s30], [sflag:$0x3] =	stream.linear.gather @!p0 [hbm4b:s2+s12], $0x80, $0x38;
	[tilespmem:$0x1D900] =	vst v63  }
0xb4: {  	s12 =	simm.s32 @!p0 $0x3  }
0xb5: {  	_ =	swait.ge @!p0 [sflag:s12], $0x80  }
0xb6: {  	s31 =	simm.s32 @!p0 $0x15900;
	[sflag:s12] =	ssyncset.done @!p0 $0x0  }
0xb7: {  	s30 =	simm.s32 @!p0 $0x14100;
	[sflag:s12] =	ssyncadd.s32 @!p0 $0xFFFFFF80;
	s12 =	simm.s32 @!p0 $0x80  }
0xb8: {  	[tilespmem:s31], [sflag:$0x1] =	stream.indirect.gather @!p0 [hbm4b:s1+s12], $0x80, s30, s12, $0xb8;
	[tilespmem:$0x1D900] =	vst v63  }
0xb9: {  	_ =	swait.ge [sflag:s29], $0x4000  }
0xba: {  	[sflag:s29] =	ssyncset.done $0x0  }
0xbb: {  	[sflag:s29] =	ssyncadd.s32 $0xFFFFC000  }
0xbc: {  	v56 =	vld [tilespmem:$0x15480]  }
0xbd: {  	v57 =	vld [tilespmem:$0x15490]  }
0xbe: {  	v58 =	vld [tilespmem:$0x154F0]  }
0xbf: {  	v59 =	vld [tilespmem:$0x154E0]  }
0xc0: {  	v60 =	vld [tilespmem:$0x154D0]  }
0xc1: {  	v61 =	vld [tilespmem:$0x154A0];
	[tilespmem:$0x15500] =	vst v56  }
0xc2: {  	v62 =	vld [tilespmem:$0x154C0];
	[tilespmem:$0x15580] =	vst v57  }
0xc3: {  	v63 =	vld [tilespmem:$0x154B0];
	[tilespmem:$0x15880] =	vst v58  }
0xc4: {  	[tilespmem:$0x15800] =	vst v59  }
0xc5: {  	[tilespmem:$0x15780] =	vst v60  }
0xc6: {  	[tilespmem:$0x15600] =	vst v61  }
0xc7: {  	[tilespmem:$0x15700] =	vst v62  }
0xc8: {  	[tilespmem:$0x15680] =	vst v63  }
0xc9: {  	[spmem:s3] =	stream.indirect.scatter.add.f32 [tilespmem:s13], [sflag:$0x3], $0x80, s16, s15, $0xb8;
	[tilespmem:$0x1D900] =	vst v63  }
0xca: {  	_ =	swait.ge [sflag:s6], $0x800  }
0xcb: {  	[sflag:s6] =	ssyncset.done $0x0  }
0xcc: {  	s18 =	simm.s32 $0x1A100;
	[sflag:s6] =	ssyncadd.s32 $0xFFFFF800  }
0xcd: {  	[spmem:s3] =	stream.indirect.scatter.add.f32 [tilespmem:s18], [sflag:$0x3], $0x80, s17, s15, $0xb8;
	[tilespmem:$0x1D900] =	vst v63  }
0xce: {  	_ =	swait.ge [sflag:s6], $0x800  }
0xcf: {  	s21 =	simm.s32 $0x1D100;
	[sflag:s6] =	ssyncset.done $0x0  }
0xd0: {  	s0 =	simm.s32 $0x15900;
	s20 =	simm.s32 $0x1A900;
	[sflag:s6] =	ssyncadd.s32 $0xFFFFF800  }
0xd1: {  	[spmem:s3] =	stream.indirect.scatter.add.f32 [tilespmem:s20], [sflag:$0x3], $0x80, s19, s15, $0xb8;
	[tilespmem:$0x1D900] =	vst v63  }
0xd2: {  	s4 =	simm.s32 $0x1B900;
	s25 =	simm.s32 $0x18100;
	_ =	swait.ge [sflag:s6], $0x800  }
0xd3: {  	s22 =	simm.s32 $0x16100;
	s8 =	simm.s32 $0x17100;
	[sflag:s6] =	ssyncset.done $0x0  }
0xd4: {  	s5 =	simm.s32 $0x17900;
	s31 =	simm.s32 $0x1B100;
	[sflag:s6] =	ssyncadd.s32 $0xFFFFF800  }
0xd5: {  	[spmem:s3] =	stream.indirect.scatter.add.f32 [tilespmem:s31], [sflag:$0x3], $0x80, s23, s15, $0xb8;
	[tilespmem:$0x1D900] =	vst v63  }
0xd6: {  	s24 =	simm.s32 $0x16900;
	s7 =	simm.s32 $0x18900;
	_ =	swait.ge [sflag:s6], $0x800  }
0xd7: {  	s11 =	simm.s32 $0x19100;
	s12 =	simm.s32 $0x400;
	[sflag:s6] =	ssyncset.done $0x0  }
0xd8: {  	s30 =	sadd.s32 $0x20, s2;
	s18 =	simm.s32 $0x1C100;
	[sflag:s6] =	ssyncadd.s32 $0xFFFFF800  }
.LBB2_2:
0xd9: {  	[spmem:s3] =	stream.indirect.scatter.add.f32 [tilespmem:s4], [sflag:$0x3], $0x80, s28, s15, $0xb8;
	[tilespmem:$0x1D900] =	vst v63  }
0xda: {  	s31 =	smov.u32 s12;
	s12 =	sadd.s32 $0x400, s12;
	_ =	swait.ge [sflag:s6], $0x800  }
0xdb: {  	p0 =	sne.s32 s12, $0x5000;
	[sflag:s6] =	ssyncset.done $0x0  }
0xdc: {  	[sflag:s6] =	ssyncadd.s32 $0xFFFFF800  }
0xdd: {  	[spmem:s3] =	stream.indirect.scatter.add.f32 [tilespmem:s18], [sflag:$0x3], $0x80, s10, s15, $0xb8;
	[tilespmem:$0x1D900] =	vst v63  }
0xde: {  	_ =	swait.ge [sflag:s6], $0x800  }
0xdf: {  	[sflag:s6] =	ssyncset.done $0x0  }
0xe0: {  	s2 =	simm.s32 $0x1C900;
	[sflag:s6] =	ssyncadd.s32 $0xFFFFF800  }
0xe1: {  	[spmem:s3] =	stream.indirect.scatter.add.f32 [tilespmem:s2], [sflag:$0x3], $0x80, s9, s15, $0xb8;
	[tilespmem:$0x1D900] =	vst v63  }
0xe2: {  	_ =	swait.ge [sflag:s6], $0x800  }
0xe3: {  	[sflag:s6] =	ssyncset.done $0x0  }
0xe4: {  	[sflag:s6] =	ssyncadd.s32 $0xFFFFF800  }
0xe5: {  	[spmem:s3] =	stream.indirect.scatter.add.f32 [tilespmem:s21], [sflag:$0x3], $0x80, s26, s15, $0xb8;
	[tilespmem:$0x1D900] =	vst v63  }
0xe6: {  	_ =	swait.ge [sflag:s6], $0x800  }
0xe7: {  	s20 =	simm.s32 $0x15480;
	[sflag:s6] =	ssyncset.done $0x0  }
0xe8: {  	s2 =	sadd.s32 $0xFFFFFFF0, s30;
	s21 =	simm.s32 $0x0;
	[sflag:s6] =	ssyncadd.s32 $0xFFFFF800  }
0xe9: {  	[tilespmem:s20], [sflag:$0x3] =	stream.linear.gather [hbm4b:s2+s21], $0x80, $0x38;
	[tilespmem:$0x1D900] =	vst v63  }
0xea: {  	s21 =	simm.s32 $0x1D100  }
0xeb: {  	_ =	swait.ge [sflag:s6], $0x80  }
0xec: {  	s2 =	sshra.s32 s31, $0x2;
	[sflag:s6] =	ssyncset.done $0x0  }
0xed: {  	s20 =	simm.s32 $0x80;
	s2 =	sadd.s32 $0x14080, s2;
	[sflag:s6] =	ssyncadd.s32 $0xFFFFFF80  }
0xee: {  	[tilespmem:s13], [sflag:$0x2] =	stream.indirect.gather [hbm4b:s1+s20], $0x80, s2, s20, $0xb8;
	[tilespmem:$0x1D900] =	vst v63  }
0xef: {  	_ =	swait.ge [sflag:s14], $0x4000  }
0xf0: {  	[sflag:s14] =	ssyncset.done $0x0  }
0xf1: {  	[sflag:s14] =	ssyncadd.s32 $0xFFFFC000  }
0xf2: {  	v0 =	vld [tilespmem:$0x15470]  }
0xf3: {  	v1 =	vld [tilespmem:$0x15450]  }
0xf4: {  	v2 =	vld [tilespmem:$0x15460]  }
0xf5: {  	v3 =	vld [tilespmem:$0x15430]  }
0xf6: {  	v4 =	vld [tilespmem:$0x15440]  }
0xf7: {  	v5 =	vld [tilespmem:$0x15400];
	[tilespmem:$0x15880] =	vst v0  }
0xf8: {  	v0 =	vld [tilespmem:$0x15420];
	[tilespmem:$0x15780] =	vst v1  }
0xf9: {  	v1 =	vld [tilespmem:$0x15410];
	[tilespmem:$0x15800] =	vst v2  }
0xfa: {  	[tilespmem:$0x15680] =	vst v3  }
0xfb: {  	[tilespmem:$0x15700] =	vst v4  }
0xfc: {  	[tilespmem:$0x15500] =	vst v5  }
0xfd: {  	[tilespmem:$0x15600] =	vst v0  }
0xfe: {  	[tilespmem:$0x15580] =	vst v1  }
0xff: {  	[spmem:s3] =	stream.indirect.scatter.add.f32 [tilespmem:s0], [sflag:$0x3], $0x80, s16, s15, $0xb8;
	[tilespmem:$0x1D900] =	vst v63  }
0x100: {  	_ =	swait.ge [sflag:s6], $0x800  }
0x101: {  	[sflag:s6] =	ssyncset.done $0x0  }
0x102: {  	[sflag:s6] =	ssyncadd.s32 $0xFFFFF800  }
0x103: {  	[spmem:s3] =	stream.indirect.scatter.add.f32 [tilespmem:s22], [sflag:$0x3], $0x80, s17, s15, $0xb8;
	[tilespmem:$0x1D900] =	vst v63  }
0x104: {  	_ =	swait.ge [sflag:s6], $0x800  }
0x105: {  	[sflag:s6] =	ssyncset.done $0x0  }
0x106: {  	[sflag:s6] =	ssyncadd.s32 $0xFFFFF800  }
0x107: {  	[spmem:s3] =	stream.indirect.scatter.add.f32 [tilespmem:s24], [sflag:$0x3], $0x80, s19, s15, $0xb8;
	[tilespmem:$0x1D900] =	vst v63  }
0x108: {  	_ =	swait.ge [sflag:s6], $0x800  }
0x109: {  	[sflag:s6] =	ssyncset.done $0x0  }
0x10a: {  	[sflag:s6] =	ssyncadd.s32 $0xFFFFF800  }
0x10b: {  	[spmem:s3] =	stream.indirect.scatter.add.f32 [tilespmem:s8], [sflag:$0x3], $0x80, s23, s15, $0xb8;
	[tilespmem:$0x1D900] =	vst v63  }
0x10c: {  	_ =	swait.ge [sflag:s6], $0x800  }
0x10d: {  	[sflag:s6] =	ssyncset.done $0x0  }
0x10e: {  	[sflag:s6] =	ssyncadd.s32 $0xFFFFF800  }
0x10f: {  	[spmem:s3] =	stream.indirect.scatter.add.f32 [tilespmem:s5], [sflag:$0x3], $0x80, s28, s15, $0xb8;
	[tilespmem:$0x1D900] =	vst v63  }
0x110: {  	_ =	swait.ge [sflag:s6], $0x800  }
0x111: {  	[sflag:s6] =	ssyncset.done $0x0  }
0x112: {  	[sflag:s6] =	ssyncadd.s32 $0xFFFFF800  }
0x113: {  	[spmem:s3] =	stream.indirect.scatter.add.f32 [tilespmem:s25], [sflag:$0x3], $0x80, s10, s15, $0xb8;
	[tilespmem:$0x1D900] =	vst v63  }
0x114: {  	_ =	swait.ge [sflag:s6], $0x800  }
0x115: {  	[sflag:s6] =	ssyncset.done $0x0  }
0x116: {  	[sflag:s6] =	ssyncadd.s32 $0xFFFFF800  }
0x117: {  	[spmem:s3] =	stream.indirect.scatter.add.f32 [tilespmem:s7], [sflag:$0x3], $0x80, s9, s15, $0xb8;
	[tilespmem:$0x1D900] =	vst v63  }
0x118: {  	_ =	swait.ge [sflag:s6], $0x800  }
0x119: {  	[sflag:s6] =	ssyncset.done $0x0  }
0x11a: {  	[sflag:s6] =	ssyncadd.s32 $0xFFFFF800  }
0x11b: {  	[spmem:s3] =	stream.indirect.scatter.add.f32 [tilespmem:s11], [sflag:$0x3], $0x80, s26, s15, $0xb8;
	[tilespmem:$0x1D900] =	vst v63  }
0x11c: {  	_ =	swait.ge [sflag:s6], $0x800  }
0x11d: {  	p1 =	seq.s32 s31, $0x4C00;
	[sflag:s6] =	ssyncset.done $0x0  }
0x11e: {  	s2 =	simm.s32 @!p1 $0x0;
	s20 =	simm.s32 @!p1 $0x15400;
	[sflag:s6] =	ssyncadd.s32 $0xFFFFF800  }
0x11f: {  	[tilespmem:s20], [sflag:$0x3] =	stream.linear.gather @!p1 [hbm4b:s30+s2], $0x80, $0x38;
	[tilespmem:$0x1D900] =	vst v63  }
0x120: {  	s2 =	simm.s32 @!p1 $0x3;
	s20 =	sshra.s32 @!p1 s31, $0x2  }
0x121: {  	s20 =	sadd.s32 @!p1 $0x14100, s20;
	_ =	swait.ge @!p1 [sflag:s2], $0x80  }
0x122: {  	[sflag:s2] =	ssyncset.done @!p1 $0x0  }
0x123: {  	s31 =	simm.s32 @!p1 $0x15900;
	[sflag:s2] =	ssyncadd.s32 @!p1 $0xFFFFFF80;
	s2 =	simm.s32 @!p1 $0x80  }
0x124: {  	[tilespmem:s31], [sflag:$0x1] =	stream.indirect.gather @!p1 [hbm4b:s1+s2], $0x80, s20, s2, $0xb8;
	[tilespmem:$0x1D900] =	vst v63  }
0x125: {  	s31 =	simm.s32 $0x1A100  }
0x126: {  	_ =	swait.ge [sflag:s29], $0x4000  }
0x127: {  	[sflag:s29] =	ssyncset.done $0x0  }
0x128: {  	[sflag:s29] =	ssyncadd.s32 $0xFFFFC000  }
0x129: {  	v0 =	vld [tilespmem:$0x15480]  }
0x12a: {  	v1 =	vld [tilespmem:$0x15490]  }
0x12b: {  	v2 =	vld [tilespmem:$0x154F0]  }
0x12c: {  	v3 =	vld [tilespmem:$0x154E0]  }
0x12d: {  	v4 =	vld [tilespmem:$0x154D0]  }
0x12e: {  	[tilespmem:$0x15500] =	vst v0;
	v0 =	vld [tilespmem:$0x154A0]  }
0x12f: {  	[tilespmem:$0x15580] =	vst v1;
	v1 =	vld [tilespmem:$0x154C0]  }
0x130: {  	v5 =	vld [tilespmem:$0x154B0];
	[tilespmem:$0x15880] =	vst v2  }
0x131: {  	[tilespmem:$0x15800] =	vst v3  }
0x132: {  	[tilespmem:$0x15780] =	vst v4  }
0x133: {  	[tilespmem:$0x15600] =	vst v0  }
0x134: {  	[tilespmem:$0x15700] =	vst v1  }
0x135: {  	[tilespmem:$0x15680] =	vst v5  }
0x136: {  	[spmem:s3] =	stream.indirect.scatter.add.f32 [tilespmem:s13], [sflag:$0x3], $0x80, s16, s15, $0xb8;
	[tilespmem:$0x1D900] =	vst v63  }
0x137: {  	_ =	swait.ge [sflag:s6], $0x800  }
0x138: {  	[sflag:s6] =	ssyncset.done $0x0  }
0x139: {  	[sflag:s6] =	ssyncadd.s32 $0xFFFFF800  }
0x13a: {  	[spmem:s3] =	stream.indirect.scatter.add.f32 [tilespmem:s31], [sflag:$0x3], $0x80, s17, s15, $0xb8;
	[tilespmem:$0x1D900] =	vst v63  }
0x13b: {  	_ =	swait.ge [sflag:s6], $0x800  }
0x13c: {  	[sflag:s6] =	ssyncset.done $0x0  }
0x13d: {  	s2 =	simm.s32 $0x1A900;
	[sflag:s6] =	ssyncadd.s32 $0xFFFFF800  }
0x13e: {  	[spmem:s3] =	stream.indirect.scatter.add.f32 [tilespmem:s2], [sflag:$0x3], $0x80, s19, s15, $0xb8;
	[tilespmem:$0x1D900] =	vst v63  }
0x13f: {  	_ =	swait.ge [sflag:s6], $0x800  }
0x140: {  	[sflag:s6] =	ssyncset.done $0x0  }
.Ltmp2:
0x141: {  	s2 =	simm.s32 $0x1B100;
	[sflag:s6] =	ssyncadd.s32 $0xFFFFF800;
	(pc) =	sbr.rel @p0 .LBB2_2-.Ltmp2, $4  }
0x142: {  	[spmem:s3] =	stream.indirect.scatter.add.f32 [tilespmem:s2], [sflag:$0x3], $0x80, s23, s15, $0xb8;
	[tilespmem:$0x1D900] =	vst v63  }
0x143: {  	_ =	swait.ge [sflag:s6], $0x800  }
0x144: {  	[sflag:s6] =	ssyncset.done $0x0  }
0x145: {  	s30 =	sadd.s32 $0x20, s30;
	[sflag:s6] =	ssyncadd.s32 $0xFFFFF800  }
0x146: {  	[spmem:s3] =	stream.indirect.scatter.add.f32 [tilespmem:s4], [sflag:$0x3], $0x80, s28, s15, $0xb8;
	[tilespmem:$0x1D900] =	vst v63  }
0x147: {  	_ =	swait.ge [sflag:s6], $0x800  }
0x148: {  	[sflag:s6] =	ssyncset.done $0x0  }
0x149: {  	[sflag:s6] =	ssyncadd.s32 $0xFFFFF800  }
0x14a: {  	[spmem:s3] =	stream.indirect.scatter.add.f32 [tilespmem:s18], [sflag:$0x3], $0x80, s10, s15, $0xb8;
	[tilespmem:$0x1D900] =	vst v63  }
0x14b: {  	_ =	swait.ge [sflag:s6], $0x800  }
0x14c: {  	[sflag:s6] =	ssyncset.done $0x0  }
0x14d: {  	s0 =	simm.s32 $0x1C900;
	[sflag:s6] =	ssyncadd.s32 $0xFFFFF800  }
0x14e: {  	[spmem:s3] =	stream.indirect.scatter.add.f32 [tilespmem:s0], [sflag:$0x3], $0x80, s9, s15, $0xb8;
	[tilespmem:$0x1D900] =	vst v63  }
0x14f: {  	_ =	swait.ge [sflag:s6], $0x800  }
0x150: {  	[sflag:s6] =	ssyncset.done $0x0  }
0x151: {  	[sflag:s6] =	ssyncadd.s32 $0xFFFFF800  }
0x152: {  	[spmem:s3] =	stream.indirect.scatter.add.f32 [tilespmem:s21], [sflag:$0x3], $0x80, s26, s15, $0xb8;
	[tilespmem:$0x1D900] =	vst v63  }
0x153: {  	_ =	swait.ge [sflag:s6], $0x800  }
0x154: {  	s2 =	simm.s32 $0x0;
	[sflag:s6] =	ssyncset.done $0x0  }
0x155: {  	s20 =	simm.s32 $0x14000;
	s12 =	rddreg [dreg:$0x16];
	[sflag:s6] =	ssyncadd.s32 $0xFFFFF800  }
0x156: {  	[tilespmem:s20], [sflag:$0x3] =	stream.linear.gather [hbm4b:s12+s2], $0x1400, $0x38;
	[tilespmem:$0x1D900] =	vst v63  }
0x157: {  	_ =	swait.ge [sflag:s6], $0x1400  }
0x158: {  	[sflag:s6] =	ssyncset.done $0x0  }
0x159: {  	s30 =	simm.s32 $0x15400;
	s0 =	rddreg [dreg:$0x1a];
	[sflag:s6] =	ssyncadd.s32 $0xFFFFEC00  }
0x15a: {  	[tilespmem:s30], [sflag:$0x3] =	stream.linear.gather [hbm4b:s0+s2], $0x80, $0x38;
	[tilespmem:$0x1D900] =	vst v63  }
0x15b: {  	_ =	swait.ge [sflag:s6], $0x80  }
0x15c: {  	s12 =	simm.s32 $0x15900;
	[sflag:s6] =	ssyncset.done $0x0  }
0x15d: {  	s0 =	simm.s32 $0x80;
	s30 =	rddreg [dreg:$0x19];
	[sflag:s6] =	ssyncadd.s32 $0xFFFFFF80  }
0x15e: {  	[tilespmem:s12], [sflag:$0x1] =	stream.indirect.gather [hbm4b:s1+s0], $0x80, s20, s0, $0xb8;
	[tilespmem:$0x1D900] =	vst v63  }
0x15f: {  	s2 =	sadd.s32 $0xFFFFFFF0, s30;
	s12 =	simm.s32 $0x15480;
	s20 =	simm.s32 $0x0  }
0x160: {  	[tilespmem:s12], [sflag:$0x3] =	stream.linear.gather [hbm4b:s2+s20], $0x80, $0x38;
	[tilespmem:$0x1D900] =	vst v63  }
0x161: {  	_ =	swait.ge [sflag:s6], $0x80  }
0x162: {  	[sflag:s6] =	ssyncset.done $0x0  }
0x163: {  	s20 =	simm.s32 $0x14080;
	[sflag:s6] =	ssyncadd.s32 $0xFFFFFF80  }
0x164: {  	[tilespmem:s13], [sflag:$0x2] =	stream.indirect.gather [hbm4b:s1+s0], $0x80, s20, s0, $0xb8;
	[tilespmem:$0x1D900] =	vst v63  }
0x165: {  	_ =	swait.ge [sflag:s14], $0x4000  }
0x166: {  	[sflag:s14] =	ssyncset.done $0x0  }
0x167: {  	[sflag:s14] =	ssyncadd.s32 $0xFFFFC000  }
0x168: {  	v0 =	vld [tilespmem:$0x15470]  }
0x169: {  	v1 =	vld [tilespmem:$0x15450]  }
0x16a: {  	v2 =	vld [tilespmem:$0x15460]  }
0x16b: {  	v3 =	vld [tilespmem:$0x15430]  }
0x16c: {  	v4 =	vld [tilespmem:$0x15440]  }
0x16d: {  	v5 =	vld [tilespmem:$0x15400];
	[tilespmem:$0x15880] =	vst v0  }
0x16e: {  	v54 =	vld [tilespmem:$0x15420];
	[tilespmem:$0x15780] =	vst v1  }
0x16f: {  	v55 =	vld [tilespmem:$0x15410];
	[tilespmem:$0x15800] =	vst v2  }
0x170: {  	[tilespmem:$0x15680] =	vst v3  }
0x171: {  	[tilespmem:$0x15700] =	vst v4  }
0x172: {  	[tilespmem:$0x15500] =	vst v5  }
0x173: {  	[tilespmem:$0x15600] =	vst v54  }
0x174: {  	s12 =	simm.s32 $0x15900;
	[tilespmem:$0x15580] =	vst v55  }
0x175: {  	[spmem:s3] =	stream.indirect.scatter.add.f32 [tilespmem:s12], [sflag:$0x3], $0x80, s16, s15, $0xb8;
	[tilespmem:$0x1D900] =	vst v63  }
0x176: {  	_ =	swait.ge [sflag:s6], $0x800  }
0x177: {  	[sflag:s6] =	ssyncset.done $0x0  }
0x178: {  	[sflag:s6] =	ssyncadd.s32 $0xFFFFF800  }
0x179: {  	[spmem:s3] =	stream.indirect.scatter.add.f32 [tilespmem:s22], [sflag:$0x3], $0x80, s17, s15, $0xb8;
	[tilespmem:$0x1D900] =	vst v63  }
0x17a: {  	_ =	swait.ge [sflag:s6], $0x800  }
0x17b: {  	[sflag:s6] =	ssyncset.done $0x0  }
0x17c: {  	[sflag:s6] =	ssyncadd.s32 $0xFFFFF800  }
0x17d: {  	[spmem:s3] =	stream.indirect.scatter.add.f32 [tilespmem:s24], [sflag:$0x3], $0x80, s19, s15, $0xb8;
	[tilespmem:$0x1D900] =	vst v63  }
0x17e: {  	_ =	swait.ge [sflag:s6], $0x800  }
0x17f: {  	[sflag:s6] =	ssyncset.done $0x0  }
0x180: {  	[sflag:s6] =	ssyncadd.s32 $0xFFFFF800  }
0x181: {  	[spmem:s3] =	stream.indirect.scatter.add.f32 [tilespmem:s8], [sflag:$0x3], $0x80, s23, s15, $0xb8;
	[tilespmem:$0x1D900] =	vst v63  }
0x182: {  	_ =	swait.ge [sflag:s6], $0x800  }
0x183: {  	[sflag:s6] =	ssyncset.done $0x0  }
0x184: {  	[sflag:s6] =	ssyncadd.s32 $0xFFFFF800  }
0x185: {  	[spmem:s3] =	stream.indirect.scatter.add.f32 [tilespmem:s5], [sflag:$0x3], $0x80, s28, s15, $0xb8;
	[tilespmem:$0x1D900] =	vst v63  }
0x186: {  	_ =	swait.ge [sflag:s6], $0x800  }
0x187: {  	[sflag:s6] =	ssyncset.done $0x0  }
0x188: {  	[sflag:s6] =	ssyncadd.s32 $0xFFFFF800  }
0x189: {  	[spmem:s3] =	stream.indirect.scatter.add.f32 [tilespmem:s25], [sflag:$0x3], $0x80, s10, s15, $0xb8;
	[tilespmem:$0x1D900] =	vst v63  }
0x18a: {  	_ =	swait.ge [sflag:s6], $0x800  }
0x18b: {  	[sflag:s6] =	ssyncset.done $0x0  }
0x18c: {  	[sflag:s6] =	ssyncadd.s32 $0xFFFFF800  }
0x18d: {  	[spmem:s3] =	stream.indirect.scatter.add.f32 [tilespmem:s7], [sflag:$0x3], $0x80, s9, s15, $0xb8;
	[tilespmem:$0x1D900] =	vst v63  }
0x18e: {  	_ =	swait.ge [sflag:s6], $0x800  }
0x18f: {  	[sflag:s6] =	ssyncset.done $0x0  }
0x190: {  	[sflag:s6] =	ssyncadd.s32 $0xFFFFF800  }
0x191: {  	[spmem:s3] =	stream.indirect.scatter.add.f32 [tilespmem:s11], [sflag:$0x3], $0x80, s26, s15, $0xb8;
	[tilespmem:$0x1D900] =	vst v63  }
0x192: {  	_ =	swait.ge [sflag:s6], $0x800  }
0x193: {  	p0 =	por $0x0, $0x0;
	[sflag:s6] =	ssyncset.done $0x0  }
0x194: {  	s2 =	simm.s32 @!p0 $0x0;
	s12 =	simm.s32 @!p0 $0x15400;
	[sflag:s6] =	ssyncadd.s32 $0xFFFFF800  }
0x195: {  	[tilespmem:s12], [sflag:$0x3] =	stream.linear.gather @!p0 [hbm4b:s30+s2], $0x80, $0x38;
	[tilespmem:$0x1D900] =	vst v63  }
0x196: {  	s2 =	simm.s32 @!p0 $0x3  }
0x197: {  	_ =	swait.ge @!p0 [sflag:s2], $0x80  }
0x198: {  	s20 =	simm.s32 @!p0 $0x15900;
	[sflag:s2] =	ssyncset.done @!p0 $0x0  }
0x199: {  	s12 =	simm.s32 @!p0 $0x14100;
	[sflag:s2] =	ssyncadd.s32 @!p0 $0xFFFFFF80;
	s2 =	simm.s32 @!p0 $0x80  }
0x19a: {  	[tilespmem:s20], [sflag:$0x1] =	stream.indirect.gather @!p0 [hbm4b:s1+s2], $0x80, s12, s2, $0xb8;
	[tilespmem:$0x1D900] =	vst v63  }
0x19b: {  	_ =	swait.ge [sflag:s29], $0x4000  }
0x19c: {  	[sflag:s29] =	ssyncset.done $0x0  }
0x19d: {  	[sflag:s29] =	ssyncadd.s32 $0xFFFFC000  }
0x19e: {  	v56 =	vld [tilespmem:$0x15480]  }
0x19f: {  	v57 =	vld [tilespmem:$0x15490]  }
0x1a0: {  	v58 =	vld [tilespmem:$0x154F0]  }
0x1a1: {  	v59 =	vld [tilespmem:$0x154E0]  }
0x1a2: {  	v60 =	vld [tilespmem:$0x154D0]  }
0x1a3: {  	v61 =	vld [tilespmem:$0x154A0];
	[tilespmem:$0x15500] =	vst v56  }
0x1a4: {  	v62 =	vld [tilespmem:$0x154C0];
	[tilespmem:$0x15580] =	vst v57  }
0x1a5: {  	v63 =	vld [tilespmem:$0x154B0];
	[tilespmem:$0x15880] =	vst v58  }
0x1a6: {  	[tilespmem:$0x15800] =	vst v59  }
0x1a7: {  	[tilespmem:$0x15780] =	vst v60  }
0x1a8: {  	[tilespmem:$0x15600] =	vst v61  }
0x1a9: {  	[tilespmem:$0x15700] =	vst v62  }
0x1aa: {  	[tilespmem:$0x15680] =	vst v63  }
0x1ab: {  	[spmem:s3] =	stream.indirect.scatter.add.f32 [tilespmem:s13], [sflag:$0x3], $0x80, s16, s15, $0xb8;
	[tilespmem:$0x1D900] =	vst v63  }
0x1ac: {  	_ =	swait.ge [sflag:s6], $0x800  }
0x1ad: {  	[sflag:s6] =	ssyncset.done $0x0  }
0x1ae: {  	[sflag:s6] =	ssyncadd.s32 $0xFFFFF800  }
0x1af: {  	[spmem:s3] =	stream.indirect.scatter.add.f32 [tilespmem:s31], [sflag:$0x3], $0x80, s17, s15, $0xb8;
	[tilespmem:$0x1D900] =	vst v63  }
0x1b0: {  	_ =	swait.ge [sflag:s6], $0x800  }
0x1b1: {  	[sflag:s6] =	ssyncset.done $0x0  }
0x1b2: {  	s20 =	simm.s32 $0x1A900;
	[sflag:s6] =	ssyncadd.s32 $0xFFFFF800  }
0x1b3: {  	[spmem:s3] =	stream.indirect.scatter.add.f32 [tilespmem:s20], [sflag:$0x3], $0x80, s19, s15, $0xb8;
	[tilespmem:$0x1D900] =	vst v63  }
0x1b4: {  	_ =	swait.ge [sflag:s6], $0x800  }
0x1b5: {  	[sflag:s6] =	ssyncset.done $0x0  }
0x1b6: {  	s31 =	simm.s32 $0x1B100;
	[sflag:s6] =	ssyncadd.s32 $0xFFFFF800  }
0x1b7: {  	[spmem:s3] =	stream.indirect.scatter.add.f32 [tilespmem:s31], [sflag:$0x3], $0x80, s23, s15, $0xb8;
	[tilespmem:$0x1D900] =	vst v63  }
0x1b8: {  	_ =	swait.ge [sflag:s6], $0x800  }
0x1b9: {  	[sflag:s6] =	ssyncset.done $0x0  }
0x1ba: {  	s30 =	sadd.s32 $0x20, s30;
	s12 =	simm.s32 $0x400;
	[sflag:s6] =	ssyncadd.s32 $0xFFFFF800  }
.LBB2_4:
0x1bb: {  	[spmem:s3] =	stream.indirect.scatter.add.f32 [tilespmem:s4], [sflag:$0x3], $0x80, s28, s15, $0xb8;
	[tilespmem:$0x1D900] =	vst v63  }
0x1bc: {  	s31 =	smov.u32 s12;
	s12 =	sadd.s32 $0x400, s12;
	_ =	swait.ge [sflag:s6], $0x800  }
0x1bd: {  	p0 =	sne.s32 s12, $0x5000;
	[sflag:s6] =	ssyncset.done $0x0  }
0x1be: {  	[sflag:s6] =	ssyncadd.s32 $0xFFFFF800  }
0x1bf: {  	[spmem:s3] =	stream.indirect.scatter.add.f32 [tilespmem:s18], [sflag:$0x3], $0x80, s10, s15, $0xb8;
	[tilespmem:$0x1D900] =	vst v63  }
0x1c0: {  	_ =	swait.ge [sflag:s6], $0x800  }
0x1c1: {  	[sflag:s6] =	ssyncset.done $0x0  }
0x1c2: {  	s0 =	simm.s32 $0x1C900;
	[sflag:s6] =	ssyncadd.s32 $0xFFFFF800  }
0x1c3: {  	[spmem:s3] =	stream.indirect.scatter.add.f32 [tilespmem:s0], [sflag:$0x3], $0x80, s9, s15, $0xb8;
	[tilespmem:$0x1D900] =	vst v63  }
0x1c4: {  	_ =	swait.ge [sflag:s6], $0x800  }
0x1c5: {  	[sflag:s6] =	ssyncset.done $0x0  }
0x1c6: {  	[sflag:s6] =	ssyncadd.s32 $0xFFFFF800  }
0x1c7: {  	[spmem:s3] =	stream.indirect.scatter.add.f32 [tilespmem:s21], [sflag:$0x3], $0x80, s26, s15, $0xb8;
	[tilespmem:$0x1D900] =	vst v63  }
0x1c8: {  	_ =	swait.ge [sflag:s6], $0x800  }
0x1c9: {  	s2 =	sadd.s32 $0xFFFFFFF0, s30;
	[sflag:s6] =	ssyncset.done $0x0  }
0x1ca: {  	s20 =	simm.s32 $0x0;
	s0 =	simm.s32 $0x15480;
	[sflag:s6] =	ssyncadd.s32 $0xFFFFF800  }
0x1cb: {  	[tilespmem:s0], [sflag:$0x3] =	stream.linear.gather [hbm4b:s2+s20], $0x80, $0x38;
	[tilespmem:$0x1D900] =	vst v63  }
0x1cc: {  	_ =	swait.ge [sflag:s6], $0x80  }
0x1cd: {  	s2 =	sshra.s32 s31, $0x2;
	[sflag:s6] =	ssyncset.done $0x0  }
0x1ce: {  	s0 =	simm.s32 $0x80;
	s2 =	sadd.s32 $0x14080, s2;
	[sflag:s6] =	ssyncadd.s32 $0xFFFFFF80  }
0x1cf: {  	[tilespmem:s13], [sflag:$0x2] =	stream.indirect.gather [hbm4b:s1+s0], $0x80, s2, s0, $0xb8;
	[tilespmem:$0x1D900] =	vst v63  }
0x1d0: {  	_ =	swait.ge [sflag:s14], $0x4000  }
0x1d1: {  	[sflag:s14] =	ssyncset.done $0x0  }
0x1d2: {  	[sflag:s14] =	ssyncadd.s32 $0xFFFFC000  }
0x1d3: {  	v0 =	vld [tilespmem:$0x15470]  }
0x1d4: {  	v1 =	vld [tilespmem:$0x15450]  }
0x1d5: {  	v2 =	vld [tilespmem:$0x15460]  }
0x1d6: {  	v3 =	vld [tilespmem:$0x15430]  }
0x1d7: {  	v4 =	vld [tilespmem:$0x15440]  }
0x1d8: {  	v5 =	vld [tilespmem:$0x15400];
	[tilespmem:$0x15880] =	vst v0  }
0x1d9: {  	v0 =	vld [tilespmem:$0x15420];
	[tilespmem:$0x15780] =	vst v1  }
0x1da: {  	v1 =	vld [tilespmem:$0x15410];
	[tilespmem:$0x15800] =	vst v2  }
0x1db: {  	[tilespmem:$0x15680] =	vst v3  }
0x1dc: {  	[tilespmem:$0x15700] =	vst v4  }
0x1dd: {  	[tilespmem:$0x15500] =	vst v5  }
0x1de: {  	[tilespmem:$0x15600] =	vst v0  }
0x1df: {  	s0 =	simm.s32 $0x15900;
	[tilespmem:$0x15580] =	vst v1  }
0x1e0: {  	[spmem:s3] =	stream.indirect.scatter.add.f32 [tilespmem:s0], [sflag:$0x3], $0x80, s16, s15, $0xb8;
	[tilespmem:$0x1D900] =	vst v63  }
0x1e1: {  	_ =	swait.ge [sflag:s6], $0x800  }
0x1e2: {  	[sflag:s6] =	ssyncset.done $0x0  }
0x1e3: {  	[sflag:s6] =	ssyncadd.s32 $0xFFFFF800  }
0x1e4: {  	[spmem:s3] =	stream.indirect.scatter.add.f32 [tilespmem:s22], [sflag:$0x3], $0x80, s17, s15, $0xb8;
	[tilespmem:$0x1D900] =	vst v63  }
0x1e5: {  	_ =	swait.ge [sflag:s6], $0x800  }
0x1e6: {  	[sflag:s6] =	ssyncset.done $0x0  }
0x1e7: {  	[sflag:s6] =	ssyncadd.s32 $0xFFFFF800  }
0x1e8: {  	[spmem:s3] =	stream.indirect.scatter.add.f32 [tilespmem:s24], [sflag:$0x3], $0x80, s19, s15, $0xb8;
	[tilespmem:$0x1D900] =	vst v63  }
0x1e9: {  	_ =	swait.ge [sflag:s6], $0x800  }
0x1ea: {  	[sflag:s6] =	ssyncset.done $0x0  }
0x1eb: {  	[sflag:s6] =	ssyncadd.s32 $0xFFFFF800  }
0x1ec: {  	[spmem:s3] =	stream.indirect.scatter.add.f32 [tilespmem:s8], [sflag:$0x3], $0x80, s23, s15, $0xb8;
	[tilespmem:$0x1D900] =	vst v63  }
0x1ed: {  	_ =	swait.ge [sflag:s6], $0x800  }
0x1ee: {  	[sflag:s6] =	ssyncset.done $0x0  }
0x1ef: {  	[sflag:s6] =	ssyncadd.s32 $0xFFFFF800  }
0x1f0: {  	[spmem:s3] =	stream.indirect.scatter.add.f32 [tilespmem:s5], [sflag:$0x3], $0x80, s28, s15, $0xb8;
	[tilespmem:$0x1D900] =	vst v63  }
0x1f1: {  	_ =	swait.ge [sflag:s6], $0x800  }
0x1f2: {  	[sflag:s6] =	ssyncset.done $0x0  }
0x1f3: {  	[sflag:s6] =	ssyncadd.s32 $0xFFFFF800  }
0x1f4: {  	[spmem:s3] =	stream.indirect.scatter.add.f32 [tilespmem:s25], [sflag:$0x3], $0x80, s10, s15, $0xb8;
	[tilespmem:$0x1D900] =	vst v63  }
0x1f5: {  	_ =	swait.ge [sflag:s6], $0x800  }
0x1f6: {  	[sflag:s6] =	ssyncset.done $0x0  }
0x1f7: {  	[sflag:s6] =	ssyncadd.s32 $0xFFFFF800  }
0x1f8: {  	[spmem:s3] =	stream.indirect.scatter.add.f32 [tilespmem:s7], [sflag:$0x3], $0x80, s9, s15, $0xb8;
	[tilespmem:$0x1D900] =	vst v63  }
0x1f9: {  	_ =	swait.ge [sflag:s6], $0x800  }
0x1fa: {  	[sflag:s6] =	ssyncset.done $0x0  }
0x1fb: {  	[sflag:s6] =	ssyncadd.s32 $0xFFFFF800  }
0x1fc: {  	[spmem:s3] =	stream.indirect.scatter.add.f32 [tilespmem:s11], [sflag:$0x3], $0x80, s26, s15, $0xb8;
	[tilespmem:$0x1D900] =	vst v63  }
0x1fd: {  	_ =	swait.ge [sflag:s6], $0x800  }
0x1fe: {  	p1 =	seq.s32 s31, $0x4C00;
	[sflag:s6] =	ssyncset.done $0x0  }
0x1ff: {  	s20 =	simm.s32 @!p1 $0x15400;
	s2 =	simm.s32 @!p1 $0x0;
	[sflag:s6] =	ssyncadd.s32 $0xFFFFF800  }
0x200: {  	[tilespmem:s20], [sflag:$0x3] =	stream.linear.gather @!p1 [hbm4b:s30+s2], $0x80, $0x38;
	[tilespmem:$0x1D900] =	vst v63  }
0x201: {  	s2 =	simm.s32 @!p1 $0x3;
	s20 =	sshra.s32 @!p1 s31, $0x2  }
0x202: {  	s20 =	sadd.s32 @!p1 $0x14100, s20;
	_ =	swait.ge @!p1 [sflag:s2], $0x80  }
0x203: {  	[sflag:s2] =	ssyncset.done @!p1 $0x0  }
0x204: {  	s31 =	simm.s32 @!p1 $0x15900;
	[sflag:s2] =	ssyncadd.s32 @!p1 $0xFFFFFF80;
	s2 =	simm.s32 @!p1 $0x80  }
0x205: {  	[tilespmem:s31], [sflag:$0x1] =	stream.indirect.gather @!p1 [hbm4b:s1+s2], $0x80, s20, s2, $0xb8;
	[tilespmem:$0x1D900] =	vst v63  }
0x206: {  	s0 =	simm.s32 $0x1A900;
	s20 =	simm.s32 $0x1B100;
	s2 =	simm.s32 $0x1A100  }
0x207: {  	_ =	swait.ge [sflag:s29], $0x4000  }
0x208: {  	[sflag:s29] =	ssyncset.done $0x0  }
0x209: {  	[sflag:s29] =	ssyncadd.s32 $0xFFFFC000  }
0x20a: {  	v0 =	vld [tilespmem:$0x15480]  }
0x20b: {  	v1 =	vld [tilespmem:$0x15490]  }
0x20c: {  	v2 =	vld [tilespmem:$0x154F0]  }
0x20d: {  	v3 =	vld [tilespmem:$0x154E0]  }
0x20e: {  	v4 =	vld [tilespmem:$0x154D0]  }
0x20f: {  	[tilespmem:$0x15500] =	vst v0;
	v0 =	vld [tilespmem:$0x154A0]  }
0x210: {  	[tilespmem:$0x15580] =	vst v1;
	v1 =	vld [tilespmem:$0x154C0]  }
0x211: {  	v5 =	vld [tilespmem:$0x154B0];
	[tilespmem:$0x15880] =	vst v2  }
0x212: {  	[tilespmem:$0x15800] =	vst v3  }
0x213: {  	[tilespmem:$0x15780] =	vst v4  }
0x214: {  	[tilespmem:$0x15600] =	vst v0  }
0x215: {  	[tilespmem:$0x15700] =	vst v1  }
0x216: {  	[tilespmem:$0x15680] =	vst v5  }
0x217: {  	[spmem:s3] =	stream.indirect.scatter.add.f32 [tilespmem:s13], [sflag:$0x3], $0x80, s16, s15, $0xb8;
	[tilespmem:$0x1D900] =	vst v63  }
0x218: {  	_ =	swait.ge [sflag:s6], $0x800  }
0x219: {  	[sflag:s6] =	ssyncset.done $0x0  }
0x21a: {  	[sflag:s6] =	ssyncadd.s32 $0xFFFFF800  }
0x21b: {  	[spmem:s3] =	stream.indirect.scatter.add.f32 [tilespmem:s2], [sflag:$0x3], $0x80, s17, s15, $0xb8;
	[tilespmem:$0x1D900] =	vst v63  }
0x21c: {  	_ =	swait.ge [sflag:s6], $0x800  }
0x21d: {  	[sflag:s6] =	ssyncset.done $0x0  }
0x21e: {  	[sflag:s6] =	ssyncadd.s32 $0xFFFFF800  }
0x21f: {  	[spmem:s3] =	stream.indirect.scatter.add.f32 [tilespmem:s0], [sflag:$0x3], $0x80, s19, s15, $0xb8;
	[tilespmem:$0x1D900] =	vst v63  }
0x220: {  	_ =	swait.ge [sflag:s6], $0x800  }
0x221: {  	[sflag:s6] =	ssyncset.done $0x0  }
.Ltmp3:
0x222: {  	[sflag:s6] =	ssyncadd.s32 $0xFFFFF800;
	(pc) =	sbr.rel @p0 .LBB2_4-.Ltmp3, $4  }
0x223: {  	[spmem:s3] =	stream.indirect.scatter.add.f32 [tilespmem:s20], [sflag:$0x3], $0x80, s23, s15, $0xb8;
	[tilespmem:$0x1D900] =	vst v63  }
0x224: {  	_ =	swait.ge [sflag:s6], $0x800  }
0x225: {  	[sflag:s6] =	ssyncset.done $0x0  }
0x226: {  	s30 =	sadd.s32 $0x20, s30;
	[sflag:s6] =	ssyncadd.s32 $0xFFFFF800  }
0x227: {  	[spmem:s3] =	stream.indirect.scatter.add.f32 [tilespmem:s4], [sflag:$0x3], $0x80, s28, s15, $0xb8;
	[tilespmem:$0x1D900] =	vst v63  }
0x228: {  	_ =	swait.ge [sflag:s6], $0x800  }
0x229: {  	[sflag:s6] =	ssyncset.done $0x0  }
0x22a: {  	[sflag:s6] =	ssyncadd.s32 $0xFFFFF800  }
0x22b: {  	[spmem:s3] =	stream.indirect.scatter.add.f32 [tilespmem:s18], [sflag:$0x3], $0x80, s10, s15, $0xb8;
	[tilespmem:$0x1D900] =	vst v63  }
0x22c: {  	_ =	swait.ge [sflag:s6], $0x800  }
0x22d: {  	[sflag:s6] =	ssyncset.done $0x0  }
0x22e: {  	s0 =	simm.s32 $0x1C900;
	[sflag:s6] =	ssyncadd.s32 $0xFFFFF800  }
0x22f: {  	[spmem:s3] =	stream.indirect.scatter.add.f32 [tilespmem:s0], [sflag:$0x3], $0x80, s9, s15, $0xb8;
	[tilespmem:$0x1D900] =	vst v63  }
0x230: {  	_ =	swait.ge [sflag:s6], $0x800  }
0x231: {  	[sflag:s6] =	ssyncset.done $0x0  }
0x232: {  	[sflag:s6] =	ssyncadd.s32 $0xFFFFF800  }
0x233: {  	[spmem:s3] =	stream.indirect.scatter.add.f32 [tilespmem:s21], [sflag:$0x3], $0x80, s26, s15, $0xb8;
	[tilespmem:$0x1D900] =	vst v63  }
0x234: {  	_ =	swait.ge [sflag:s6], $0x800  }
0x235: {  	[sflag:s6] =	ssyncset.done $0x0  }
0x236: {  	[sflag:s6] =	ssyncadd.s32 $0xFFFFF800  }
0x237: {  	[bflag:$0x0] =	sbarrier.arrive $0xFFFF  }
0x238: {  	s12 =	simm.s32 $0x0;
	s31 =	simm.s32 $0x15900;
	s2 =	rddreg [dreg:$0x4]  }
0x239: {  	[tilespmem:s31], [sflag:$0x3] =	stream.linear.gather [hbm4b:s2+s12], $0x4000, $0x38;
	[tilespmem:$0x1D900] =	vst v63  }
0x23a: {  	_ =	swait.ge [sflag:s6], $0x4000  }
0x23b: {  	[sflag:s6] =	ssyncset.done $0x0  }
0x23c: {  	s4 =	rddreg [dreg:$0x6];
	[sflag:s6] =	ssyncadd.s32 $0xFFFFC000  }
0x23d: {  	[tilespmem:s13], [sflag:$0x3] =	stream.linear.gather [spmem:s4], $0x4000, $0x38;
	[tilespmem:$0x1D900] =	vst v63  }
0x23e: {  	_ =	swait.ge [sflag:s6], $0x4000  }
0x23f: {  	[sflag:s6] =	ssyncset.done $0x0  }
0x240: {  	s20 =	rddreg [dreg:$0x9];
	[sflag:s6] =	ssyncadd.s32 $0xFFFFC000  }
0x241: {  	[hbm4b:s20+s12] =	stream.linear.scatter [tilespmem:s13], [sflag:$0x3], $0x4000, $0x38;
	[tilespmem:$0x1D900] =	vst v63  }
0x242: {  	_ =	swait.ge [sflag:s6], $0x4000  }
0x243: {  	[sflag:s6] =	ssyncset.done $0x0  }
0x244: {  	[sflag:s6] =	ssyncadd.s32 $0xFFFFC000  }
0x245: {  	[spmem:s4] =	stream.linear.scatter [tilespmem:s31], [sflag:$0x3], $0x4000, $0x38;
	[tilespmem:$0x1D900] =	vst v63  }
0x246: {  	_ =	swait.ge [sflag:s6], $0x4000  }
0x247: {  	[sflag:s6] =	ssyncset.done $0x0  }
0x248: {  	s5 =	rddreg [dreg:$0x1b];
	[sflag:s6] =	ssyncadd.s32 $0xFFFFC000  }
0x249: {  	[tilespmem:s13], [sflag:$0x3] =	stream.linear.gather [spmem:s5], $0x4000, $0x38;
	[tilespmem:$0x1D900] =	vst v63  }
0x24a: {  	_ =	swait.ge [sflag:s6], $0x4000  }
0x24b: {  	[sflag:s6] =	ssyncset.done $0x0  }
0x24c: {  	s7 =	rddreg [dreg:$0xa];
	[sflag:s6] =	ssyncadd.s32 $0xFFFFC000  }
0x24d: {  	[hbm4b:s7+s12] =	stream.linear.scatter [tilespmem:s13], [sflag:$0x3], $0x4000, $0x38;
	[tilespmem:$0x1D900] =	vst v63  }
0x24e: {  	_ =	swait.ge [sflag:s6], $0x4000  }
0x24f: {  	[sflag:s6] =	ssyncset.done $0x0  }
0x250: {  	[sflag:s6] =	ssyncadd.s32 $0xFFFFC000  }
0x251: {  	[spmem:s5] =	stream.linear.scatter [tilespmem:s31], [sflag:$0x3], $0x4000, $0x38;
	[tilespmem:$0x1D900] =	vst v63  }
0x252: {  	_ =	swait.ge [sflag:s6], $0x4000  }
0x253: {  	[sflag:s6] =	ssyncset.done $0x0  }
0x254: {  	s8 =	rddreg [dreg:$0x1c];
	[sflag:s6] =	ssyncadd.s32 $0xFFFFC000  }
0x255: {  	[tilespmem:s13], [sflag:$0x3] =	stream.linear.gather [spmem:s8], $0x4000, $0x38;
	[tilespmem:$0x1D900] =	vst v63  }
0x256: {  	_ =	swait.ge [sflag:s6], $0x4000  }
0x257: {  	[sflag:s6] =	ssyncset.done $0x0  }
0x258: {  	s11 =	rddreg [dreg:$0xb];
	[sflag:s6] =	ssyncadd.s32 $0xFFFFC000  }
0x259: {  	[hbm4b:s11+s12] =	stream.linear.scatter [tilespmem:s13], [sflag:$0x3], $0x4000, $0x38;
	[tilespmem:$0x1D900] =	vst v63  }
0x25a: {  	_ =	swait.ge [sflag:s6], $0x4000  }
0x25b: {  	[sflag:s6] =	ssyncset.done $0x0  }
0x25c: {  	[sflag:s6] =	ssyncadd.s32 $0xFFFFC000  }
0x25d: {  	[spmem:s8] =	stream.linear.scatter [tilespmem:s31], [sflag:$0x3], $0x4000, $0x38;
	[tilespmem:$0x1D900] =	vst v63  }
0x25e: {  	_ =	swait.ge [sflag:s6], $0x4000  }
0x25f: {  	[sflag:s6] =	ssyncset.done $0x0  }
0x260: {  	s18 =	rddreg [dreg:$0x1d];
	[sflag:s6] =	ssyncadd.s32 $0xFFFFC000  }
0x261: {  	[tilespmem:s13], [sflag:$0x3] =	stream.linear.gather [spmem:s18], $0x4000, $0x38;
	[tilespmem:$0x1D900] =	vst v63  }
0x262: {  	_ =	swait.ge [sflag:s6], $0x4000  }
0x263: {  	[sflag:s6] =	ssyncset.done $0x0  }
0x264: {  	s21 =	rddreg [dreg:$0xc];
	[sflag:s6] =	ssyncadd.s32 $0xFFFFC000  }
0x265: {  	[hbm4b:s21+s12] =	stream.linear.scatter [tilespmem:s13], [sflag:$0x3], $0x4000, $0x38;
	[tilespmem:$0x1D900] =	vst v63  }
0x266: {  	_ =	swait.ge [sflag:s6], $0x4000  }
0x267: {  	[sflag:s6] =	ssyncset.done $0x0  }
0x268: {  	[sflag:s6] =	ssyncadd.s32 $0xFFFFC000  }
0x269: {  	[spmem:s18] =	stream.linear.scatter [tilespmem:s31], [sflag:$0x3], $0x4000, $0x38;
	[tilespmem:$0x1D900] =	vst v63  }
0x26a: {  	_ =	swait.ge [sflag:s6], $0x4000  }
0x26b: {  	[sflag:s6] =	ssyncset.done $0x0  }
0x26c: {  	s22 =	rddreg [dreg:$0x1e];
	[sflag:s6] =	ssyncadd.s32 $0xFFFFC000  }
0x26d: {  	[tilespmem:s13], [sflag:$0x3] =	stream.linear.gather [spmem:s22], $0x4000, $0x38;
	[tilespmem:$0x1D900] =	vst v63  }
0x26e: {  	_ =	swait.ge [sflag:s6], $0x4000  }
0x26f: {  	[sflag:s6] =	ssyncset.done $0x0  }
0x270: {  	s24 =	rddreg [dreg:$0xd];
	[sflag:s6] =	ssyncadd.s32 $0xFFFFC000  }
0x271: {  	[hbm4b:s24+s12] =	stream.linear.scatter [tilespmem:s13], [sflag:$0x3], $0x4000, $0x38;
	[tilespmem:$0x1D900] =	vst v63  }
0x272: {  	_ =	swait.ge [sflag:s6], $0x4000  }
0x273: {  	[sflag:s6] =	ssyncset.done $0x0  }
0x274: {  	[sflag:s6] =	ssyncadd.s32 $0xFFFFC000  }
0x275: {  	[spmem:s22] =	stream.linear.scatter [tilespmem:s31], [sflag:$0x3], $0x4000, $0x38;
	[tilespmem:$0x1D900] =	vst v63  }
0x276: {  	_ =	swait.ge [sflag:s6], $0x4000  }
0x277: {  	[sflag:s6] =	ssyncset.done $0x0  }
0x278: {  	s25 =	rddreg [dreg:$0x5];
	[sflag:s6] =	ssyncadd.s32 $0xFFFFC000  }
0x279: {  	[tilespmem:s31], [sflag:$0x3] =	stream.linear.gather [hbm4b:s25+s12], $0x4000, $0x38;
	[tilespmem:$0x1D900] =	vst v63  }
0x27a: {  	_ =	swait.ge [sflag:s6], $0x4000  }
0x27b: {  	[sflag:s6] =	ssyncset.done $0x0  }
0x27c: {  	s4 =	simm.s32 $0x15480;
	[sflag:s6] =	ssyncadd.s32 $0xFFFFC000  }
0x27d: {  	s7 =	simm.s32 $0x18900;
	s5 =	simm.s32 $0x17900;
	[bflag:$0x0] =	sbarrier.arrive $0xFFFF  }
0x27e: {  	s11 =	simm.s32 $0x19100;
	s31 =	simm.s32 $0x15400;
	s30 =	rddreg [dreg:$0x8]  }
0x27f: {  	[tilespmem:s31], [sflag:$0x3] =	stream.linear.gather [hbm4b:s30+s12], $0x80, $0x38;
	[tilespmem:$0x1D900] =	vst v63  }
0x280: {  	s8 =	simm.s32 $0x17100;
	s21 =	simm.s32 $0x0;
	_ =	swait.ge [sflag:s6], $0x80  }
0x281: {  	s18 =	simm.s32 $0x16100;
	s24 =	simm.s32 $0x18100;
	[sflag:s6] =	ssyncset.done $0x0  }
0x282: {  	s22 =	simm.s32 $0x16900;
	s25 =	simm.s32 $0x15900;
	[sflag:s6] =	ssyncadd.s32 $0xFFFFFF80  }
.LBB2_6:
0x283: {  	s2 =	rddreg [dreg:$0x14]  }
0x284: {  	s2 =	sadd.s32 s12, s2  }
0x285: {  	[tilespmem:s4], [sflag:$0x1] =	stream.linear.gather [hbm4b:s2+s21], $0x80, $0x38;
	[tilespmem:$0x1D900] =	vst v63  }
0x286: {  	v0 =	vld [tilespmem:$0x15400]  }
0x287: {  	v1 =	vld [tilespmem:$0x15410]  }
0x288: {  	v2 =	vld [tilespmem:$0x15420]  }
0x289: {  	v3 =	vld [tilespmem:$0x15430]  }
0x28a: {  	v4 =	vld [tilespmem:$0x15440]  }
0x28b: {  	v53 =	vld [tilespmem:$0x15450];
	[tilespmem:$0x15500] =	vst v0  }
0x28c: {  	v54 =	vld [tilespmem:$0x15460];
	[tilespmem:$0x15580] =	vst v1  }
0x28d: {  	v55 =	vld [tilespmem:$0x15470];
	[tilespmem:$0x15600] =	vst v2  }
0x28e: {  	[tilespmem:$0x15680] =	vst v3  }
0x28f: {  	[tilespmem:$0x15700] =	vst v4  }
0x290: {  	[tilespmem:$0x15780] =	vst v53  }
0x291: {  	[tilespmem:$0x15800] =	vst v54  }
0x292: {  	[tilespmem:$0x15880] =	vst v55  }
0x293: {  	[spmem:s3] =	stream.indirect.scatter.add.f32 [tilespmem:s25], [sflag:$0x3], $0x80, s16, s15, $0xb8;
	[tilespmem:$0x1D900] =	vst v63  }
0x294: {  	_ =	swait.ge [sflag:s6], $0x800  }
0x295: {  	[sflag:s6] =	ssyncset.done $0x0  }
0x296: {  	[sflag:s6] =	ssyncadd.s32 $0xFFFFF800  }
0x297: {  	[spmem:s3] =	stream.indirect.scatter.add.f32 [tilespmem:s18], [sflag:$0x3], $0x80, s17, s15, $0xb8;
	[tilespmem:$0x1D900] =	vst v63  }
0x298: {  	_ =	swait.ge [sflag:s6], $0x800  }
0x299: {  	[sflag:s6] =	ssyncset.done $0x0  }
0x29a: {  	[sflag:s6] =	ssyncadd.s32 $0xFFFFF800  }
0x29b: {  	[spmem:s3] =	stream.indirect.scatter.add.f32 [tilespmem:s22], [sflag:$0x3], $0x80, s19, s15, $0xb8;
	[tilespmem:$0x1D900] =	vst v63  }
0x29c: {  	_ =	swait.ge [sflag:s6], $0x800  }
0x29d: {  	[sflag:s6] =	ssyncset.done $0x0  }
0x29e: {  	[sflag:s6] =	ssyncadd.s32 $0xFFFFF800  }
0x29f: {  	[spmem:s3] =	stream.indirect.scatter.add.f32 [tilespmem:s8], [sflag:$0x3], $0x80, s23, s15, $0xb8;
	[tilespmem:$0x1D900] =	vst v63  }
0x2a0: {  	_ =	swait.ge [sflag:s6], $0x800  }
0x2a1: {  	[sflag:s6] =	ssyncset.done $0x0  }
0x2a2: {  	[sflag:s6] =	ssyncadd.s32 $0xFFFFF800  }
0x2a3: {  	[spmem:s3] =	stream.indirect.scatter.add.f32 [tilespmem:s5], [sflag:$0x3], $0x80, s28, s15, $0xb8;
	[tilespmem:$0x1D900] =	vst v63  }
0x2a4: {  	_ =	swait.ge [sflag:s6], $0x800  }
0x2a5: {  	[sflag:s6] =	ssyncset.done $0x0  }
0x2a6: {  	[sflag:s6] =	ssyncadd.s32 $0xFFFFF800  }
0x2a7: {  	[spmem:s3] =	stream.indirect.scatter.add.f32 [tilespmem:s24], [sflag:$0x3], $0x80, s10, s15, $0xb8;
	[tilespmem:$0x1D900] =	vst v63  }
0x2a8: {  	_ =	swait.ge [sflag:s6], $0x800  }
0x2a9: {  	[sflag:s6] =	ssyncset.done $0x0  }
0x2aa: {  	[sflag:s6] =	ssyncadd.s32 $0xFFFFF800  }
0x2ab: {  	[spmem:s3] =	stream.indirect.scatter.add.f32 [tilespmem:s7], [sflag:$0x3], $0x80, s9, s15, $0xb8;
	[tilespmem:$0x1D900] =	vst v63  }
0x2ac: {  	_ =	swait.ge [sflag:s6], $0x800  }
0x2ad: {  	[sflag:s6] =	ssyncset.done $0x0  }
0x2ae: {  	[sflag:s6] =	ssyncadd.s32 $0xFFFFF800  }
0x2af: {  	[spmem:s3] =	stream.indirect.scatter.add.f32 [tilespmem:s11], [sflag:$0x3], $0x80, s26, s15, $0xb8;
	[tilespmem:$0x1D900] =	vst v63  }
0x2b0: {  	_ =	swait.ge [sflag:s6], $0x800  }
0x2b1: {  	[sflag:s6] =	ssyncset.done $0x0  }
0x2b2: {  	[sflag:s6] =	ssyncadd.s32 $0xFFFFF800  }
0x2b3: {  	p0 =	seq.s32 s12, $0x260;
	_ =	swait.ge [sflag:s14], $0x80  }
0x2b4: {  	s20 =	simm.s32 @!p0 $0x0;
	[sflag:s14] =	ssyncset.done $0x0;
	s2 =	rddreg [dreg:$0x13]  }
0x2b5: {  	s30 =	simm.s32 @!p0 $0x15400;
	[sflag:s14] =	ssyncadd.s32 $0xFFFFFF80;
	s2 =	sadd.s32 @!p0 s12, s2  }
0x2b6: {  	[tilespmem:s30], [sflag:$0x2] =	stream.linear.gather @!p0 [hbm4b:s2+s20], $0x80, $0x38;
	[tilespmem:$0x1D900] =	vst v63  }
0x2b7: {  	v56 =	vld [tilespmem:$0x15480]  }
0x2b8: {  	v57 =	vld [tilespmem:$0x15490]  }
0x2b9: {  	v58 =	vld [tilespmem:$0x154A0]  }
0x2ba: {  	v59 =	vld [tilespmem:$0x154B0]  }
0x2bb: {  	v60 =	vld [tilespmem:$0x154C0]  }
0x2bc: {  	v61 =	vld [tilespmem:$0x154D0];
	[tilespmem:$0x15500] =	vst v56  }
0x2bd: {  	v62 =	vld [tilespmem:$0x154E0];
	[tilespmem:$0x15580] =	vst v57  }
0x2be: {  	v63 =	vld [tilespmem:$0x154F0];
	[tilespmem:$0x15600] =	vst v58  }
0x2bf: {  	[tilespmem:$0x15680] =	vst v59  }
0x2c0: {  	[tilespmem:$0x15700] =	vst v60  }
0x2c1: {  	[tilespmem:$0x15780] =	vst v61  }
0x2c2: {  	[tilespmem:$0x15800] =	vst v62  }
0x2c3: {  	[tilespmem:$0x15880] =	vst v63  }
0x2c4: {  	[spmem:s3] =	stream.indirect.scatter.add.f32 [tilespmem:s25], [sflag:$0x3], $0x80, s16, s15, $0xb8;
	[tilespmem:$0x1D900] =	vst v63  }
0x2c5: {  	_ =	swait.ge [sflag:s6], $0x800  }
0x2c6: {  	[sflag:s6] =	ssyncset.done $0x0  }
0x2c7: {  	[sflag:s6] =	ssyncadd.s32 $0xFFFFF800  }
0x2c8: {  	[spmem:s3] =	stream.indirect.scatter.add.f32 [tilespmem:s18], [sflag:$0x3], $0x80, s17, s15, $0xb8;
	[tilespmem:$0x1D900] =	vst v63  }
0x2c9: {  	_ =	swait.ge [sflag:s6], $0x800  }
0x2ca: {  	[sflag:s6] =	ssyncset.done $0x0  }
0x2cb: {  	[sflag:s6] =	ssyncadd.s32 $0xFFFFF800  }
0x2cc: {  	[spmem:s3] =	stream.indirect.scatter.add.f32 [tilespmem:s22], [sflag:$0x3], $0x80, s19, s15, $0xb8;
	[tilespmem:$0x1D900] =	vst v63  }
0x2cd: {  	_ =	swait.ge [sflag:s6], $0x800  }
0x2ce: {  	[sflag:s6] =	ssyncset.done $0x0  }
0x2cf: {  	[sflag:s6] =	ssyncadd.s32 $0xFFFFF800  }
0x2d0: {  	[spmem:s3] =	stream.indirect.scatter.add.f32 [tilespmem:s8], [sflag:$0x3], $0x80, s23, s15, $0xb8;
	[tilespmem:$0x1D900] =	vst v63  }
0x2d1: {  	_ =	swait.ge [sflag:s6], $0x800  }
0x2d2: {  	[sflag:s6] =	ssyncset.done $0x0  }
0x2d3: {  	[sflag:s6] =	ssyncadd.s32 $0xFFFFF800  }
0x2d4: {  	[spmem:s3] =	stream.indirect.scatter.add.f32 [tilespmem:s5], [sflag:$0x3], $0x80, s28, s15, $0xb8;
	[tilespmem:$0x1D900] =	vst v63  }
0x2d5: {  	_ =	swait.ge [sflag:s6], $0x800  }
0x2d6: {  	[sflag:s6] =	ssyncset.done $0x0  }
0x2d7: {  	[sflag:s6] =	ssyncadd.s32 $0xFFFFF800  }
0x2d8: {  	[spmem:s3] =	stream.indirect.scatter.add.f32 [tilespmem:s24], [sflag:$0x3], $0x80, s10, s15, $0xb8;
	[tilespmem:$0x1D900] =	vst v63  }
0x2d9: {  	_ =	swait.ge [sflag:s6], $0x800  }
0x2da: {  	[sflag:s6] =	ssyncset.done $0x0  }
0x2db: {  	[sflag:s6] =	ssyncadd.s32 $0xFFFFF800  }
0x2dc: {  	[spmem:s3] =	stream.indirect.scatter.add.f32 [tilespmem:s7], [sflag:$0x3], $0x80, s9, s15, $0xb8;
	[tilespmem:$0x1D900] =	vst v63  }
0x2dd: {  	_ =	swait.ge [sflag:s6], $0x800  }
0x2de: {  	[sflag:s6] =	ssyncset.done $0x0  }
.Ltmp4:
0x2df: {  	[sflag:s6] =	ssyncadd.s32 $0xFFFFF800;
	(pc) =	sbr.rel @p0 .LBB2_8-.Ltmp4, $4  }
0x2e0: {  	[spmem:s3] =	stream.indirect.scatter.add.f32 [tilespmem:s11], [sflag:$0x3], $0x80, s26, s15, $0xb8;
	[tilespmem:$0x1D900] =	vst v63  }
0x2e1: {  	_ =	swait.ge [sflag:s6], $0x800  }
0x2e2: {  	[sflag:s6] =	ssyncset.done $0x0  }
0x2e3: {  	[sflag:s6] =	ssyncadd.s32 $0xFFFFF800  }
.Ltmp5:
0x2e4: {  	(pc) =	sbr.rel .LBB2_6-.Ltmp5, $4  }
0x2e5: {  	_ = 	snop  }
0x2e6: {  	_ =	swait.ge [sflag:s29], $0x80  }
0x2e7: {  	[sflag:s29] =	ssyncset.done $0x0  }
0x2e8: {  	s12 =	sadd.s32 $0x20, s12;
	[sflag:s29] =	ssyncadd.s32 $0xFFFFFF80  }
.LBB2_9:
0x2e9: {  	_ =	sfence.sel $0x180000  }
0x2ea: {  	[bflag:$0x0] =	sbarrier.arrive $0xFFFF  }
0x2eb: {  	_ =	strace $0x90000047  }
0x2ec: {  	s0 =	stileid.u32;
	[bflag:$0x2] =	sbarrier.arrive $0xFFFF  }
0x2ed: {  	p0 =	sne.s32 s0, $0x0;
	s0 =	rddreg [dreg:$0x3]  }
0x2ee: {  	s0 =	sadd.s32 @!p0 $0x100000, s0  }
0x2ef: {  	[sflag:s0] =	ssyncadd.tile.s32 @!p0 $0x1;
	_ =	shalt  }
.Lfunc_end2:
_tile_overlayer_lowered:
.L_overlay_start_2:
0x2f0: {  	(tag) =	ssettag $0x2  }
0x2f1: {  	s0 =	rddreg [dreg:$0x0];
	s2 =	stileid.u32  }
0x2f2: {  	s1 =	rddreg [dreg:$0x1];
	p0 =	sne.s32 s2, $0x0  }
0x2f3: {  	s3 =	rddreg [dreg:$0x2];
	[bflag:$0x3] =	sbarrier.arrive $0xFFFF;
	s2 =	simm.s32 @!p0 $0x1C03  }
0x2f4: {  	[timem:s3], [sflag:s2] =	dma.local @!p0 [hbm:s0], s1  }
0x2f5: {  	s0 =	simm.s32 @!p0 $0x3  }
0x2f6: {  	_ =	swait.ge @!p0 [sflag:s0], s1  }
0x2f7: {  	s1 =	ssub.s32 @!p0 $0x0, s1;
	[sflag:s0] =	ssyncset.done @!p0 $0x0  }
0x2f8: {  	[sflag:s0] =	ssyncadd.s32 @!p0 s1  }
0x2f9: {  	[bflag:$0x3] =	sbarrier.arrive $0xFFFF  }
0x2fa: {  	_ =	shalt  }

</sc_bundles>
